<compile_context>
chip_gen: v7x
topology: tpu7x:2x2x1
jax: 0.10.2.dev20260603
libtpu: 0.0.44.dev20260713+nightly
codegen_flags: <defaults>
</compile_context>

<pallas_src>
import functools

import jax
import jax.numpy as jnp
from jax import lax
from jax.experimental import pallas as pl
from jax.experimental.pallas import tpu as pltpu
from jax.experimental.pallas import tpu_sc as plsc

_NC, _NS = 2, 16
_SCCH = 80
_DEPTH = 3


def _sc_mesh():
    return plsc.VectorSubcoreMesh(core_axis_name="c", subcore_axis_name="s",
                                  num_cores=_NC, num_subcores=_NS)


@functools.lru_cache(maxsize=None)
def _make_scatter_add(n_edges: int, n_nodes: int, h: int,
                      dst_off: int = 0, init_acc: bool = False):
    hh = h // 2
    ept = n_edges // _NS
    scch = _SCCH if ept % _SCCH == 0 else _SCCH // 2
    chunks = ept // scch
    assert ept % scch == 0 and chunks >= 3
    stripe = 1000
    n_stripes = n_nodes // stripe

    @functools.partial(
        pl.kernel,
        out_type=jax.ShapeDtypeStruct((n_nodes, h), jnp.float32),
        mesh=_sc_mesh(),
        scratch_types=[
            pltpu.VMEM((ept,), jnp.int32),
            pltpu.VMEM((scch, hh), jnp.float32),
            pltpu.VMEM((scch, hh), jnp.float32),
            pltpu.VMEM_SHARED((n_nodes, hh), jnp.float32),
            pltpu.SemaphoreType.DMA,
            pltpu.SemaphoreType.DMA,
            pltpu.SemaphoreType.DMA,
            pltpu.SemaphoreType.DMA,
        ],
    )
    def scatter_kernel(msg_h, dst_h, init_h, out_h, idx_v, buf_v, buf_w,
                       acc_sh, l0, l1, s0, s1):
        c = lax.axis_index("c")
        t = lax.axis_index("s")

        @pl.when(t < n_stripes)
        def _():
            if init_acc:
                pltpu.sync_copy(
                    init_h.at[pl.ds(t * stripe, stripe), pl.ds(c * hh, hh)],
                    acc_sh.at[pl.ds(t * stripe, stripe)])
            else:
                pltpu.sync_copy(init_h, acc_sh.at[pl.ds(t * stripe, stripe)])

        pltpu.sync_copy(dst_h.at[pl.ds(dst_off + t * ept, ept)], idx_v)
        plsc.subcore_barrier()

        bufs = ((buf_v, l0, s0), (buf_w, l1, s1))

        def eslice(j):
            return (pl.ds(t * ept + j * scch, scch), pl.ds(c * hh, hh))

        def a_load(j, buf, sem):
            pltpu.async_copy(msg_h.at[eslice(j)], buf, sem)

        def a_load_wait(j, buf, sem):
            pltpu.make_async_copy(msg_h.at[eslice(j)], buf, sem).wait()

        def a_scat(j, buf, sem):
            pltpu.async_copy(buf, acc_sh.at[idx_v.at[pl.ds(j * scch, scch)]],
                             sem, add=True)

        def a_scat_wait(j, buf, sem):
            pltpu.make_async_copy(
                buf, acc_sh.at[idx_v.at[pl.ds(j * scch, scch)]], sem).wait()

        def a_step(j, b):
            buf, lsem, ssem = bufs[b]
            nbuf, nlsem, nssem = bufs[1 - b]

            @pl.when(j >= 1)
            def _():
                a_scat_wait(j - 1, nbuf, nssem)

            @pl.when(j + 1 < chunks)
            def _():
                a_load(j + 1, nbuf, nlsem)

            a_load_wait(j, buf, lsem)
            a_scat(j, buf, ssem)

        a_load(0, buf_v, l0)

        def a_outer(i, carry):
            a_step(i * 2, 0)
            a_step(i * 2 + 1, 1)
            return carry

        lax.fori_loop(0, chunks // 2, a_outer, 0)
        if chunks % 2:
            a_scat_wait(chunks - 2, buf_w, s1)
            a_load_wait(chunks - 1, buf_v, l0)
            a_scat(chunks - 1, buf_v, s0)
            a_scat_wait(chunks - 1, buf_v, s0)
        else:
            a_scat_wait(chunks - 1, buf_w, s1)
        plsc.subcore_barrier()

        @pl.when(t < n_stripes)
        def _():
            pltpu.sync_copy(
                acc_sh.at[pl.ds(t * stripe, stripe)],
                out_h.at[pl.ds(t * stripe, stripe), pl.ds(c * hh, hh)])

    return scatter_kernel


@functools.lru_cache(maxsize=None)
def _make_mp_step(scat_edges: int, gath_edges: int, n_nodes: int, h: int,
                  dst_off: int = 0, init_acc: bool = False):
    hh = h // 2
    sept = scat_edges // _NS
    scch = _SCCH if sept % _SCCH == 0 else _SCCH // 2
    schunks = sept // scch
    assert sept % scch == 0 and schunks >= 3
    gept = gath_edges // _NS
    gchunks = gept // _SCCH
    assert gept % _SCCH == 0 and gchunks >= 3
    stripe = 1000
    n_stripes = n_nodes // stripe

    shared_bufs = scch == _SCCH
    scratch = [
        pltpu.VMEM((sept,), jnp.int32),
        pltpu.VMEM((gept,), jnp.int32),
        pltpu.VMEM((scch, hh), jnp.float32),
        pltpu.VMEM((scch, hh), jnp.float32),
    ]
    if not shared_bufs:
        scratch += [pltpu.VMEM((_SCCH, hh), jnp.float32),
                    pltpu.VMEM((_SCCH, hh), jnp.float32)]
    scratch += [
        pltpu.VMEM_SHARED((n_nodes, hh), jnp.float32),
        pltpu.SemaphoreType.DMA,
        pltpu.SemaphoreType.DMA,
        pltpu.SemaphoreType.DMA,
        pltpu.SemaphoreType.DMA,
    ]

    @functools.partial(
        pl.kernel,
        out_type=jax.ShapeDtypeStruct((gath_edges, h), jnp.float32),
        mesh=_sc_mesh(),
        scratch_types=scratch,
    )
    def mp_kernel(msg_h, dst_h, src_h, init_h, g_h,
                  dst_v, src_v, sb0, sb1, *rest):
        if shared_bufs:
            gb0, gb1 = sb0, sb1
            acc_sh, l0, l1, s0, s1 = rest
        else:
            gb0, gb1, acc_sh, l0, l1, s0, s1 = rest
        c = lax.axis_index("c")
        t = lax.axis_index("s")

        @pl.when(t < n_stripes)
        def _():
            if init_acc:
                pltpu.sync_copy(
                    init_h.at[pl.ds(t * stripe, stripe), pl.ds(c * hh, hh)],
                    acc_sh.at[pl.ds(t * stripe, stripe)])
            else:
                pltpu.sync_copy(init_h, acc_sh.at[pl.ds(t * stripe, stripe)])

        pltpu.sync_copy(dst_h.at[pl.ds(dst_off + t * sept, sept)], dst_v)
        pltpu.sync_copy(src_h.at[pl.ds(t * gept, gept)], src_v)
        plsc.subcore_barrier()

        sbufs = ((sb0, l0, s0), (sb1, l1, s1))

        def sslice(j):
            return (pl.ds(t * sept + j * scch, scch), pl.ds(c * hh, hh))

        def a_load(j, buf, sem):
            pltpu.async_copy(msg_h.at[sslice(j)], buf, sem)

        def a_load_wait(j, buf, sem):
            pltpu.make_async_copy(msg_h.at[sslice(j)], buf, sem).wait()

        def a_scat(j, buf, sem):
            pltpu.async_copy(buf, acc_sh.at[dst_v.at[pl.ds(j * scch, scch)]],
                             sem, add=True)

        def a_scat_wait(j, buf, sem):
            pltpu.make_async_copy(
                buf, acc_sh.at[dst_v.at[pl.ds(j * scch, scch)]], sem).wait()

        def a_step(j, b):
            buf, lsem, ssem = sbufs[b]
            nbuf, nlsem, nssem = sbufs[1 - b]

            @pl.when(j >= 1)
            def _():
                a_scat_wait(j - 1, nbuf, nssem)

            @pl.when(j + 1 < schunks)
            def _():
                a_load(j + 1, nbuf, nlsem)

            a_load_wait(j, buf, lsem)
            a_scat(j, buf, ssem)

        a_load(0, sb0, l0)

        def a_outer(i, carry):
            a_step(i * 2, 0)
            a_step(i * 2 + 1, 1)
            return carry

        lax.fori_loop(0, schunks // 2, a_outer, 0)
        if schunks % 2:
            a_scat_wait(schunks - 2, sb1, s1)
            a_load_wait(schunks - 1, sb0, l0)
            a_scat(schunks - 1, sb0, s0)
            a_scat_wait(schunks - 1, sb0, s0)
        else:
            a_scat_wait(schunks - 1, sb1, s1)
        plsc.subcore_barrier()

        gbufs = ((gb0, l0, s0), (gb1, l1, s1))

        def gslice(j):
            return (pl.ds(t * gept + j * _SCCH, _SCCH), pl.ds(c * hh, hh))

        def b_gat(j, buf, sem):
            pltpu.async_copy(acc_sh.at[src_v.at[pl.ds(j * _SCCH, _SCCH)]],
                             buf, sem)

        def b_gat_wait(j, buf, sem):
            pltpu.make_async_copy(
                acc_sh.at[src_v.at[pl.ds(j * _SCCH, _SCCH)]], buf, sem).wait()

        def b_out(j, buf, sem):
            pltpu.async_copy(buf, g_h.at[gslice(j)], sem)

        def b_out_wait(j, buf, sem):
            pltpu.make_async_copy(buf, g_h.at[gslice(j)], sem).wait()

        def b_step(j, b):
            buf, gsem, osem = gbufs[b]
            nbuf, ngsem, nosem = gbufs[1 - b]

            @pl.when(j >= 1)
            def _():
                b_out_wait(j - 1, nbuf, nosem)

            @pl.when(j + 1 < gchunks)
            def _():
                b_gat(j + 1, nbuf, ngsem)

            b_gat_wait(j, buf, gsem)
            b_out(j, buf, osem)

        b_gat(0, gb0, l0)

        def b_outer(i, carry):
            b_step(i * 2, 0)
            b_step(i * 2 + 1, 1)
            return carry

        lax.fori_loop(0, gchunks // 2, b_outer, 0)
        if gchunks % 2:
            b_out_wait(gchunks - 2, gb1, s1)
            b_gat_wait(gchunks - 1, gb0, l0)
            b_out(gchunks - 1, gb0, s0)
            b_out_wait(gchunks - 1, gb0, s0)
        else:
            b_out_wait(gchunks - 1, gb1, s1)

    return mp_kernel


def _dotT(xt, w):
    return lax.dot_general(xt, w, dimension_numbers=(((0,), (0,)), ((), ())),
                           preferred_element_type=jnp.float32)


def _mm_body(xt_ref, w_ref, o_ref):
    o_ref[...] = _dotT(xt_ref[...], w_ref[...]).astype(jnp.bfloat16)


def _mm_relu_body(xt_ref, w_ref, o_ref):
    o_ref[...] = jnp.maximum(_dotT(xt_ref[...], w_ref[...]), 0.0)


def _matmul(fbT, w_i, bm, relu):
    k, e = fbT.shape
    _, h = w_i.shape
    return pl.pallas_call(
        _mm_relu_body if relu else _mm_body,
        grid=(e // bm,),
        in_specs=[pl.BlockSpec((k, bm), lambda i: (0, i)),
                  pl.BlockSpec((k, h), lambda i: (0, 0))],
        out_specs=pl.BlockSpec((bm, h), lambda i: (i, 0)),
        out_shape=jax.ShapeDtypeStruct(
            (e, h), jnp.float32 if relu else jnp.bfloat16),
    )(fbT, w_i)


def _fused_iter_body(msg_ref, inp_ref, g_ref, wh_ref, o_ref):
    m = msg_ref[...]
    up = jnp.roll(m, -1, axis=0)
    dn = jnp.roll(m, 1, axis=0)
    parity = lax.broadcasted_iota(jnp.int32, m.shape, 0) % 2
    m_swapped = jnp.where(parity == 0, up, dn)
    p = jnp.dot(g_ref[...] - m_swapped, wh_ref[...],
                preferred_element_type=jnp.float32)
    o_ref[...] = jnp.maximum(inp_ref[...].astype(jnp.float32) + p, 0.0)


def _fused_iter(msg, inp, g, w_h, bm, part, e_a, e_b=None):
    e_out = e_a if part == 0 else e_b
    e_msg, h = msg.shape
    goff = part * (e_a // bm)
    off = goff if e_msg != e_out else 0
    return pl.pallas_call(
        _fused_iter_body,
        grid=(e_out // bm,),
        in_specs=[pl.BlockSpec((bm, h), lambda i: (i + off, 0)),
                  pl.BlockSpec((bm, h), lambda i: (i + goff, 0)),
                  pl.BlockSpec((bm, h), lambda i: (i + goff, 0)),
                  pl.BlockSpec((h, h), lambda i: (0, 0))],
        out_specs=pl.BlockSpec((bm, h), lambda i: (i, 0)),
        out_shape=jax.ShapeDtypeStruct((e_out, h), jnp.float32),
    )(msg, inp, g, w_h)


def _final_body(fa_ref, am_ref, w1_ref, w2_ref, b_ref, o_ref):
    acc = jnp.dot(fa_ref[...], w1_ref[...], preferred_element_type=jnp.float32)
    acc += jnp.dot(am_ref[...], w2_ref[...], preferred_element_type=jnp.float32)
    o_ref[...] = jnp.maximum(acc + b_ref[...], 0.0)


def _final_atoms(f_atoms, a_msg, w_o1, w_o2, b_o, bm):
    n, ka = f_atoms.shape
    _, h = w_o1.shape
    return pl.pallas_call(
        _final_body,
        grid=(n // bm,),
        in_specs=[pl.BlockSpec((bm, ka), lambda i: (i, 0)),
                  pl.BlockSpec((bm, h), lambda i: (i, 0)),
                  pl.BlockSpec((ka, h), lambda i: (0, 0)),
                  pl.BlockSpec((h, h), lambda i: (0, 0)),
                  pl.BlockSpec((1, h), lambda i: (0, 0))],
        out_specs=pl.BlockSpec((bm, h), lambda i: (i, 0)),
        out_shape=jax.ShapeDtypeStruct((n, h), jnp.float32),
    )(f_atoms, a_msg, w_o1, w_o2, b_o)


def _sys_body(s_ref, w_ref, b_ref, o_ref):
    o_ref[...] = jnp.dot(s_ref[...], w_ref[...],
                         preferred_element_type=jnp.float32) + b_ref[...]


def _sys_emb(sysf, w_s, b_s):
    b, k = sysf.shape
    _, h = w_s.shape
    return pl.pallas_call(
        _sys_body,
        in_specs=[pl.BlockSpec((b, k), lambda: (0, 0)),
                  pl.BlockSpec((k, h), lambda: (0, 0)),
                  pl.BlockSpec((1, h), lambda: (0, 0))],
        out_specs=pl.BlockSpec((b, h), lambda: (0, 0)),
        out_shape=jax.ShapeDtypeStruct((b, h), jnp.float32),
    )(sysf, w_s, b_s)


def kernel(f_atoms, f_bonds, edge_index, sysf, W_i, W_h, W_o, b_o, W_s, b_s, pad_token):
    n, atom_f = f_atoms.shape
    e = f_bonds.shape[0]
    h = W_i.shape[1]
    b = sysf.shape[0]
    s = n // b

    src = edge_index[0]
    dst = edge_index[1]
    zeros = jnp.zeros((1000, h // 2), jnp.float32)
    ea = 96000 * e // 160000
    eb = e - ea

    mp_full = _make_mp_step(e, e, n, h)
    scat_a = _make_scatter_add(ea, n, h, dst_off=0, init_acc=False)
    mp_b = _make_mp_step(eb, e, n, h, dst_off=ea, init_acc=True)
    scat_b = _make_scatter_add(eb, n, h, dst_off=ea, init_acc=True)

    fbT = f_bonds.T
    msg = _matmul(fbT, W_i, bm=3200, relu=True)
    inp = _matmul(fbT, W_i, bm=3200, relu=False)

    g = mp_full(msg, dst, src, zeros)
    m1 = _fused_iter(msg, inp, g, W_h, 1600, 0, ea)
    m2 = _fused_iter(msg, inp, g, W_h, 1600, 1, ea, eb)
    accp = scat_a(m1, dst, zeros)
    g = mp_b(m2, dst, src, accp)
    m1 = _fused_iter(m1, inp, g, W_h, 1600, 0, ea)
    m2 = _fused_iter(m2, inp, g, W_h, 1600, 1, ea, eb)
    accp = scat_a(m1, dst, zeros)
    a_msg = scat_b(m2, dst, accp)

    atoms = _final_atoms(f_atoms, a_msg, W_o[:atom_f], W_o[atom_f:],
                         b_o[None, :], bm=1000)
    sys_out = _sys_emb(sysf, W_s, b_s[None, :])
    return (sys_out[:, None, :], atoms.reshape(b, s, h))

# --- scband reference (transcript-rebuilt; emitter-appended) ---
"""Pipeline reference for scband-rankformer-gnnembedding-42159398978175 (READ-ONLY COPY).

The authoritative reference and input builder live on the scoring server;
editing this copy changes nothing except your own understanding.
"""

import jax, jax.numpy as jnp
import numpy as np

N = 10000
E = 160000
B = 250
S = 40
H = 256
ATOM_F = 133
BOND_F = 147
NSYSF = 12
DEPTH = 3


def setup_inputs(seed: int = 0) -> dict:
    key = jax.random.key(seed)
    ks = jax.random.split(key, 12)
    f_atoms = jax.random.normal(ks[0], (N, ATOM_F), dtype=jnp.float32)
    # reverse-paired directed edges: edge 2j and 2j+1 are reverses of each other
    src_half = jax.random.randint(ks[1], (E // 2,), 0, N)
    dst_half = jax.random.randint(ks[2], (E // 2,), 0, N)
    src = jnp.stack([src_half, dst_half], axis=1).reshape(-1)
    dst = jnp.stack([dst_half, src_half], axis=1).reshape(-1)
    edge_index = jnp.stack([src, dst]).astype(jnp.int32)
    f_bonds = jax.random.normal(ks[3], (E, BOND_F), dtype=jnp.float32)
    sysf = jax.random.normal(ks[4], (B, NSYSF), dtype=jnp.float32)
    # learned parameters (D-MPNN encoder + sysf linear + pad token)
    W_i = jax.random.normal(ks[5], (BOND_F, H), dtype=jnp.float32) * 0.05
    W_h = jax.random.normal(ks[6], (H, H), dtype=jnp.float32) * 0.05
    W_o = jax.random.normal(ks[7], (ATOM_F + H, H), dtype=jnp.float32) * 0.05
    b_o = jnp.zeros((H,), dtype=jnp.float32)
    W_s = jax.random.normal(ks[8], (NSYSF, H), dtype=jnp.float32) * 0.05
    b_s = jnp.zeros((H,), dtype=jnp.float32)
    pad_token = jax.random.uniform(ks[9], (1, H), dtype=jnp.float32)
    return {"f_atoms": f_atoms, "f_bonds": f_bonds, "edge_index": edge_index,
            "sysf": sysf, "W_i": W_i, "W_h": W_h, "W_o": W_o, "b_o": b_o,
            "W_s": W_s, "b_s": b_s, "pad_token": pad_token}


def reference(f_atoms, f_bonds, edge_index, sysf, W_i, W_h, W_o, b_o, W_s, b_s, pad_token):
    src = edge_index[0]
    dst = edge_index[1]
    rev = jnp.arange(E) ^ 1  # reverse-bond index (paired storage)
    # D-MPNN directed-edge message passing (chemprop MPNEncoder)
    inp = f_bonds @ W_i
    message = jax.nn.relu(inp)
    for _ in range(DEPTH - 1):
        a_message = jnp.zeros((N, H), dtype=message.dtype).at[dst].add(message)
        message = a_message[src] - message[rev]
        message = jax.nn.relu(inp + message @ W_h)
    a_message = jnp.zeros((N, H), dtype=message.dtype).at[dst].add(message)
    a_input = jnp.concatenate([f_atoms, a_message], axis=1)
    atom_hiddens = jax.nn.relu(a_input @ W_o + b_o)
    # per-molecule scopes: B molecules of S atoms each; pad_len == S so no pad tokens appended
    graphs_emb = atom_hiddens[: B * S].reshape(B, S, H)
    # sysf embedding (multiple_sys_tokens=False): Linear(nsysf, ninp) then stack dim=1
    sysf_emb = (sysf @ W_s + b_s)[:, None, :]
    return (sysf_emb, graphs_emb)

if __name__ == "__main__":
    import jax
    _d = setup_inputs()
    print(jax.jit(kernel)(*tuple(_d.values())))

</pallas_src>

<mosaic_0001>
#map = affine_map<(d0, d1) -> (0, 0)>
#map1 = affine_map<(d0, d1) -> (0)>
module attributes {stable_mosaic.version = 14 : i64} {
  func.func @scatter_kernel(%arg0: i32, %arg1: i32, %arg2: memref<96000x256xf32, #tpu.memory_space<hbm>>, %arg3: memref<160000xi32, #tpu.memory_space<hbm>>, %arg4: memref<1000x128xf32, #tpu.memory_space<hbm>>, %arg5: memref<10000x256xf32, #tpu.memory_space<hbm>>, %arg6: memref<6000xi32, #tpu.memory_space<vmem>>, %arg7: memref<80x128xf32, #tpu.memory_space<vmem>>, %arg8: memref<80x128xf32, #tpu.memory_space<vmem>>, %arg9: memref<10000x128xf32, #tpu.memory_space<vmem_shared>>, %arg10: memref<!tpu.dma_semaphore, #tpu.memory_space<semaphore_mem>>, %arg11: memref<!tpu.dma_semaphore, #tpu.memory_space<semaphore_mem>>, %arg12: memref<!tpu.dma_semaphore, #tpu.memory_space<semaphore_mem>>, %arg13: memref<!tpu.dma_semaphore, #tpu.memory_space<semaphore_mem>>) attributes {dimension_semantics = [#tpu.dimension_semantics<core_parallel>, #tpu.dimension_semantics<subcore_parallel>], iteration_bounds = array<i64: 2, 16>, scalar_prefetch = 0 : i64, scratch_operands = 8 : i64, tpu.core_type = #tpu.core_type<sc_vector_subcore>, window_params = [{transform_indices = #map}, {transform_indices = #map1}, {transform_indices = #map}, {transform_indices = #map}]} {
    %lt3A = arith.constant 10 : i32
    %lt3A_0 = arith.cmpi slt, %arg1, %lt3A : i32
    %convert_element_type3A = arith.extui %lt3A_0 : i1 to i32
    %cond3A = arith.constant 0 : i32
    %cond3A_1 = arith.cmpi ne, %convert_element_type3A, %cond3A : i32
    scf.if %cond3A_1 {
      %mul3A_44 = arith.constant 1000 : i32
      %mul3A_45 = arith.muli %arg1, %mul3A_44 : i32
      "tpu.region"() ({
        %run_scoped3A = tpu.sem_alloc : memref<!tpu.dma_semaphore, #tpu.memory_space<semaphore_mem>>
        %dma_start3A_46 = arith.constant 0 : i32
        %dma_start3A_47 = tpu.memref_slice %arg9[%mul3A_45, %dma_start3A_46] : memref<10000x128xf32, #tpu.memory_space<vmem_shared>> -> memref<1000x128xf32, #tpu.memory_space<vmem_shared>>
        tpu.enqueue_dma source(%arg4 : memref<1000x128xf32, #tpu.memory_space<hbm>>) target(%dma_start3A_47 : memref<1000x128xf32, #tpu.memory_space<vmem_shared>>) target_semaphore(%run_scoped3A : memref<!tpu.dma_semaphore, #tpu.memory_space<semaphore_mem>>)
        %dma_wait3A_48 = arith.constant 0 : i32
        %dma_wait3A_49 = tpu.memref_slice %arg9[%mul3A_45, %dma_wait3A_48] : memref<10000x128xf32, #tpu.memory_space<vmem_shared>> -> memref<1000x128xf32, #tpu.memory_space<vmem_shared>>
        tpu.wait_dma2 semaphore(%run_scoped3A : memref<!tpu.dma_semaphore, #tpu.memory_space<semaphore_mem>>) src(%arg4 : memref<1000x128xf32, #tpu.memory_space<hbm>>) dst(%dma_wait3A_49 : memref<1000x128xf32, #tpu.memory_space<vmem_shared>>)
        tpu.yield
      }) : () -> ()
    } else {
    }
    %mul3A = arith.constant 6000 : i32
    %mul3A_2 = arith.muli %arg1, %mul3A : i32
    %add3A = arith.constant 0 : i32
    %add3A_3 = arith.addi %add3A, %mul3A_2 : i32
    "tpu.region"() ({
      %run_scoped3A = tpu.sem_alloc : memref<!tpu.dma_semaphore, #tpu.memory_space<semaphore_mem>>
      %dma_start3A_44 = tpu.memref_slice %arg3[%add3A_3] : memref<160000xi32, #tpu.memory_space<hbm>> -> memref<6000xi32, #tpu.memory_space<hbm>>
      %dma_start3A_45 = tpu.memref_slice %arg3[%add3A_3] : memref<160000xi32, #tpu.memory_space<hbm>> -> memref<6000xi32, #tpu.memory_space<hbm>>
      tpu.enqueue_dma source(%dma_start3A_45 : memref<6000xi32, #tpu.memory_space<hbm>>) target(%arg6 : memref<6000xi32, #tpu.memory_space<vmem>>) target_semaphore(%run_scoped3A : memref<!tpu.dma_semaphore, #tpu.memory_space<semaphore_mem>>)
      %dma_wait3A_46 = tpu.memref_slice %arg3[%add3A_3] : memref<160000xi32, #tpu.memory_space<hbm>> -> memref<6000xi32, #tpu.memory_space<hbm>>
      %dma_wait3A_47 = tpu.memref_slice %arg3[%add3A_3] : memref<160000xi32, #tpu.memory_space<hbm>> -> memref<6000xi32, #tpu.memory_space<hbm>>
      tpu.wait_dma2 semaphore(%run_scoped3A : memref<!tpu.dma_semaphore, #tpu.memory_space<semaphore_mem>>) src(%dma_wait3A_47 : memref<6000xi32, #tpu.memory_space<hbm>>) dst(%arg6 : memref<6000xi32, #tpu.memory_space<vmem>>)
      tpu.yield
    }) : () -> ()
    %barrier3A = arith.constant 0 : index
    tpu.barrier barrier_id(%barrier3A)
    %mul3A_4 = arith.constant 6000 : i32
    %mul3A_5 = arith.muli %arg1, %mul3A_4 : i32
    %add3A_6 = arith.constant 0 : i32
    %add3A_7 = arith.addi %mul3A_5, %add3A_6 : i32
    %mul3A_8 = arith.constant 128 : i32
    %mul3A_9 = arith.muli %arg0, %mul3A_8 : i32
    %dma_start3A = tpu.memref_slice %arg2[%add3A_7, %mul3A_9] : memref<96000x256xf32, #tpu.memory_space<hbm>> -> memref<80x128xf32, #tpu.memory_space<hbm>>
    %dma_start3A_10 = tpu.memref_slice %arg2[%add3A_7, %mul3A_9] : memref<96000x256xf32, #tpu.memory_space<hbm>> -> memref<80x128xf32, #tpu.memory_space<hbm>>
    tpu.enqueue_dma source(%dma_start3A_10 : memref<80x128xf32, #tpu.memory_space<hbm>>) target(%arg7 : memref<80x128xf32, #tpu.memory_space<vmem>>) target_semaphore(%arg10 : memref<!tpu.dma_semaphore, #tpu.memory_space<semaphore_mem>>)
    %scan3A = arith.constant 0 : i32
    %scan3A_11 = arith.constant 0 : i32
    %scan3A_12 = arith.constant 37 : i32
    %scan3A_13 = arith.addi %scan3A_11, %scan3A_12 : i32
    %scan3A_14 = arith.constant 1 : i32
    scf.for %scan3A_44 = %scan3A_11 to %scan3A_13 step %scan3A_14  : i32 {
      %mul3A_45 = arith.constant 2 : i32
      %mul3A_46 = arith.muli %scan3A_44, %mul3A_45 : i32
      %ge3A = arith.constant 1 : i32
      %ge3A_47 = arith.cmpi sge, %mul3A_46, %ge3A : i32
      %convert_element_type3A_48 = arith.extui %ge3A_47 : i1 to i32
      %cond3A_49 = arith.constant 0 : i32
      %cond3A_50 = arith.cmpi ne, %convert_element_type3A_48, %cond3A_49 : i32
      scf.if %cond3A_50 {
        %sub3A = arith.constant 1 : i32
        %sub3A_104 = arith.subi %mul3A_46, %sub3A : i32
        %mul3A_105 = arith.constant 80 : i32
        %mul3A_106 = arith.muli %sub3A_104, %mul3A_105 : i32
        %dma_wait3A_107 = tpu.memref_slice %arg6[%mul3A_106] : memref<6000xi32, #tpu.memory_space<vmem>> -> memref<80xi32, #tpu.memory_space<vmem>>
        %dma_wait3A_108 = arith.constant 0 : i32
        %dma_wait3A_109 = arith.constant 0 : i32
        %dma_wait3A_110 = tpu.memref_slice %arg9[%dma_wait3A_108, %dma_wait3A_109] : memref<10000x128xf32, #tpu.memory_space<vmem_shared>> -> memref<10000x128xf32, #tpu.memory_space<vmem_shared>>
        tpu.wait_indirect_dma semaphore(%arg13 : memref<!tpu.dma_semaphore, #tpu.memory_space<semaphore_mem>>) src(%arg8 : memref<80x128xf32, #tpu.memory_space<vmem>>) dst(%dma_wait3A_110 : memref<10000x128xf32, #tpu.memory_space<vmem_shared>>)
      } else {
      }
      %add3A_51 = arith.constant 1 : i32
      %add3A_52 = arith.addi %mul3A_46, %add3A_51 : i32
      %lt3A_53 = arith.constant 75 : i32
      %lt3A_54 = arith.cmpi slt, %add3A_52, %lt3A_53 : i32
      %convert_element_type3A_55 = arith.extui %lt3A_54 : i1 to i32
      %cond3A_56 = arith.constant 0 : i32
      %cond3A_57 = arith.cmpi ne, %convert_element_type3A_55, %cond3A_56 : i32
      scf.if %cond3A_57 {
        %add3A_104 = arith.constant 1 : i32
        %add3A_105 = arith.addi %mul3A_46, %add3A_104 : i32
        %mul3A_106 = arith.constant 6000 : i32
        %mul3A_107 = arith.muli %arg1, %mul3A_106 : i32
        %mul3A_108 = arith.constant 80 : i32
        %mul3A_109 = arith.muli %add3A_105, %mul3A_108 : i32
        %add3A_110 = arith.addi %mul3A_107, %mul3A_109 : i32
        %mul3A_111 = arith.constant 128 : i32
        %mul3A_112 = arith.muli %arg0, %mul3A_111 : i32
        %dma_start3A_113 = tpu.memref_slice %arg2[%add3A_110, %mul3A_112] : memref<96000x256xf32, #tpu.memory_space<hbm>> -> memref<80x128xf32, #tpu.memory_space<hbm>>
        %dma_start3A_114 = tpu.memref_slice %arg2[%add3A_110, %mul3A_112] : memref<96000x256xf32, #tpu.memory_space<hbm>> -> memref<80x128xf32, #tpu.memory_space<hbm>>
        tpu.enqueue_dma source(%dma_start3A_114 : memref<80x128xf32, #tpu.memory_space<hbm>>) target(%arg8 : memref<80x128xf32, #tpu.memory_space<vmem>>) target_semaphore(%arg11 : memref<!tpu.dma_semaphore, #tpu.memory_space<semaphore_mem>>)
      } else {
      }
      %mul3A_58 = arith.constant 6000 : i32
      %mul3A_59 = arith.muli %arg1, %mul3A_58 : i32
      %mul3A_60 = arith.constant 80 : i32
      %mul3A_61 = arith.muli %mul3A_46, %mul3A_60 : i32
      %add3A_62 = arith.addi %mul3A_59, %mul3A_61 : i32
      %mul3A_63 = arith.constant 128 : i32
      %mul3A_64 = arith.muli %arg0, %mul3A_63 : i32
      %dma_wait3A_65 = tpu.memref_slice %arg2[%add3A_62, %mul3A_64] : memref<96000x256xf32, #tpu.memory_space<hbm>> -> memref<80x128xf32, #tpu.memory_space<hbm>>
      %dma_wait3A_66 = tpu.memref_slice %arg2[%add3A_62, %mul3A_64] : memref<96000x256xf32, #tpu.memory_space<hbm>> -> memref<80x128xf32, #tpu.memory_space<hbm>>
      tpu.wait_dma2 semaphore(%arg10 : memref<!tpu.dma_semaphore, #tpu.memory_space<semaphore_mem>>) src(%dma_wait3A_66 : memref<80x128xf32, #tpu.memory_space<hbm>>) dst(%arg7 : memref<80x128xf32, #tpu.memory_space<vmem>>)
      %mul3A_67 = arith.constant 80 : i32
      %mul3A_68 = arith.muli %mul3A_46, %mul3A_67 : i32
      %dma_start3A_69 = tpu.memref_slice %arg6[%mul3A_68] : memref<6000xi32, #tpu.memory_space<vmem>> -> memref<80xi32, #tpu.memory_space<vmem>>
      %dma_start3A_70 = arith.constant 0 : i32
      %dma_start3A_71 = arith.constant 0 : i32
      %dma_start3A_72 = tpu.memref_slice %arg9[%dma_start3A_70, %dma_start3A_71] : memref<10000x128xf32, #tpu.memory_space<vmem_shared>> -> memref<10000x128xf32, #tpu.memory_space<vmem_shared>>
      tpu.enqueue_indirect_dma source(%arg7 : memref<80x128xf32, #tpu.memory_space<vmem>>) target(%dma_start3A_72 : memref<10000x128xf32, #tpu.memory_space<vmem_shared>>) offsets(%dma_start3A_69 : memref<80xi32, #tpu.memory_space<vmem>>) semaphore(%arg12 : memref<!tpu.dma_semaphore, #tpu.memory_space<semaphore_mem>>) {add = true}
      %mul3A_73 = arith.constant 2 : i32
      %mul3A_74 = arith.muli %scan3A_44, %mul3A_73 : i32
      %add3A_75 = arith.constant 1 : i32
      %add3A_76 = arith.addi %mul3A_74, %add3A_75 : i32
      %ge3A_77 = arith.constant 1 : i32
      %ge3A_78 = arith.cmpi sge, %add3A_76, %ge3A_77 : i32
      %convert_element_type3A_79 = arith.extui %ge3A_78 : i1 to i32
      %cond3A_80 = arith.constant 0 : i32
      %cond3A_81 = arith.cmpi ne, %convert_element_type3A_79, %cond3A_80 : i32
      scf.if %cond3A_81 {
        %sub3A = arith.constant 1 : i32
        %sub3A_104 = arith.subi %add3A_76, %sub3A : i32
        %mul3A_105 = arith.constant 80 : i32
        %mul3A_106 = arith.muli %sub3A_104, %mul3A_105 : i32
        %dma_wait3A_107 = tpu.memref_slice %arg6[%mul3A_106] : memref<6000xi32, #tpu.memory_space<vmem>> -> memref<80xi32, #tpu.memory_space<vmem>>
        %dma_wait3A_108 = arith.constant 0 : i32
        %dma_wait3A_109 = arith.constant 0 : i32
        %dma_wait3A_110 = tpu.memref_slice %arg9[%dma_wait3A_108, %dma_wait3A_109] : memref<10000x128xf32, #tpu.memory_space<vmem_shared>> -> memref<10000x128xf32, #tpu.memory_space<vmem_shared>>
        tpu.wait_indirect_dma semaphore(%arg12 : memref<!tpu.dma_semaphore, #tpu.memory_space<semaphore_mem>>) src(%arg7 : memref<80x128xf32, #tpu.memory_space<vmem>>) dst(%dma_wait3A_110 : memref<10000x128xf32, #tpu.memory_space<vmem_shared>>)
      } else {
      }
      %add3A_82 = arith.constant 1 : i32
      %add3A_83 = arith.addi %add3A_76, %add3A_82 : i32
      %lt3A_84 = arith.constant 75 : i32
      %lt3A_85 = arith.cmpi slt, %add3A_83, %lt3A_84 : i32
      %convert_element_type3A_86 = arith.extui %lt3A_85 : i1 to i32
      %cond3A_87 = arith.constant 0 : i32
      %cond3A_88 = arith.cmpi ne, %convert_element_type3A_86, %cond3A_87 : i32
      scf.if %cond3A_88 {
        %add3A_104 = arith.constant 1 : i32
        %add3A_105 = arith.addi %add3A_76, %add3A_104 : i32
        %mul3A_106 = arith.constant 6000 : i32
        %mul3A_107 = arith.muli %arg1, %mul3A_106 : i32
        %mul3A_108 = arith.constant 80 : i32
        %mul3A_109 = arith.muli %add3A_105, %mul3A_108 : i32
        %add3A_110 = arith.addi %mul3A_107, %mul3A_109 : i32
        %mul3A_111 = arith.constant 128 : i32
        %mul3A_112 = arith.muli %arg0, %mul3A_111 : i32
        %dma_start3A_113 = tpu.memref_slice %arg2[%add3A_110, %mul3A_112] : memref<96000x256xf32, #tpu.memory_space<hbm>> -> memref<80x128xf32, #tpu.memory_space<hbm>>
        %dma_start3A_114 = tpu.memref_slice %arg2[%add3A_110, %mul3A_112] : memref<96000x256xf32, #tpu.memory_space<hbm>> -> memref<80x128xf32, #tpu.memory_space<hbm>>
        tpu.enqueue_dma source(%dma_start3A_114 : memref<80x128xf32, #tpu.memory_space<hbm>>) target(%arg7 : memref<80x128xf32, #tpu.memory_space<vmem>>) target_semaphore(%arg10 : memref<!tpu.dma_semaphore, #tpu.memory_space<semaphore_mem>>)
      } else {
      }
      %mul3A_89 = arith.constant 6000 : i32
      %mul3A_90 = arith.muli %arg1, %mul3A_89 : i32
      %mul3A_91 = arith.constant 80 : i32
      %mul3A_92 = arith.muli %add3A_76, %mul3A_91 : i32
      %add3A_93 = arith.addi %mul3A_90, %mul3A_92 : i32
      %mul3A_94 = arith.constant 128 : i32
      %mul3A_95 = arith.muli %arg0, %mul3A_94 : i32
      %dma_wait3A_96 = tpu.memref_slice %arg2[%add3A_93, %mul3A_95] : memref<96000x256xf32, #tpu.memory_space<hbm>> -> memref<80x128xf32, #tpu.memory_space<hbm>>
      %dma_wait3A_97 = tpu.memref_slice %arg2[%add3A_93, %mul3A_95] : memref<96000x256xf32, #tpu.memory_space<hbm>> -> memref<80x128xf32, #tpu.memory_space<hbm>>
      tpu.wait_dma2 semaphore(%arg11 : memref<!tpu.dma_semaphore, #tpu.memory_space<semaphore_mem>>) src(%dma_wait3A_97 : memref<80x128xf32, #tpu.memory_space<hbm>>) dst(%arg8 : memref<80x128xf32, #tpu.memory_space<vmem>>)
      %mul3A_98 = arith.constant 80 : i32
      %mul3A_99 = arith.muli %add3A_76, %mul3A_98 : i32
      %dma_start3A_100 = tpu.memref_slice %arg6[%mul3A_99] : memref<6000xi32, #tpu.memory_space<vmem>> -> memref<80xi32, #tpu.memory_space<vmem>>
      %dma_start3A_101 = arith.constant 0 : i32
      %dma_start3A_102 = arith.constant 0 : i32
      %dma_start3A_103 = tpu.memref_slice %arg9[%dma_start3A_101, %dma_start3A_102] : memref<10000x128xf32, #tpu.memory_space<vmem_shared>> -> memref<10000x128xf32, #tpu.memory_space<vmem_shared>>
      tpu.enqueue_indirect_dma source(%arg8 : memref<80x128xf32, #tpu.memory_space<vmem>>) target(%dma_start3A_103 : memref<10000x128xf32, #tpu.memory_space<vmem_shared>>) offsets(%dma_start3A_100 : memref<80xi32, #tpu.memory_space<vmem>>) semaphore(%arg13 : memref<!tpu.dma_semaphore, #tpu.memory_space<semaphore_mem>>) {add = true}
    }
    %scan3A_15 = arith.constant 37 : i32
    %dma_wait3A = arith.constant 5840 : i32
    %dma_wait3A_16 = tpu.memref_slice %arg6[%dma_wait3A] : memref<6000xi32, #tpu.memory_space<vmem>> -> memref<80xi32, #tpu.memory_space<vmem>>
    %dma_wait3A_17 = arith.constant 0 : i32
    %dma_wait3A_18 = arith.constant 0 : i32
    %dma_wait3A_19 = tpu.memref_slice %arg9[%dma_wait3A_17, %dma_wait3A_18] : memref<10000x128xf32, #tpu.memory_space<vmem_shared>> -> memref<10000x128xf32, #tpu.memory_space<vmem_shared>>
    tpu.wait_indirect_dma semaphore(%arg13 : memref<!tpu.dma_semaphore, #tpu.memory_space<semaphore_mem>>) src(%arg8 : memref<80x128xf32, #tpu.memory_space<vmem>>) dst(%dma_wait3A_19 : memref<10000x128xf32, #tpu.memory_space<vmem_shared>>)
    %mul3A_20 = arith.constant 6000 : i32
    %mul3A_21 = arith.muli %arg1, %mul3A_20 : i32
    %add3A_22 = arith.constant 5920 : i32
    %add3A_23 = arith.addi %mul3A_21, %add3A_22 : i32
    %mul3A_24 = arith.constant 128 : i32
    %mul3A_25 = arith.muli %arg0, %mul3A_24 : i32
    %dma_wait3A_26 = tpu.memref_slice %arg2[%add3A_23, %mul3A_25] : memref<96000x256xf32, #tpu.memory_space<hbm>> -> memref<80x128xf32, #tpu.memory_space<hbm>>
    %dma_wait3A_27 = tpu.memref_slice %arg2[%add3A_23, %mul3A_25] : memref<96000x256xf32, #tpu.memory_space<hbm>> -> memref<80x128xf32, #tpu.memory_space<hbm>>
    tpu.wait_dma2 semaphore(%arg10 : memref<!tpu.dma_semaphore, #tpu.memory_space<semaphore_mem>>) src(%dma_wait3A_27 : memref<80x128xf32, #tpu.memory_space<hbm>>) dst(%arg7 : memref<80x128xf32, #tpu.memory_space<vmem>>)
    %dma_start3A_28 = arith.constant 5920 : i32
    %dma_start3A_29 = tpu.memref_slice %arg6[%dma_start3A_28] : memref<6000xi32, #tpu.memory_space<vmem>> -> memref<80xi32, #tpu.memory_space<vmem>>
    %dma_start3A_30 = arith.constant 0 : i32
    %dma_start3A_31 = arith.constant 0 : i32
    %dma_start3A_32 = tpu.memref_slice %arg9[%dma_start3A_30, %dma_start3A_31] : memref<10000x128xf32, #tpu.memory_space<vmem_shared>> -> memref<10000x128xf32, #tpu.memory_space<vmem_shared>>
    tpu.enqueue_indirect_dma source(%arg7 : memref<80x128xf32, #tpu.memory_space<vmem>>) target(%dma_start3A_32 : memref<10000x128xf32, #tpu.memory_space<vmem_shared>>) offsets(%dma_start3A_29 : memref<80xi32, #tpu.memory_space<vmem>>) semaphore(%arg12 : memref<!tpu.dma_semaphore, #tpu.memory_space<semaphore_mem>>) {add = true}
    %dma_wait3A_33 = arith.constant 5920 : i32
    %dma_wait3A_34 = tpu.memref_slice %arg6[%dma_wait3A_33] : memref<6000xi32, #tpu.memory_space<vmem>> -> memref<80xi32, #tpu.memory_space<vmem>>
    %dma_wait3A_35 = arith.constant 0 : i32
    %dma_wait3A_36 = arith.constant 0 : i32
    %dma_wait3A_37 = tpu.memref_slice %arg9[%dma_wait3A_35, %dma_wait3A_36] : memref<10000x128xf32, #tpu.memory_space<vmem_shared>> -> memref<10000x128xf32, #tpu.memory_space<vmem_shared>>
    tpu.wait_indirect_dma semaphore(%arg12 : memref<!tpu.dma_semaphore, #tpu.memory_space<semaphore_mem>>) src(%arg7 : memref<80x128xf32, #tpu.memory_space<vmem>>) dst(%dma_wait3A_37 : memref<10000x128xf32, #tpu.memory_space<vmem_shared>>)
    %barrier3A_38 = arith.constant 0 : index
    tpu.barrier barrier_id(%barrier3A_38)
    %lt3A_39 = arith.constant 10 : i32
    %lt3A_40 = arith.cmpi slt, %arg1, %lt3A_39 : i32
    %convert_element_type3A_41 = arith.extui %lt3A_40 : i1 to i32
    %cond3A_42 = arith.constant 0 : i32
    %cond3A_43 = arith.cmpi ne, %convert_element_type3A_41, %cond3A_42 : i32
    scf.if %cond3A_43 {
      %mul3A_44 = arith.constant 1000 : i32
      %mul3A_45 = arith.muli %arg1, %mul3A_44 : i32
      %mul3A_46 = arith.constant 1000 : i32
      %mul3A_47 = arith.muli %arg1, %mul3A_46 : i32
      %mul3A_48 = arith.constant 128 : i32
      %mul3A_49 = arith.muli %arg0, %mul3A_48 : i32
      "tpu.region"() ({
        %run_scoped3A = tpu.sem_alloc : memref<!tpu.dma_semaphore, #tpu.memory_space<semaphore_mem>>
        %dma_start3A_50 = tpu.memref_slice %arg5[%mul3A_47, %mul3A_49] : memref<10000x256xf32, #tpu.memory_space<hbm>> -> memref<1000x128xf32, #tpu.memory_space<hbm>>
        %dma_start3A_51 = arith.constant 0 : i32
        %dma_start3A_52 = tpu.memref_slice %arg9[%mul3A_45, %dma_start3A_51] : memref<10000x128xf32, #tpu.memory_space<vmem_shared>> -> memref<1000x128xf32, #tpu.memory_space<vmem_shared>>
        tpu.enqueue_dma source(%dma_start3A_52 : memref<1000x128xf32, #tpu.memory_space<vmem_shared>>) target(%dma_start3A_50 : memref<1000x128xf32, #tpu.memory_space<hbm>>) target_semaphore(%run_scoped3A : memref<!tpu.dma_semaphore, #tpu.memory_space<semaphore_mem>>)
        %dma_wait3A_53 = tpu.memref_slice %arg5[%mul3A_47, %mul3A_49] : memref<10000x256xf32, #tpu.memory_space<hbm>> -> memref<1000x128xf32, #tpu.memory_space<hbm>>
        %dma_wait3A_54 = arith.constant 0 : i32
        %dma_wait3A_55 = tpu.memref_slice %arg9[%mul3A_45, %dma_wait3A_54] : memref<10000x128xf32, #tpu.memory_space<vmem_shared>> -> memref<1000x128xf32, #tpu.memory_space<vmem_shared>>
        tpu.wait_dma2 semaphore(%run_scoped3A : memref<!tpu.dma_semaphore, #tpu.memory_space<semaphore_mem>>) src(%dma_wait3A_55 : memref<1000x128xf32, #tpu.memory_space<vmem_shared>>) dst(%dma_wait3A_53 : memref<1000x128xf32, #tpu.memory_space<hbm>>)
        tpu.yield
      }) : () -> ()
    } else {
    }
    return
  }
}

#map = affine_map<(d0, d1) -> (0, 0)>
#map1 = affine_map<(d0, d1) -> (0)>
module attributes {stable_mosaic.version = 14 : i64} {
  func.func @scatter_kernel(%arg0: i32, %arg1: i32, %arg2: memref<96000x256xf32, #tpu.memory_space<hbm>>, %arg3: memref<160000xi32, #tpu.memory_space<hbm>>, %arg4: memref<1000x128xf32, #tpu.memory_space<hbm>>, %arg5: memref<10000x256xf32, #tpu.memory_space<hbm>>, %arg6: memref<6000xi32, #tpu.memory_space<vmem>>, %arg7: memref<80x128xf32, #tpu.memory_space<vmem>>, %arg8: memref<80x128xf32, #tpu.memory_space<vmem>>, %arg9: memref<10000x128xf32, #tpu.memory_space<vmem_shared>>, %arg10: memref<!tpu.dma_semaphore, #tpu.memory_space<semaphore_mem>>, %arg11: memref<!tpu.dma_semaphore, #tpu.memory_space<semaphore_mem>>, %arg12: memref<!tpu.dma_semaphore, #tpu.memory_space<semaphore_mem>>, %arg13: memref<!tpu.dma_semaphore, #tpu.memory_space<semaphore_mem>>) attributes {dimension_semantics = [#tpu.dimension_semantics<core_parallel>, #tpu.dimension_semantics<subcore_parallel>], iteration_bounds = array<i64: 2, 16>, scalar_prefetch = 0 : i64, scratch_operands = 8 : i64, tpu.core_type = #tpu.core_type<sc_vector_subcore>, window_params = [{transform_indices = #map}, {transform_indices = #map1}, {transform_indices = #map}, {transform_indices = #map}]} {
    %lt3A = arith.constant 10 : i32
    %lt3A_0 = arith.cmpi slt, %arg1, %lt3A : i32
    %convert_element_type3A = arith.extui %lt3A_0 : i1 to i32
    %cond3A = arith.constant 0 : i32
    %cond3A_1 = arith.cmpi ne, %convert_element_type3A, %cond3A : i32
    scf.if %cond3A_1 {
      %mul3A_44 = arith.constant 1000 : i32
      %mul3A_45 = arith.muli %arg1, %mul3A_44 : i32
      "tpu.region"() ({
        %run_scoped3A = tpu.sem_alloc : memref<!tpu.dma_semaphore, #tpu.memory_space<semaphore_mem>>
        %dma_start3A_46 = arith.constant 0 : i32
        %dma_start3A_47 = tpu.memref_slice %arg9[%mul3A_45, %dma_start3A_46] : memref<10000x128xf32, #tpu.memory_space<vmem_shared>> -> memref<1000x128xf32, #tpu.memory_space<vmem_shared>>
        tpu.enqueue_dma source(%arg4 : memref<1000x128xf32, #tpu.memory_space<hbm>>) target(%dma_start3A_47 : memref<1000x128xf32, #tpu.memory_space<vmem_shared>>) target_semaphore(%run_scoped3A : memref<!tpu.dma_semaphore, #tpu.memory_space<semaphore_mem>>)
        %dma_wait3A_48 = arith.constant 0 : i32
        %dma_wait3A_49 = tpu.memref_slice %arg9[%mul3A_45, %dma_wait3A_48] : memref<10000x128xf32, #tpu.memory_space<vmem_shared>> -> memref<1000x128xf32, #tpu.memory_space<vmem_shared>>
        tpu.wait_dma2 semaphore(%run_scoped3A : memref<!tpu.dma_semaphore, #tpu.memory_space<semaphore_mem>>) src(%arg4 : memref<1000x128xf32, #tpu.memory_space<hbm>>) dst(%dma_wait3A_49 : memref<1000x128xf32, #tpu.memory_space<vmem_shared>>)
        tpu.yield
      }) : () -> ()
    } else {
    }
    %mul3A = arith.constant 6000 : i32
    %mul3A_2 = arith.muli %arg1, %mul3A : i32
    %add3A = arith.constant 0 : i32
    %add3A_3 = arith.addi %add3A, %mul3A_2 : i32
    "tpu.region"() ({
      %run_scoped3A = tpu.sem_alloc : memref<!tpu.dma_semaphore, #tpu.memory_space<semaphore_mem>>
      %dma_start3A_44 = tpu.memref_slice %arg3[%add3A_3] : memref<160000xi32, #tpu.memory_space<hbm>> -> memref<6000xi32, #tpu.memory_space<hbm>>
      %dma_start3A_45 = tpu.memref_slice %arg3[%add3A_3] : memref<160000xi32, #tpu.memory_space<hbm>> -> memref<6000xi32, #tpu.memory_space<hbm>>
      tpu.enqueue_dma source(%dma_start3A_45 : memref<6000xi32, #tpu.memory_space<hbm>>) target(%arg6 : memref<6000xi32, #tpu.memory_space<vmem>>) target_semaphore(%run_scoped3A : memref<!tpu.dma_semaphore, #tpu.memory_space<semaphore_mem>>)
      %dma_wait3A_46 = tpu.memref_slice %arg3[%add3A_3] : memref<160000xi32, #tpu.memory_space<hbm>> -> memref<6000xi32, #tpu.memory_space<hbm>>
      %dma_wait3A_47 = tpu.memref_slice %arg3[%add3A_3] : memref<160000xi32, #tpu.memory_space<hbm>> -> memref<6000xi32, #tpu.memory_space<hbm>>
      tpu.wait_dma2 semaphore(%run_scoped3A : memref<!tpu.dma_semaphore, #tpu.memory_space<semaphore_mem>>) src(%dma_wait3A_47 : memref<6000xi32, #tpu.memory_space<hbm>>) dst(%arg6 : memref<6000xi32, #tpu.memory_space<vmem>>)
      tpu.yield
    }) : () -> ()
    %barrier3A = arith.constant 0 : index
    tpu.barrier barrier_id(%barrier3A)
    %mul3A_4 = arith.constant 6000 : i32
    %mul3A_5 = arith.muli %arg1, %mul3A_4 : i32
    %add3A_6 = arith.constant 0 : i32
    %add3A_7 = arith.addi %mul3A_5, %add3A_6 : i32
    %mul3A_8 = arith.constant 128 : i32
    %mul3A_9 = arith.muli %arg0, %mul3A_8 : i32
    %dma_start3A = tpu.memref_slice %arg2[%add3A_7, %mul3A_9] : memref<96000x256xf32, #tpu.memory_space<hbm>> -> memref<80x128xf32, #tpu.memory_space<hbm>>
    %dma_start3A_10 = tpu.memref_slice %arg2[%add3A_7, %mul3A_9] : memref<96000x256xf32, #tpu.memory_space<hbm>> -> memref<80x128xf32, #tpu.memory_space<hbm>>
    tpu.enqueue_dma source(%dma_start3A_10 : memref<80x128xf32, #tpu.memory_space<hbm>>) target(%arg7 : memref<80x128xf32, #tpu.memory_space<vmem>>) target_semaphore(%arg10 : memref<!tpu.dma_semaphore, #tpu.memory_space<semaphore_mem>>)
    %scan3A = arith.constant 0 : i32
    %scan3A_11 = arith.constant 0 : i32
    %scan3A_12 = arith.constant 37 : i32
    %scan3A_13 = arith.addi %scan3A_11, %scan3A_12 : i32
    %scan3A_14 = arith.constant 1 : i32
    scf.for %scan3A_44 = %scan3A_11 to %scan3A_13 step %scan3A_14  : i32 {
      %mul3A_45 = arith.constant 2 : i32
      %mul3A_46 = arith.muli %scan3A_44, %mul3A_45 : i32
      %ge3A = arith.constant 1 : i32
      %ge3A_47 = arith.cmpi sge, %mul3A_46, %ge3A : i32
      %convert_element_type3A_48 = arith.extui %ge3A_47 : i1 to i32
      %cond3A_49 = arith.constant 0 : i32
      %cond3A_50 = arith.cmpi ne, %convert_element_type3A_48, %cond3A_49 : i32
      scf.if %cond3A_50 {
        %sub3A = arith.constant 1 : i32
        %sub3A_104 = arith.subi %mul3A_46, %sub3A : i32
        %mul3A_105 = arith.constant 80 : i32
        %mul3A_106 = arith.muli %sub3A_104, %mul3A_105 : i32
        %dma_wait3A_107 = tpu.memref_slice %arg6[%mul3A_106] : memref<6000xi32, #tpu.memory_space<vmem>> -> memref<80xi32, #tpu.memory_space<vmem>>
        %dma_wait3A_108 = arith.constant 0 : i32
        %dma_wait3A_109 = arith.constant 0 : i32
        %dma_wait3A_110 = tpu.memref_slice %arg9[%dma_wait3A_108, %dma_wait3A_109] : memref<10000x128xf32, #tpu.memory_space<vmem_shared>> -> memref<10000x128xf32, #tpu.memory_space<vmem_shared>>
        tpu.wait_indirect_dma semaphore(%arg13 : memref<!tpu.dma_semaphore, #tpu.memory_space<semaphore_mem>>) src(%arg8 : memref<80x128xf32, #tpu.memory_space<vmem>>) dst(%dma_wait3A_110 : memref<10000x128xf32, #tpu.memory_space<vmem_shared>>)
      } else {
      }
      %add3A_51 = arith.constant 1 : i32
      %add3A_52 = arith.addi %mul3A_46, %add3A_51 : i32
      %lt3A_53 = arith.constant 75 : i32
      %lt3A_54 = arith.cmpi slt, %add3A_52, %lt3A_53 : i32
      %convert_element_type3A_55 = arith.extui %lt3A_54 : i1 to i32
      %cond3A_56 = arith.constant 0 : i32
      %cond3A_57 = arith.cmpi ne, %convert_element_type3A_55, %cond3A_56 : i32
      scf.if %cond3A_57 {
        %add3A_104 = arith.constant 1 : i32
        %add3A_105 = arith.addi %mul3A_46, %add3A_104 : i32
        %mul3A_106 = arith.constant 6000 : i32
        %mul3A_107 = arith.muli %arg1, %mul3A_106 : i32
        %mul3A_108 = arith.constant 80 : i32
        %mul3A_109 = arith.muli %add3A_105, %mul3A_108 : i32
        %add3A_110 = arith.addi %mul3A_107, %mul3A_109 : i32
        %mul3A_111 = arith.constant 128 : i32
        %mul3A_112 = arith.muli %arg0, %mul3A_111 : i32
        %dma_start3A_113 = tpu.memref_slice %arg2[%add3A_110, %mul3A_112] : memref<96000x256xf32, #tpu.memory_space<hbm>> -> memref<80x128xf32, #tpu.memory_space<hbm>>
        %dma_start3A_114 = tpu.memref_slice %arg2[%add3A_110, %mul3A_112] : memref<96000x256xf32, #tpu.memory_space<hbm>> -> memref<80x128xf32, #tpu.memory_space<hbm>>
        tpu.enqueue_dma source(%dma_start3A_114 : memref<80x128xf32, #tpu.memory_space<hbm>>) target(%arg8 : memref<80x128xf32, #tpu.memory_space<vmem>>) target_semaphore(%arg11 : memref<!tpu.dma_semaphore, #tpu.memory_space<semaphore_mem>>)
      } else {
      }
      %mul3A_58 = arith.constant 6000 : i32
      %mul3A_59 = arith.muli %arg1, %mul3A_58 : i32
      %mul3A_60 = arith.constant 80 : i32
      %mul3A_61 = arith.muli %mul3A_46, %mul3A_60 : i32
      %add3A_62 = arith.addi %mul3A_59, %mul3A_61 : i32
      %mul3A_63 = arith.constant 128 : i32
      %mul3A_64 = arith.muli %arg0, %mul3A_63 : i32
      %dma_wait3A_65 = tpu.memref_slice %arg2[%add3A_62, %mul3A_64] : memref<96000x256xf32, #tpu.memory_space<hbm>> -> memref<80x128xf32, #tpu.memory_space<hbm>>
      %dma_wait3A_66 = tpu.memref_slice %arg2[%add3A_62, %mul3A_64] : memref<96000x256xf32, #tpu.memory_space<hbm>> -> memref<80x128xf32, #tpu.memory_space<hbm>>
      tpu.wait_dma2 semaphore(%arg10 : memref<!tpu.dma_semaphore, #tpu.memory_space<semaphore_mem>>) src(%dma_wait3A_66 : memref<80x128xf32, #tpu.memory_space<hbm>>) dst(%arg7 : memref<80x128xf32, #tpu.memory_space<vmem>>)
      %mul3A_67 = arith.constant 80 : i32
      %mul3A_68 = arith.muli %mul3A_46, %mul3A_67 : i32
      %dma_start3A_69 = tpu.memref_slice %arg6[%mul3A_68] : memref<6000xi32, #tpu.memory_space<vmem>> -> memref<80xi32, #tpu.memory_space<vmem>>
      %dma_start3A_70 = arith.constant 0 : i32
      %dma_start3A_71 = arith.constant 0 : i32
      %dma_start3A_72 = tpu.memref_slice %arg9[%dma_start3A_70, %dma_start3A_71] : memref<10000x128xf32, #tpu.memory_space<vmem_shared>> -> memref<10000x128xf32, #tpu.memory_space<vmem_shared>>
      tpu.enqueue_indirect_dma source(%arg7 : memref<80x128xf32, #tpu.memory_space<vmem>>) target(%dma_start3A_72 : memref<10000x128xf32, #tpu.memory_space<vmem_shared>>) offsets(%dma_start3A_69 : memref<80xi32, #tpu.memory_space<vmem>>) semaphore(%arg12 : memref<!tpu.dma_semaphore, #tpu.memory_space<semaphore_mem>>) {add = true}
      %mul3A_73 = arith.constant 2 : i32
      %mul3A_74 = arith.muli %scan3A_44, %mul3A_73 : i32
      %add3A_75 = arith.constant 1 : i32
      %add3A_76 = arith.addi %mul3A_74, %add3A_75 : i32
      %ge3A_77 = arith.constant 1 : i32
      %ge3A_78 = arith.cmpi sge, %add3A_76, %ge3A_77 : i32
      %convert_element_type3A_79 = arith.extui %ge3A_78 : i1 to i32
      %cond3A_80 = arith.constant 0 : i32
      %cond3A_81 = arith.cmpi ne, %convert_element_type3A_79, %cond3A_80 : i32
      scf.if %cond3A_81 {
        %sub3A = arith.constant 1 : i32
        %sub3A_104 = arith.subi %add3A_76, %sub3A : i32
        %mul3A_105 = arith.constant 80 : i32
        %mul3A_106 = arith.muli %sub3A_104, %mul3A_105 : i32
        %dma_wait3A_107 = tpu.memref_slice %arg6[%mul3A_106] : memref<6000xi32, #tpu.memory_space<vmem>> -> memref<80xi32, #tpu.memory_space<vmem>>
        %dma_wait3A_108 = arith.constant 0 : i32
        %dma_wait3A_109 = arith.constant 0 : i32
        %dma_wait3A_110 = tpu.memref_slice %arg9[%dma_wait3A_108, %dma_wait3A_109] : memref<10000x128xf32, #tpu.memory_space<vmem_shared>> -> memref<10000x128xf32, #tpu.memory_space<vmem_shared>>
        tpu.wait_indirect_dma semaphore(%arg12 : memref<!tpu.dma_semaphore, #tpu.memory_space<semaphore_mem>>) src(%arg7 : memref<80x128xf32, #tpu.memory_space<vmem>>) dst(%dma_wait3A_110 : memref<10000x128xf32, #tpu.memory_space<vmem_shared>>)
      } else {
      }
      %add3A_82 = arith.constant 1 : i32
      %add3A_83 = arith.addi %add3A_76, %add3A_82 : i32
      %lt3A_84 = arith.constant 75 : i32
      %lt3A_85 = arith.cmpi slt, %add3A_83, %lt3A_84 : i32
      %convert_element_type3A_86 = arith.extui %lt3A_85 : i1 to i32
      %cond3A_87 = arith.constant 0 : i32
      %cond3A_88 = arith.cmpi ne, %convert_element_type3A_86, %cond3A_87 : i32
      scf.if %cond3A_88 {
        %add3A_104 = arith.constant 1 : i32
        %add3A_105 = arith.addi %add3A_76, %add3A_104 : i32
        %mul3A_106 = arith.constant 6000 : i32
        %mul3A_107 = arith.muli %arg1, %mul3A_106 : i32
        %mul3A_108 = arith.constant 80 : i32
        %mul3A_109 = arith.muli %add3A_105, %mul3A_108 : i32
        %add3A_110 = arith.addi %mul3A_107, %mul3A_109 : i32
        %mul3A_111 = arith.constant 128 : i32
        %mul3A_112 = arith.muli %arg0, %mul3A_111 : i32
        %dma_start3A_113 = tpu.memref_slice %arg2[%add3A_110, %mul3A_112] : memref<96000x256xf32, #tpu.memory_space<hbm>> -> memref<80x128xf32, #tpu.memory_space<hbm>>
        %dma_start3A_114 = tpu.memref_slice %arg2[%add3A_110, %mul3A_112] : memref<96000x256xf32, #tpu.memory_space<hbm>> -> memref<80x128xf32, #tpu.memory_space<hbm>>
        tpu.enqueue_dma source(%dma_start3A_114 : memref<80x128xf32, #tpu.memory_space<hbm>>) target(%arg7 : memref<80x128xf32, #tpu.memory_space<vmem>>) target_semaphore(%arg10 : memref<!tpu.dma_semaphore, #tpu.memory_space<semaphore_mem>>)
      } else {
      }
      %mul3A_89 = arith.constant 6000 : i32
      %mul3A_90 = arith.muli %arg1, %mul3A_89 : i32
      %mul3A_91 = arith.constant 80 : i32
      %mul3A_92 = arith.muli %add3A_76, %mul3A_91 : i32
      %add3A_93 = arith.addi %mul3A_90, %mul3A_92 : i32
      %mul3A_94 = arith.constant 128 : i32
      %mul3A_95 = arith.muli %arg0, %mul3A_94 : i32
      %dma_wait3A_96 = tpu.memref_slice %arg2[%add3A_93, %mul3A_95] : memref<96000x256xf32, #tpu.memory_space<hbm>> -> memref<80x128xf32, #tpu.memory_space<hbm>>
      %dma_wait3A_97 = tpu.memref_slice %arg2[%add3A_93, %mul3A_95] : memref<96000x256xf32, #tpu.memory_space<hbm>> -> memref<80x128xf32, #tpu.memory_space<hbm>>
      tpu.wait_dma2 semaphore(%arg11 : memref<!tpu.dma_semaphore, #tpu.memory_space<semaphore_mem>>) src(%dma_wait3A_97 : memref<80x128xf32, #tpu.memory_space<hbm>>) dst(%arg8 : memref<80x128xf32, #tpu.memory_space<vmem>>)
      %mul3A_98 = arith.constant 80 : i32
      %mul3A_99 = arith.muli %add3A_76, %mul3A_98 : i32
      %dma_start3A_100 = tpu.memref_slice %arg6[%mul3A_99] : memref<6000xi32, #tpu.memory_space<vmem>> -> memref<80xi32, #tpu.memory_space<vmem>>
      %dma_start3A_101 = arith.constant 0 : i32
      %dma_start3A_102 = arith.constant 0 : i32
      %dma_start3A_103 = tpu.memref_slice %arg9[%dma_start3A_101, %dma_start3A_102] : memref<10000x128xf32, #tpu.memory_space<vmem_shared>> -> memref<10000x128xf32, #tpu.memory_space<vmem_shared>>
      tpu.enqueue_indirect_dma source(%arg8 : memref<80x128xf32, #tpu.memory_space<vmem>>) target(%dma_start3A_103 : memref<10000x128xf32, #tpu.memory_space<vmem_shared>>) offsets(%dma_start3A_100 : memref<80xi32, #tpu.memory_space<vmem>>) semaphore(%arg13 : memref<!tpu.dma_semaphore, #tpu.memory_space<semaphore_mem>>) {add = true}
    }
    %scan3A_15 = arith.constant 37 : i32
    %dma_wait3A = arith.constant 5840 : i32
    %dma_wait3A_16 = tpu.memref_slice %arg6[%dma_wait3A] : memref<6000xi32, #tpu.memory_space<vmem>> -> memref<80xi32, #tpu.memory_space<vmem>>
    %dma_wait3A_17 = arith.constant 0 : i32
    %dma_wait3A_18 = arith.constant 0 : i32
    %dma_wait3A_19 = tpu.memref_slice %arg9[%dma_wait3A_17, %dma_wait3A_18] : memref<10000x128xf32, #tpu.memory_space<vmem_shared>> -> memref<10000x128xf32, #tpu.memory_space<vmem_shared>>
    tpu.wait_indirect_dma semaphore(%arg13 : memref<!tpu.dma_semaphore, #tpu.memory_space<semaphore_mem>>) src(%arg8 : memref<80x128xf32, #tpu.memory_space<vmem>>) dst(%dma_wait3A_19 : memref<10000x128xf32, #tpu.memory_space<vmem_shared>>)
    %mul3A_20 = arith.constant 6000 : i32
    %mul3A_21 = arith.muli %arg1, %mul3A_20 : i32
    %add3A_22 = arith.constant 5920 : i32
    %add3A_23 = arith.addi %mul3A_21, %add3A_22 : i32
    %mul3A_24 = arith.constant 128 : i32
    %mul3A_25 = arith.muli %arg0, %mul3A_24 : i32
    %dma_wait3A_26 = tpu.memref_slice %arg2[%add3A_23, %mul3A_25] : memref<96000x256xf32, #tpu.memory_space<hbm>> -> memref<80x128xf32, #tpu.memory_space<hbm>>
    %dma_wait3A_27 = tpu.memref_slice %arg2[%add3A_23, %mul3A_25] : memref<96000x256xf32, #tpu.memory_space<hbm>> -> memref<80x128xf32, #tpu.memory_space<hbm>>
    tpu.wait_dma2 semaphore(%arg10 : memref<!tpu.dma_semaphore, #tpu.memory_space<semaphore_mem>>) src(%dma_wait3A_27 : memref<80x128xf32, #tpu.memory_space<hbm>>) dst(%arg7 : memref<80x128xf32, #tpu.memory_space<vmem>>)
    %dma_start3A_28 = arith.constant 5920 : i32
    %dma_start3A_29 = tpu.memref_slice %arg6[%dma_start3A_28] : memref<6000xi32, #tpu.memory_space<vmem>> -> memref<80xi32, #tpu.memory_space<vmem>>
    %dma_start3A_30 = arith.constant 0 : i32
    %dma_start3A_31 = arith.constant 0 : i32
    %dma_start3A_32 = tpu.memref_slice %arg9[%dma_start3A_30, %dma_start3A_31] : memref<10000x128xf32, #tpu.memory_space<vmem_shared>> -> memref<10000x128xf32, #tpu.memory_space<vmem_shared>>
    tpu.enqueue_indirect_dma source(%arg7 : memref<80x128xf32, #tpu.memory_space<vmem>>) target(%dma_start3A_32 : memref<10000x128xf32, #tpu.memory_space<vmem_shared>>) offsets(%dma_start3A_29 : memref<80xi32, #tpu.memory_space<vmem>>) semaphore(%arg12 : memref<!tpu.dma_semaphore, #tpu.memory_space<semaphore_mem>>) {add = true}
    %dma_wait3A_33 = arith.constant 5920 : i32
    %dma_wait3A_34 = tpu.memref_slice %arg6[%dma_wait3A_33] : memref<6000xi32, #tpu.memory_space<vmem>> -> memref<80xi32, #tpu.memory_space<vmem>>
    %dma_wait3A_35 = arith.constant 0 : i32
    %dma_wait3A_36 = arith.constant 0 : i32
    %dma_wait3A_37 = tpu.memref_slice %arg9[%dma_wait3A_35, %dma_wait3A_36] : memref<10000x128xf32, #tpu.memory_space<vmem_shared>> -> memref<10000x128xf32, #tpu.memory_space<vmem_shared>>
    tpu.wait_indirect_dma semaphore(%arg12 : memref<!tpu.dma_semaphore, #tpu.memory_space<semaphore_mem>>) src(%arg7 : memref<80x128xf32, #tpu.memory_space<vmem>>) dst(%dma_wait3A_37 : memref<10000x128xf32, #tpu.memory_space<vmem_shared>>)
    %barrier3A_38 = arith.constant 0 : index
    tpu.barrier barrier_id(%barrier3A_38)
    %lt3A_39 = arith.constant 10 : i32
    %lt3A_40 = arith.cmpi slt, %arg1, %lt3A_39 : i32
    %convert_element_type3A_41 = arith.extui %lt3A_40 : i1 to i32
    %cond3A_42 = arith.constant 0 : i32
    %cond3A_43 = arith.cmpi ne, %convert_element_type3A_41, %cond3A_42 : i32
    scf.if %cond3A_43 {
      %mul3A_44 = arith.constant 1000 : i32
      %mul3A_45 = arith.muli %arg1, %mul3A_44 : i32
      %mul3A_46 = arith.constant 1000 : i32
      %mul3A_47 = arith.muli %arg1, %mul3A_46 : i32
      %mul3A_48 = arith.constant 128 : i32
      %mul3A_49 = arith.muli %arg0, %mul3A_48 : i32
      "tpu.region"() ({
        %run_scoped3A = tpu.sem_alloc : memref<!tpu.dma_semaphore, #tpu.memory_space<semaphore_mem>>
        %dma_start3A_50 = tpu.memref_slice %arg5[%mul3A_47, %mul3A_49] : memref<10000x256xf32, #tpu.memory_space<hbm>> -> memref<1000x128xf32, #tpu.memory_space<hbm>>
        %dma_start3A_51 = arith.constant 0 : i32
        %dma_start3A_52 = tpu.memref_slice %arg9[%mul3A_45, %dma_start3A_51] : memref<10000x128xf32, #tpu.memory_space<vmem_shared>> -> memref<1000x128xf32, #tpu.memory_space<vmem_shared>>
        tpu.enqueue_dma source(%dma_start3A_52 : memref<1000x128xf32, #tpu.memory_space<vmem_shared>>) target(%dma_start3A_50 : memref<1000x128xf32, #tpu.memory_space<hbm>>) target_semaphore(%run_scoped3A : memref<!tpu.dma_semaphore, #tpu.memory_space<semaphore_mem>>)
        %dma_wait3A_53 = tpu.memref_slice %arg5[%mul3A_47, %mul3A_49] : memref<10000x256xf32, #tpu.memory_space<hbm>> -> memref<1000x128xf32, #tpu.memory_space<hbm>>
        %dma_wait3A_54 = arith.constant 0 : i32
        %dma_wait3A_55 = tpu.memref_slice %arg9[%mul3A_45, %dma_wait3A_54] : memref<10000x128xf32, #tpu.memory_space<vmem_shared>> -> memref<1000x128xf32, #tpu.memory_space<vmem_shared>>
        tpu.wait_dma2 semaphore(%run_scoped3A : memref<!tpu.dma_semaphore, #tpu.memory_space<semaphore_mem>>) src(%dma_wait3A_55 : memref<1000x128xf32, #tpu.memory_space<vmem_shared>>) dst(%dma_wait3A_53 : memref<1000x128xf32, #tpu.memory_space<hbm>>)
        tpu.yield
      }) : () -> ()
    } else {
    }
    return
  }
}

#map = affine_map<(d0, d1) -> (0, 0)>
#map1 = affine_map<(d0, d1) -> (0)>
module attributes {stable_mosaic.version = 14 : i64} {
  func.func @mp_kernel(%arg0: i32, %arg1: i32, %arg2: memref<64000x256xf32, #tpu.memory_space<hbm>>, %arg3: memref<160000xi32, #tpu.memory_space<hbm>>, %arg4: memref<160000xi32, #tpu.memory_space<hbm>>, %arg5: memref<10000x256xf32, #tpu.memory_space<hbm>>, %arg6: memref<160000x256xf32, #tpu.memory_space<hbm>>, %arg7: memref<4000xi32, #tpu.memory_space<vmem>>, %arg8: memref<10000xi32, #tpu.memory_space<vmem>>, %arg9: memref<80x128xf32, #tpu.memory_space<vmem>>, %arg10: memref<80x128xf32, #tpu.memory_space<vmem>>, %arg11: memref<10000x128xf32, #tpu.memory_space<vmem_shared>>, %arg12: memref<!tpu.dma_semaphore, #tpu.memory_space<semaphore_mem>>, %arg13: memref<!tpu.dma_semaphore, #tpu.memory_space<semaphore_mem>>, %arg14: memref<!tpu.dma_semaphore, #tpu.memory_space<semaphore_mem>>, %arg15: memref<!tpu.dma_semaphore, #tpu.memory_space<semaphore_mem>>) attributes {dimension_semantics = [#tpu.dimension_semantics<core_parallel>, #tpu.dimension_semantics<subcore_parallel>], iteration_bounds = array<i64: 2, 16>, scalar_prefetch = 0 : i64, scratch_operands = 9 : i64, tpu.core_type = #tpu.core_type<sc_vector_subcore>, window_params = [{transform_indices = #map}, {transform_indices = #map1}, {transform_indices = #map1}, {transform_indices = #map}, {transform_indices = #map}]} {
    %lt3A = arith.constant 10 : i32
    %lt3A_0 = arith.cmpi slt, %arg1, %lt3A : i32
    %convert_element_type3A = arith.extui %lt3A_0 : i1 to i32
    %cond3A = arith.constant 0 : i32
    %cond3A_1 = arith.cmpi ne, %convert_element_type3A, %cond3A : i32
    scf.if %cond3A_1 {
      %mul3A_63 = arith.constant 1000 : i32
      %mul3A_64 = arith.muli %arg1, %mul3A_63 : i32
      %mul3A_65 = arith.constant 128 : i32
      %mul3A_66 = arith.muli %arg0, %mul3A_65 : i32
      %mul3A_67 = arith.constant 1000 : i32
      %mul3A_68 = arith.muli %arg1, %mul3A_67 : i32
      "tpu.region"() ({
        %run_scoped3A = tpu.sem_alloc : memref<!tpu.dma_semaphore, #tpu.memory_space<semaphore_mem>>
        %dma_start3A_69 = arith.constant 0 : i32
        %dma_start3A_70 = tpu.memref_slice %arg11[%mul3A_68, %dma_start3A_69] : memref<10000x128xf32, #tpu.memory_space<vmem_shared>> -> memref<1000x128xf32, #tpu.memory_space<vmem_shared>>
        %dma_start3A_71 = tpu.memref_slice %arg5[%mul3A_64, %mul3A_66] : memref<10000x256xf32, #tpu.memory_space<hbm>> -> memref<1000x128xf32, #tpu.memory_space<hbm>>
        tpu.enqueue_dma source(%dma_start3A_71 : memref<1000x128xf32, #tpu.memory_space<hbm>>) target(%dma_start3A_70 : memref<1000x128xf32, #tpu.memory_space<vmem_shared>>) target_semaphore(%run_scoped3A : memref<!tpu.dma_semaphore, #tpu.memory_space<semaphore_mem>>)
        %dma_wait3A_72 = arith.constant 0 : i32
        %dma_wait3A_73 = tpu.memref_slice %arg11[%mul3A_68, %dma_wait3A_72] : memref<10000x128xf32, #tpu.memory_space<vmem_shared>> -> memref<1000x128xf32, #tpu.memory_space<vmem_shared>>
        %dma_wait3A_74 = tpu.memref_slice %arg5[%mul3A_64, %mul3A_66] : memref<10000x256xf32, #tpu.memory_space<hbm>> -> memref<1000x128xf32, #tpu.memory_space<hbm>>
        tpu.wait_dma2 semaphore(%run_scoped3A : memref<!tpu.dma_semaphore, #tpu.memory_space<semaphore_mem>>) src(%dma_wait3A_74 : memref<1000x128xf32, #tpu.memory_space<hbm>>) dst(%dma_wait3A_73 : memref<1000x128xf32, #tpu.memory_space<vmem_shared>>)
        tpu.yield
      }) : () -> ()
    } else {
    }
    %mul3A = arith.constant 4000 : i32
    %mul3A_2 = arith.muli %arg1, %mul3A : i32
    %add3A = arith.constant 96000 : i32
    %add3A_3 = arith.addi %add3A, %mul3A_2 : i32
    "tpu.region"() ({
      %run_scoped3A = tpu.sem_alloc : memref<!tpu.dma_semaphore, #tpu.memory_space<semaphore_mem>>
      %dma_start3A_63 = tpu.memref_slice %arg3[%add3A_3] : memref<160000xi32, #tpu.memory_space<hbm>> -> memref<4000xi32, #tpu.memory_space<hbm>>
      %dma_start3A_64 = tpu.memref_slice %arg3[%add3A_3] : memref<160000xi32, #tpu.memory_space<hbm>> -> memref<4000xi32, #tpu.memory_space<hbm>>
      tpu.enqueue_dma source(%dma_start3A_64 : memref<4000xi32, #tpu.memory_space<hbm>>) target(%arg7 : memref<4000xi32, #tpu.memory_space<vmem>>) target_semaphore(%run_scoped3A : memref<!tpu.dma_semaphore, #tpu.memory_space<semaphore_mem>>)
      %dma_wait3A_65 = tpu.memref_slice %arg3[%add3A_3] : memref<160000xi32, #tpu.memory_space<hbm>> -> memref<4000xi32, #tpu.memory_space<hbm>>
      %dma_wait3A_66 = tpu.memref_slice %arg3[%add3A_3] : memref<160000xi32, #tpu.memory_space<hbm>> -> memref<4000xi32, #tpu.memory_space<hbm>>
      tpu.wait_dma2 semaphore(%run_scoped3A : memref<!tpu.dma_semaphore, #tpu.memory_space<semaphore_mem>>) src(%dma_wait3A_66 : memref<4000xi32, #tpu.memory_space<hbm>>) dst(%arg7 : memref<4000xi32, #tpu.memory_space<vmem>>)
      tpu.yield
    }) : () -> ()
    %mul3A_4 = arith.constant 10000 : i32
    %mul3A_5 = arith.muli %arg1, %mul3A_4 : i32
    "tpu.region"() ({
      %run_scoped3A = tpu.sem_alloc : memref<!tpu.dma_semaphore, #tpu.memory_space<semaphore_mem>>
      %dma_start3A_63 = tpu.memref_slice %arg4[%mul3A_5] : memref<160000xi32, #tpu.memory_space<hbm>> -> memref<10000xi32, #tpu.memory_space<hbm>>
      %dma_start3A_64 = tpu.memref_slice %arg4[%mul3A_5] : memref<160000xi32, #tpu.memory_space<hbm>> -> memref<10000xi32, #tpu.memory_space<hbm>>
      tpu.enqueue_dma source(%dma_start3A_64 : memref<10000xi32, #tpu.memory_space<hbm>>) target(%arg8 : memref<10000xi32, #tpu.memory_space<vmem>>) target_semaphore(%run_scoped3A : memref<!tpu.dma_semaphore, #tpu.memory_space<semaphore_mem>>)
      %dma_wait3A_65 = tpu.memref_slice %arg4[%mul3A_5] : memref<160000xi32, #tpu.memory_space<hbm>> -> memref<10000xi32, #tpu.memory_space<hbm>>
      %dma_wait3A_66 = tpu.memref_slice %arg4[%mul3A_5] : memref<160000xi32, #tpu.memory_space<hbm>> -> memref<10000xi32, #tpu.memory_space<hbm>>
      tpu.wait_dma2 semaphore(%run_scoped3A : memref<!tpu.dma_semaphore, #tpu.memory_space<semaphore_mem>>) src(%dma_wait3A_66 : memref<10000xi32, #tpu.memory_space<hbm>>) dst(%arg8 : memref<10000xi32, #tpu.memory_space<vmem>>)
      tpu.yield
    }) : () -> ()
    %barrier3A = arith.constant 0 : index
    tpu.barrier barrier_id(%barrier3A)
    %mul3A_6 = arith.constant 4000 : i32
    %mul3A_7 = arith.muli %arg1, %mul3A_6 : i32
    %add3A_8 = arith.constant 0 : i32
    %add3A_9 = arith.addi %mul3A_7, %add3A_8 : i32
    %mul3A_10 = arith.constant 128 : i32
    %mul3A_11 = arith.muli %arg0, %mul3A_10 : i32
    %dma_start3A = tpu.memref_slice %arg2[%add3A_9, %mul3A_11] : memref<64000x256xf32, #tpu.memory_space<hbm>> -> memref<80x128xf32, #tpu.memory_space<hbm>>
    %dma_start3A_12 = tpu.memref_slice %arg2[%add3A_9, %mul3A_11] : memref<64000x256xf32, #tpu.memory_space<hbm>> -> memref<80x128xf32, #tpu.memory_space<hbm>>
    tpu.enqueue_dma source(%dma_start3A_12 : memref<80x128xf32, #tpu.memory_space<hbm>>) target(%arg9 : memref<80x128xf32, #tpu.memory_space<vmem>>) target_semaphore(%arg12 : memref<!tpu.dma_semaphore, #tpu.memory_space<semaphore_mem>>)
    %scan3A = arith.constant 0 : i32
    %scan3A_13 = arith.constant 0 : i32
    %scan3A_14 = arith.constant 25 : i32
    %scan3A_15 = arith.addi %scan3A_13, %scan3A_14 : i32
    %scan3A_16 = arith.constant 1 : i32
    scf.for %scan3A_63 = %scan3A_13 to %scan3A_15 step %scan3A_16  : i32 {
      %mul3A_64 = arith.constant 2 : i32
      %mul3A_65 = arith.muli %scan3A_63, %mul3A_64 : i32
      %ge3A = arith.constant 1 : i32
      %ge3A_66 = arith.cmpi sge, %mul3A_65, %ge3A : i32
      %convert_element_type3A_67 = arith.extui %ge3A_66 : i1 to i32
      %cond3A_68 = arith.constant 0 : i32
      %cond3A_69 = arith.cmpi ne, %convert_element_type3A_67, %cond3A_68 : i32
      scf.if %cond3A_69 {
        %sub3A = arith.constant 1 : i32
        %sub3A_123 = arith.subi %mul3A_65, %sub3A : i32
        %mul3A_124 = arith.constant 80 : i32
        %mul3A_125 = arith.muli %sub3A_123, %mul3A_124 : i32
        %dma_wait3A_126 = tpu.memref_slice %arg7[%mul3A_125] : memref<4000xi32, #tpu.memory_space<vmem>> -> memref<80xi32, #tpu.memory_space<vmem>>
        %dma_wait3A_127 = arith.constant 0 : i32
        %dma_wait3A_128 = arith.constant 0 : i32
        %dma_wait3A_129 = tpu.memref_slice %arg11[%dma_wait3A_127, %dma_wait3A_128] : memref<10000x128xf32, #tpu.memory_space<vmem_shared>> -> memref<10000x128xf32, #tpu.memory_space<vmem_shared>>
        tpu.wait_indirect_dma semaphore(%arg15 : memref<!tpu.dma_semaphore, #tpu.memory_space<semaphore_mem>>) src(%arg10 : memref<80x128xf32, #tpu.memory_space<vmem>>) dst(%dma_wait3A_129 : memref<10000x128xf32, #tpu.memory_space<vmem_shared>>)
      } else {
      }
      %add3A_70 = arith.constant 1 : i32
      %add3A_71 = arith.addi %mul3A_65, %add3A_70 : i32
      %lt3A_72 = arith.constant 50 : i32
      %lt3A_73 = arith.cmpi slt, %add3A_71, %lt3A_72 : i32
      %convert_element_type3A_74 = arith.extui %lt3A_73 : i1 to i32
      %cond3A_75 = arith.constant 0 : i32
      %cond3A_76 = arith.cmpi ne, %convert_element_type3A_74, %cond3A_75 : i32
      scf.if %cond3A_76 {
        %add3A_123 = arith.constant 1 : i32
        %add3A_124 = arith.addi %mul3A_65, %add3A_123 : i32
        %mul3A_125 = arith.constant 4000 : i32
        %mul3A_126 = arith.muli %arg1, %mul3A_125 : i32
        %mul3A_127 = arith.constant 80 : i32
        %mul3A_128 = arith.muli %add3A_124, %mul3A_127 : i32
        %add3A_129 = arith.addi %mul3A_126, %mul3A_128 : i32
        %mul3A_130 = arith.constant 128 : i32
        %mul3A_131 = arith.muli %arg0, %mul3A_130 : i32
        %dma_start3A_132 = tpu.memref_slice %arg2[%add3A_129, %mul3A_131] : memref<64000x256xf32, #tpu.memory_space<hbm>> -> memref<80x128xf32, #tpu.memory_space<hbm>>
        %dma_start3A_133 = tpu.memref_slice %arg2[%add3A_129, %mul3A_131] : memref<64000x256xf32, #tpu.memory_space<hbm>> -> memref<80x128xf32, #tpu.memory_space<hbm>>
        tpu.enqueue_dma source(%dma_start3A_133 : memref<80x128xf32, #tpu.memory_space<hbm>>) target(%arg10 : memref<80x128xf32, #tpu.memory_space<vmem>>) target_semaphore(%arg13 : memref<!tpu.dma_semaphore, #tpu.memory_space<semaphore_mem>>)
      } else {
      }
      %mul3A_77 = arith.constant 4000 : i32
      %mul3A_78 = arith.muli %arg1, %mul3A_77 : i32
      %mul3A_79 = arith.constant 80 : i32
      %mul3A_80 = arith.muli %mul3A_65, %mul3A_79 : i32
      %add3A_81 = arith.addi %mul3A_78, %mul3A_80 : i32
      %mul3A_82 = arith.constant 128 : i32
      %mul3A_83 = arith.muli %arg0, %mul3A_82 : i32
      %dma_wait3A_84 = tpu.memref_slice %arg2[%add3A_81, %mul3A_83] : memref<64000x256xf32, #tpu.memory_space<hbm>> -> memref<80x128xf32, #tpu.memory_space<hbm>>
      %dma_wait3A_85 = tpu.memref_slice %arg2[%add3A_81, %mul3A_83] : memref<64000x256xf32, #tpu.memory_space<hbm>> -> memref<80x128xf32, #tpu.memory_space<hbm>>
      tpu.wait_dma2 semaphore(%arg12 : memref<!tpu.dma_semaphore, #tpu.memory_space<semaphore_mem>>) src(%dma_wait3A_85 : memref<80x128xf32, #tpu.memory_space<hbm>>) dst(%arg9 : memref<80x128xf32, #tpu.memory_space<vmem>>)
      %mul3A_86 = arith.constant 80 : i32
      %mul3A_87 = arith.muli %mul3A_65, %mul3A_86 : i32
      %dma_start3A_88 = tpu.memref_slice %arg7[%mul3A_87] : memref<4000xi32, #tpu.memory_space<vmem>> -> memref<80xi32, #tpu.memory_space<vmem>>
      %dma_start3A_89 = arith.constant 0 : i32
      %dma_start3A_90 = arith.constant 0 : i32
      %dma_start3A_91 = tpu.memref_slice %arg11[%dma_start3A_89, %dma_start3A_90] : memref<10000x128xf32, #tpu.memory_space<vmem_shared>> -> memref<10000x128xf32, #tpu.memory_space<vmem_shared>>
      tpu.enqueue_indirect_dma source(%arg9 : memref<80x128xf32, #tpu.memory_space<vmem>>) target(%dma_start3A_91 : memref<10000x128xf32, #tpu.memory_space<vmem_shared>>) offsets(%dma_start3A_88 : memref<80xi32, #tpu.memory_space<vmem>>) semaphore(%arg14 : memref<!tpu.dma_semaphore, #tpu.memory_space<semaphore_mem>>) {add = true}
      %mul3A_92 = arith.constant 2 : i32
      %mul3A_93 = arith.muli %scan3A_63, %mul3A_92 : i32
      %add3A_94 = arith.constant 1 : i32
      %add3A_95 = arith.addi %mul3A_93, %add3A_94 : i32
      %ge3A_96 = arith.constant 1 : i32
      %ge3A_97 = arith.cmpi sge, %add3A_95, %ge3A_96 : i32
      %convert_element_type3A_98 = arith.extui %ge3A_97 : i1 to i32
      %cond3A_99 = arith.constant 0 : i32
      %cond3A_100 = arith.cmpi ne, %convert_element_type3A_98, %cond3A_99 : i32
      scf.if %cond3A_100 {
        %sub3A = arith.constant 1 : i32
        %sub3A_123 = arith.subi %add3A_95, %sub3A : i32
        %mul3A_124 = arith.constant 80 : i32
        %mul3A_125 = arith.muli %sub3A_123, %mul3A_124 : i32
        %dma_wait3A_126 = tpu.memref_slice %arg7[%mul3A_125] : memref<4000xi32, #tpu.memory_space<vmem>> -> memref<80xi32, #tpu.memory_space<vmem>>
        %dma_wait3A_127 = arith.constant 0 : i32
        %dma_wait3A_128 = arith.constant 0 : i32
        %dma_wait3A_129 = tpu.memref_slice %arg11[%dma_wait3A_127, %dma_wait3A_128] : memref<10000x128xf32, #tpu.memory_space<vmem_shared>> -> memref<10000x128xf32, #tpu.memory_space<vmem_shared>>
        tpu.wait_indirect_dma semaphore(%arg14 : memref<!tpu.dma_semaphore, #tpu.memory_space<semaphore_mem>>) src(%arg9 : memref<80x128xf32, #tpu.memory_space<vmem>>) dst(%dma_wait3A_129 : memref<10000x128xf32, #tpu.memory_space<vmem_shared>>)
      } else {
      }
      %add3A_101 = arith.constant 1 : i32
      %add3A_102 = arith.addi %add3A_95, %add3A_101 : i32
      %lt3A_103 = arith.constant 50 : i32
      %lt3A_104 = arith.cmpi slt, %add3A_102, %lt3A_103 : i32
      %convert_element_type3A_105 = arith.extui %lt3A_104 : i1 to i32
      %cond3A_106 = arith.constant 0 : i32
      %cond3A_107 = arith.cmpi ne, %convert_element_type3A_105, %cond3A_106 : i32
      scf.if %cond3A_107 {
        %add3A_123 = arith.constant 1 : i32
        %add3A_124 = arith.addi %add3A_95, %add3A_123 : i32
        %mul3A_125 = arith.constant 4000 : i32
        %mul3A_126 = arith.muli %arg1, %mul3A_125 : i32
        %mul3A_127 = arith.constant 80 : i32
        %mul3A_128 = arith.muli %add3A_124, %mul3A_127 : i32
        %add3A_129 = arith.addi %mul3A_126, %mul3A_128 : i32
        %mul3A_130 = arith.constant 128 : i32
        %mul3A_131 = arith.muli %arg0, %mul3A_130 : i32
        %dma_start3A_132 = tpu.memref_slice %arg2[%add3A_129, %mul3A_131] : memref<64000x256xf32, #tpu.memory_space<hbm>> -> memref<80x128xf32, #tpu.memory_space<hbm>>
        %dma_start3A_133 = tpu.memref_slice %arg2[%add3A_129, %mul3A_131] : memref<64000x256xf32, #tpu.memory_space<hbm>> -> memref<80x128xf32, #tpu.memory_space<hbm>>
        tpu.enqueue_dma source(%dma_start3A_133 : memref<80x128xf32, #tpu.memory_space<hbm>>) target(%arg9 : memref<80x128xf32, #tpu.memory_space<vmem>>) target_semaphore(%arg12 : memref<!tpu.dma_semaphore, #tpu.memory_space<semaphore_mem>>)
      } else {
      }
      %mul3A_108 = arith.constant 4000 : i32
      %mul3A_109 = arith.muli %arg1, %mul3A_108 : i32
      %mul3A_110 = arith.constant 80 : i32
      %mul3A_111 = arith.muli %add3A_95, %mul3A_110 : i32
      %add3A_112 = arith.addi %mul3A_109, %mul3A_111 : i32
      %mul3A_113 = arith.constant 128 : i32
      %mul3A_114 = arith.muli %arg0, %mul3A_113 : i32
      %dma_wait3A_115 = tpu.memref_slice %arg2[%add3A_112, %mul3A_114] : memref<64000x256xf32, #tpu.memory_space<hbm>> -> memref<80x128xf32, #tpu.memory_space<hbm>>
      %dma_wait3A_116 = tpu.memref_slice %arg2[%add3A_112, %mul3A_114] : memref<64000x256xf32, #tpu.memory_space<hbm>> -> memref<80x128xf32, #tpu.memory_space<hbm>>
      tpu.wait_dma2 semaphore(%arg13 : memref<!tpu.dma_semaphore, #tpu.memory_space<semaphore_mem>>) src(%dma_wait3A_116 : memref<80x128xf32, #tpu.memory_space<hbm>>) dst(%arg10 : memref<80x128xf32, #tpu.memory_space<vmem>>)
      %mul3A_117 = arith.constant 80 : i32
      %mul3A_118 = arith.muli %add3A_95, %mul3A_117 : i32
      %dma_start3A_119 = tpu.memref_slice %arg7[%mul3A_118] : memref<4000xi32, #tpu.memory_space<vmem>> -> memref<80xi32, #tpu.memory_space<vmem>>
      %dma_start3A_120 = arith.constant 0 : i32
      %dma_start3A_121 = arith.constant 0 : i32
      %dma_start3A_122 = tpu.memref_slice %arg11[%dma_start3A_120, %dma_start3A_121] : memref<10000x128xf32, #tpu.memory_space<vmem_shared>> -> memref<10000x128xf32, #tpu.memory_space<vmem_shared>>
      tpu.enqueue_indirect_dma source(%arg10 : memref<80x128xf32, #tpu.memory_space<vmem>>) target(%dma_start3A_122 : memref<10000x128xf32, #tpu.memory_space<vmem_shared>>) offsets(%dma_start3A_119 : memref<80xi32, #tpu.memory_space<vmem>>) semaphore(%arg15 : memref<!tpu.dma_semaphore, #tpu.memory_space<semaphore_mem>>) {add = true}
    }
    %scan3A_17 = arith.constant 25 : i32
    %dma_wait3A = arith.constant 3920 : i32
    %dma_wait3A_18 = tpu.memref_slice %arg7[%dma_wait3A] : memref<4000xi32, #tpu.memory_space<vmem>> -> memref<80xi32, #tpu.memory_space<vmem>>
    %dma_wait3A_19 = arith.constant 0 : i32
    %dma_wait3A_20 = arith.constant 0 : i32
    %dma_wait3A_21 = tpu.memref_slice %arg11[%dma_wait3A_19, %dma_wait3A_20] : memref<10000x128xf32, #tpu.memory_space<vmem_shared>> -> memref<10000x128xf32, #tpu.memory_space<vmem_shared>>
    tpu.wait_indirect_dma semaphore(%arg15 : memref<!tpu.dma_semaphore, #tpu.memory_space<semaphore_mem>>) src(%arg10 : memref<80x128xf32, #tpu.memory_space<vmem>>) dst(%dma_wait3A_21 : memref<10000x128xf32, #tpu.memory_space<vmem_shared>>)
    %barrier3A_22 = arith.constant 0 : index
    tpu.barrier barrier_id(%barrier3A_22)
    %dma_start3A_23 = arith.constant 0 : i32
    %dma_start3A_24 = tpu.memref_slice %arg8[%dma_start3A_23] : memref<10000xi32, #tpu.memory_space<vmem>> -> memref<80xi32, #tpu.memory_space<vmem>>
    %dma_start3A_25 = arith.constant 0 : i32
    %dma_start3A_26 = arith.constant 0 : i32
    %dma_start3A_27 = tpu.memref_slice %arg11[%dma_start3A_25, %dma_start3A_26] : memref<10000x128xf32, #tpu.memory_space<vmem_shared>> -> memref<10000x128xf32, #tpu.memory_space<vmem_shared>>
    tpu.enqueue_indirect_dma source(%dma_start3A_27 : memref<10000x128xf32, #tpu.memory_space<vmem_shared>>) target(%arg9 : memref<80x128xf32, #tpu.memory_space<vmem>>) offsets(%dma_start3A_24 : memref<80xi32, #tpu.memory_space<vmem>>) semaphore(%arg12 : memref<!tpu.dma_semaphore, #tpu.memory_space<semaphore_mem>>)
    %scan3A_28 = arith.constant 0 : i32
    %scan3A_29 = arith.constant 0 : i32
    %scan3A_30 = arith.constant 62 : i32
    %scan3A_31 = arith.addi %scan3A_29, %scan3A_30 : i32
    %scan3A_32 = arith.constant 1 : i32
    scf.for %scan3A_63 = %scan3A_29 to %scan3A_31 step %scan3A_32  : i32 {
      %mul3A_64 = arith.constant 2 : i32
      %mul3A_65 = arith.muli %scan3A_63, %mul3A_64 : i32
      %ge3A = arith.constant 1 : i32
      %ge3A_66 = arith.cmpi sge, %mul3A_65, %ge3A : i32
      %convert_element_type3A_67 = arith.extui %ge3A_66 : i1 to i32
      %cond3A_68 = arith.constant 0 : i32
      %cond3A_69 = arith.cmpi ne, %convert_element_type3A_67, %cond3A_68 : i32
      scf.if %cond3A_69 {
        %sub3A = arith.constant 1 : i32
        %sub3A_123 = arith.subi %mul3A_65, %sub3A : i32
        %mul3A_124 = arith.constant 10000 : i32
        %mul3A_125 = arith.muli %arg1, %mul3A_124 : i32
        %mul3A_126 = arith.constant 80 : i32
        %mul3A_127 = arith.muli %sub3A_123, %mul3A_126 : i32
        %add3A_128 = arith.addi %mul3A_125, %mul3A_127 : i32
        %mul3A_129 = arith.constant 128 : i32
        %mul3A_130 = arith.muli %arg0, %mul3A_129 : i32
        %dma_wait3A_131 = tpu.memref_slice %arg6[%add3A_128, %mul3A_130] : memref<160000x256xf32, #tpu.memory_space<hbm>> -> memref<80x128xf32, #tpu.memory_space<hbm>>
        %dma_wait3A_132 = tpu.memref_slice %arg6[%add3A_128, %mul3A_130] : memref<160000x256xf32, #tpu.memory_space<hbm>> -> memref<80x128xf32, #tpu.memory_space<hbm>>
        tpu.wait_dma2 semaphore(%arg15 : memref<!tpu.dma_semaphore, #tpu.memory_space<semaphore_mem>>) src(%arg10 : memref<80x128xf32, #tpu.memory_space<vmem>>) dst(%dma_wait3A_132 : memref<80x128xf32, #tpu.memory_space<hbm>>)
      } else {
      }
      %add3A_70 = arith.constant 1 : i32
      %add3A_71 = arith.addi %mul3A_65, %add3A_70 : i32
      %lt3A_72 = arith.constant 125 : i32
      %lt3A_73 = arith.cmpi slt, %add3A_71, %lt3A_72 : i32
      %convert_element_type3A_74 = arith.extui %lt3A_73 : i1 to i32
      %cond3A_75 = arith.constant 0 : i32
      %cond3A_76 = arith.cmpi ne, %convert_element_type3A_74, %cond3A_75 : i32
      scf.if %cond3A_76 {
        %add3A_123 = arith.constant 1 : i32
        %add3A_124 = arith.addi %mul3A_65, %add3A_123 : i32
        %mul3A_125 = arith.constant 80 : i32
        %mul3A_126 = arith.muli %add3A_124, %mul3A_125 : i32
        %dma_start3A_127 = tpu.memref_slice %arg8[%mul3A_126] : memref<10000xi32, #tpu.memory_space<vmem>> -> memref<80xi32, #tpu.memory_space<vmem>>
        %dma_start3A_128 = arith.constant 0 : i32
        %dma_start3A_129 = arith.constant 0 : i32
        %dma_start3A_130 = tpu.memref_slice %arg11[%dma_start3A_128, %dma_start3A_129] : memref<10000x128xf32, #tpu.memory_space<vmem_shared>> -> memref<10000x128xf32, #tpu.memory_space<vmem_shared>>
        tpu.enqueue_indirect_dma source(%dma_start3A_130 : memref<10000x128xf32, #tpu.memory_space<vmem_shared>>) target(%arg10 : memref<80x128xf32, #tpu.memory_space<vmem>>) offsets(%dma_start3A_127 : memref<80xi32, #tpu.memory_space<vmem>>) semaphore(%arg13 : memref<!tpu.dma_semaphore, #tpu.memory_space<semaphore_mem>>)
      } else {
      }
      %mul3A_77 = arith.constant 80 : i32
      %mul3A_78 = arith.muli %mul3A_65, %mul3A_77 : i32
      %dma_wait3A_79 = tpu.memref_slice %arg8[%mul3A_78] : memref<10000xi32, #tpu.memory_space<vmem>> -> memref<80xi32, #tpu.memory_space<vmem>>
      %dma_wait3A_80 = arith.constant 0 : i32
      %dma_wait3A_81 = arith.constant 0 : i32
      %dma_wait3A_82 = tpu.memref_slice %arg11[%dma_wait3A_80, %dma_wait3A_81] : memref<10000x128xf32, #tpu.memory_space<vmem_shared>> -> memref<10000x128xf32, #tpu.memory_space<vmem_shared>>
      tpu.wait_indirect_dma semaphore(%arg12 : memref<!tpu.dma_semaphore, #tpu.memory_space<semaphore_mem>>) src(%dma_wait3A_82 : memref<10000x128xf32, #tpu.memory_space<vmem_shared>>) dst(%arg9 : memref<80x128xf32, #tpu.memory_space<vmem>>)
      %mul3A_83 = arith.constant 10000 : i32
      %mul3A_84 = arith.muli %arg1, %mul3A_83 : i32
      %mul3A_85 = arith.constant 80 : i32
      %mul3A_86 = arith.muli %mul3A_65, %mul3A_85 : i32
      %add3A_87 = arith.addi %mul3A_84, %mul3A_86 : i32
      %mul3A_88 = arith.constant 128 : i32
      %mul3A_89 = arith.muli %arg0, %mul3A_88 : i32
      %dma_start3A_90 = tpu.memref_slice %arg6[%add3A_87, %mul3A_89] : memref<160000x256xf32, #tpu.memory_space<hbm>> -> memref<80x128xf32, #tpu.memory_space<hbm>>
      %dma_start3A_91 = tpu.memref_slice %arg6[%add3A_87, %mul3A_89] : memref<160000x256xf32, #tpu.memory_space<hbm>> -> memref<80x128xf32, #tpu.memory_space<hbm>>
      tpu.enqueue_dma source(%arg9 : memref<80x128xf32, #tpu.memory_space<vmem>>) target(%dma_start3A_91 : memref<80x128xf32, #tpu.memory_space<hbm>>) target_semaphore(%arg14 : memref<!tpu.dma_semaphore, #tpu.memory_space<semaphore_mem>>)
      %mul3A_92 = arith.constant 2 : i32
      %mul3A_93 = arith.muli %scan3A_63, %mul3A_92 : i32
      %add3A_94 = arith.constant 1 : i32
      %add3A_95 = arith.addi %mul3A_93, %add3A_94 : i32
      %ge3A_96 = arith.constant 1 : i32
      %ge3A_97 = arith.cmpi sge, %add3A_95, %ge3A_96 : i32
      %convert_element_type3A_98 = arith.extui %ge3A_97 : i1 to i32
      %cond3A_99 = arith.constant 0 : i32
      %cond3A_100 = arith.cmpi ne, %convert_element_type3A_98, %cond3A_99 : i32
      scf.if %cond3A_100 {
        %sub3A = arith.constant 1 : i32
        %sub3A_123 = arith.subi %add3A_95, %sub3A : i32
        %mul3A_124 = arith.constant 10000 : i32
        %mul3A_125 = arith.muli %arg1, %mul3A_124 : i32
        %mul3A_126 = arith.constant 80 : i32
        %mul3A_127 = arith.muli %sub3A_123, %mul3A_126 : i32
        %add3A_128 = arith.addi %mul3A_125, %mul3A_127 : i32
        %mul3A_129 = arith.constant 128 : i32
        %mul3A_130 = arith.muli %arg0, %mul3A_129 : i32
        %dma_wait3A_131 = tpu.memref_slice %arg6[%add3A_128, %mul3A_130] : memref<160000x256xf32, #tpu.memory_space<hbm>> -> memref<80x128xf32, #tpu.memory_space<hbm>>
        %dma_wait3A_132 = tpu.memref_slice %arg6[%add3A_128, %mul3A_130] : memref<160000x256xf32, #tpu.memory_space<hbm>> -> memref<80x128xf32, #tpu.memory_space<hbm>>
        tpu.wait_dma2 semaphore(%arg14 : memref<!tpu.dma_semaphore, #tpu.memory_space<semaphore_mem>>) src(%arg9 : memref<80x128xf32, #tpu.memory_space<vmem>>) dst(%dma_wait3A_132 : memref<80x128xf32, #tpu.memory_space<hbm>>)
      } else {
      }
      %add3A_101 = arith.constant 1 : i32
      %add3A_102 = arith.addi %add3A_95, %add3A_101 : i32
      %lt3A_103 = arith.constant 125 : i32
      %lt3A_104 = arith.cmpi slt, %add3A_102, %lt3A_103 : i32
      %convert_element_type3A_105 = arith.extui %lt3A_104 : i1 to i32
      %cond3A_106 = arith.constant 0 : i32
      %cond3A_107 = arith.cmpi ne, %convert_element_type3A_105, %cond3A_106 : i32
      scf.if %cond3A_107 {
        %add3A_123 = arith.constant 1 : i32
        %add3A_124 = arith.addi %add3A_95, %add3A_123 : i32
        %mul3A_125 = arith.constant 80 : i32
        %mul3A_126 = arith.muli %add3A_124, %mul3A_125 : i32
        %dma_start3A_127 = tpu.memref_slice %arg8[%mul3A_126] : memref<10000xi32, #tpu.memory_space<vmem>> -> memref<80xi32, #tpu.memory_space<vmem>>
        %dma_start3A_128 = arith.constant 0 : i32
        %dma_start3A_129 = arith.constant 0 : i32
        %dma_start3A_130 = tpu.memref_slice %arg11[%dma_start3A_128, %dma_start3A_129] : memref<10000x128xf32, #tpu.memory_space<vmem_shared>> -> memref<10000x128xf32, #tpu.memory_space<vmem_shared>>
        tpu.enqueue_indirect_dma source(%dma_start3A_130 : memref<10000x128xf32, #tpu.memory_space<vmem_shared>>) target(%arg9 : memref<80x128xf32, #tpu.memory_space<vmem>>) offsets(%dma_start3A_127 : memref<80xi32, #tpu.memory_space<vmem>>) semaphore(%arg12 : memref<!tpu.dma_semaphore, #tpu.memory_space<semaphore_mem>>)
      } else {
      }
      %mul3A_108 = arith.constant 80 : i32
      %mul3A_109 = arith.muli %add3A_95, %mul3A_108 : i32
      %dma_wait3A_110 = tpu.memref_slice %arg8[%mul3A_109] : memref<10000xi32, #tpu.memory_space<vmem>> -> memref<80xi32, #tpu.memory_space<vmem>>
      %dma_wait3A_111 = arith.constant 0 : i32
      %dma_wait3A_112 = arith.constant 0 : i32
      %dma_wait3A_113 = tpu.memref_slice %arg11[%dma_wait3A_111, %dma_wait3A_112] : memref<10000x128xf32, #tpu.memory_space<vmem_shared>> -> memref<10000x128xf32, #tpu.memory_space<vmem_shared>>
      tpu.wait_indirect_dma semaphore(%arg13 : memref<!tpu.dma_semaphore, #tpu.memory_space<semaphore_mem>>) src(%dma_wait3A_113 : memref<10000x128xf32, #tpu.memory_space<vmem_shared>>) dst(%arg10 : memref<80x128xf32, #tpu.memory_space<vmem>>)
      %mul3A_114 = arith.constant 10000 : i32
      %mul3A_115 = arith.muli %arg1, %mul3A_114 : i32
      %mul3A_116 = arith.constant 80 : i32
      %mul3A_117 = arith.muli %add3A_95, %mul3A_116 : i32
      %add3A_118 = arith.addi %mul3A_115, %mul3A_117 : i32
      %mul3A_119 = arith.constant 128 : i32
      %mul3A_120 = arith.muli %arg0, %mul3A_119 : i32
      %dma_start3A_121 = tpu.memref_slice %arg6[%add3A_118, %mul3A_120] : memref<160000x256xf32, #tpu.memory_space<hbm>> -> memref<80x128xf32, #tpu.memory_space<hbm>>
      %dma_start3A_122 = tpu.memref_slice %arg6[%add3A_118, %mul3A_120] : memref<160000x256xf32, #tpu.memory_space<hbm>> -> memref<80x128xf32, #tpu.memory_space<hbm>>
      tpu.enqueue_dma source(%arg10 : memref<80x128xf32, #tpu.memory_space<vmem>>) target(%dma_start3A_122 : memref<80x128xf32, #tpu.memory_space<hbm>>) target_semaphore(%arg15 : memref<!tpu.dma_semaphore, #tpu.memory_space<semaphore_mem>>)
    }
    %scan3A_33 = arith.constant 62 : i32
    %mul3A_34 = arith.constant 10000 : i32
    %mul3A_35 = arith.muli %arg1, %mul3A_34 : i32
    %add3A_36 = arith.constant 9840 : i32
    %add3A_37 = arith.addi %mul3A_35, %add3A_36 : i32
    %mul3A_38 = arith.constant 128 : i32
    %mul3A_39 = arith.muli %arg0, %mul3A_38 : i32
    %dma_wait3A_40 = tpu.memref_slice %arg6[%add3A_37, %mul3A_39] : memref<160000x256xf32, #tpu.memory_space<hbm>> -> memref<80x128xf32, #tpu.memory_space<hbm>>
    %dma_wait3A_41 = tpu.memref_slice %arg6[%add3A_37, %mul3A_39] : memref<160000x256xf32, #tpu.memory_space<hbm>> -> memref<80x128xf32, #tpu.memory_space<hbm>>
    tpu.wait_dma2 semaphore(%arg15 : memref<!tpu.dma_semaphore, #tpu.memory_space<semaphore_mem>>) src(%arg10 : memref<80x128xf32, #tpu.memory_space<vmem>>) dst(%dma_wait3A_41 : memref<80x128xf32, #tpu.memory_space<hbm>>)
    %dma_wait3A_42 = arith.constant 9920 : i32
    %dma_wait3A_43 = tpu.memref_slice %arg8[%dma_wait3A_42] : memref<10000xi32, #tpu.memory_space<vmem>> -> memref<80xi32, #tpu.memory_space<vmem>>
    %dma_wait3A_44 = arith.constant 0 : i32
    %dma_wait3A_45 = arith.constant 0 : i32
    %dma_wait3A_46 = tpu.memref_slice %arg11[%dma_wait3A_44, %dma_wait3A_45] : memref<10000x128xf32, #tpu.memory_space<vmem_shared>> -> memref<10000x128xf32, #tpu.memory_space<vmem_shared>>
    tpu.wait_indirect_dma semaphore(%arg12 : memref<!tpu.dma_semaphore, #tpu.memory_space<semaphore_mem>>) src(%dma_wait3A_46 : memref<10000x128xf32, #tpu.memory_space<vmem_shared>>) dst(%arg9 : memref<80x128xf32, #tpu.memory_space<vmem>>)
    %mul3A_47 = arith.constant 10000 : i32
    %mul3A_48 = arith.muli %arg1, %mul3A_47 : i32
    %add3A_49 = arith.constant 9920 : i32
    %add3A_50 = arith.addi %mul3A_48, %add3A_49 : i32
    %mul3A_51 = arith.constant 128 : i32
    %mul3A_52 = arith.muli %arg0, %mul3A_51 : i32
    %dma_start3A_53 = tpu.memref_slice %arg6[%add3A_50, %mul3A_52] : memref<160000x256xf32, #tpu.memory_space<hbm>> -> memref<80x128xf32, #tpu.memory_space<hbm>>
    %dma_start3A_54 = tpu.memref_slice %arg6[%add3A_50, %mul3A_52] : memref<160000x256xf32, #tpu.memory_space<hbm>> -> memref<80x128xf32, #tpu.memory_space<hbm>>
    tpu.enqueue_dma source(%arg9 : memref<80x128xf32, #tpu.memory_space<vmem>>) target(%dma_start3A_54 : memref<80x128xf32, #tpu.memory_space<hbm>>) target_semaphore(%arg14 : memref<!tpu.dma_semaphore, #tpu.memory_space<semaphore_mem>>)
    %mul3A_55 = arith.constant 10000 : i32
    %mul3A_56 = arith.muli %arg1, %mul3A_55 : i32
    %add3A_57 = arith.constant 9920 : i32
    %add3A_58 = arith.addi %mul3A_56, %add3A_57 : i32
    %mul3A_59 = arith.constant 128 : i32
    %mul3A_60 = arith.muli %arg0, %mul3A_59 : i32
    %dma_wait3A_61 = tpu.memref_slice %arg6[%add3A_58, %mul3A_60] : memref<160000x256xf32, #tpu.memory_space<hbm>> -> memref<80x128xf32, #tpu.memory_space<hbm>>
    %dma_wait3A_62 = tpu.memref_slice %arg6[%add3A_58, %mul3A_60] : memref<160000x256xf32, #tpu.memory_space<hbm>> -> memref<80x128xf32, #tpu.memory_space<hbm>>
    tpu.wait_dma2 semaphore(%arg14 : memref<!tpu.dma_semaphore, #tpu.memory_space<semaphore_mem>>) src(%arg9 : memref<80x128xf32, #tpu.memory_space<vmem>>) dst(%dma_wait3A_62 : memref<80x128xf32, #tpu.memory_space<hbm>>)
    return
  }
}

#map = affine_map<(d0, d1) -> (0, 0)>
#map1 = affine_map<(d0, d1) -> (0)>
module attributes {stable_mosaic.version = 14 : i64} {
  func.func @mp_kernel(%arg0: i32, %arg1: i32, %arg2: memref<160000x256xf32, #tpu.memory_space<hbm>>, %arg3: memref<160000xi32, #tpu.memory_space<hbm>>, %arg4: memref<160000xi32, #tpu.memory_space<hbm>>, %arg5: memref<1000x128xf32, #tpu.memory_space<hbm>>, %arg6: memref<160000x256xf32, #tpu.memory_space<hbm>>, %arg7: memref<10000xi32, #tpu.memory_space<vmem>>, %arg8: memref<10000xi32, #tpu.memory_space<vmem>>, %arg9: memref<80x128xf32, #tpu.memory_space<vmem>>, %arg10: memref<80x128xf32, #tpu.memory_space<vmem>>, %arg11: memref<10000x128xf32, #tpu.memory_space<vmem_shared>>, %arg12: memref<!tpu.dma_semaphore, #tpu.memory_space<semaphore_mem>>, %arg13: memref<!tpu.dma_semaphore, #tpu.memory_space<semaphore_mem>>, %arg14: memref<!tpu.dma_semaphore, #tpu.memory_space<semaphore_mem>>, %arg15: memref<!tpu.dma_semaphore, #tpu.memory_space<semaphore_mem>>) attributes {dimension_semantics = [#tpu.dimension_semantics<core_parallel>, #tpu.dimension_semantics<subcore_parallel>], iteration_bounds = array<i64: 2, 16>, scalar_prefetch = 0 : i64, scratch_operands = 9 : i64, tpu.core_type = #tpu.core_type<sc_vector_subcore>, window_params = [{transform_indices = #map}, {transform_indices = #map1}, {transform_indices = #map1}, {transform_indices = #map}, {transform_indices = #map}]} {
    %lt3A = arith.constant 10 : i32
    %lt3A_0 = arith.cmpi slt, %arg1, %lt3A : i32
    %convert_element_type3A = arith.extui %lt3A_0 : i1 to i32
    %cond3A = arith.constant 0 : i32
    %cond3A_1 = arith.cmpi ne, %convert_element_type3A, %cond3A : i32
    scf.if %cond3A_1 {
      %mul3A_81 = arith.constant 1000 : i32
      %mul3A_82 = arith.muli %arg1, %mul3A_81 : i32
      "tpu.region"() ({
        %run_scoped3A = tpu.sem_alloc : memref<!tpu.dma_semaphore, #tpu.memory_space<semaphore_mem>>
        %dma_start3A_83 = arith.constant 0 : i32
        %dma_start3A_84 = tpu.memref_slice %arg11[%mul3A_82, %dma_start3A_83] : memref<10000x128xf32, #tpu.memory_space<vmem_shared>> -> memref<1000x128xf32, #tpu.memory_space<vmem_shared>>
        tpu.enqueue_dma source(%arg5 : memref<1000x128xf32, #tpu.memory_space<hbm>>) target(%dma_start3A_84 : memref<1000x128xf32, #tpu.memory_space<vmem_shared>>) target_semaphore(%run_scoped3A : memref<!tpu.dma_semaphore, #tpu.memory_space<semaphore_mem>>)
        %dma_wait3A_85 = arith.constant 0 : i32
        %dma_wait3A_86 = tpu.memref_slice %arg11[%mul3A_82, %dma_wait3A_85] : memref<10000x128xf32, #tpu.memory_space<vmem_shared>> -> memref<1000x128xf32, #tpu.memory_space<vmem_shared>>
        tpu.wait_dma2 semaphore(%run_scoped3A : memref<!tpu.dma_semaphore, #tpu.memory_space<semaphore_mem>>) src(%arg5 : memref<1000x128xf32, #tpu.memory_space<hbm>>) dst(%dma_wait3A_86 : memref<1000x128xf32, #tpu.memory_space<vmem_shared>>)
        tpu.yield
      }) : () -> ()
    } else {
    }
    %mul3A = arith.constant 10000 : i32
    %mul3A_2 = arith.muli %arg1, %mul3A : i32
    %add3A = arith.constant 0 : i32
    %add3A_3 = arith.addi %add3A, %mul3A_2 : i32
    "tpu.region"() ({
      %run_scoped3A = tpu.sem_alloc : memref<!tpu.dma_semaphore, #tpu.memory_space<semaphore_mem>>
      %dma_start3A_81 = tpu.memref_slice %arg3[%add3A_3] : memref<160000xi32, #tpu.memory_space<hbm>> -> memref<10000xi32, #tpu.memory_space<hbm>>
      %dma_start3A_82 = tpu.memref_slice %arg3[%add3A_3] : memref<160000xi32, #tpu.memory_space<hbm>> -> memref<10000xi32, #tpu.memory_space<hbm>>
      tpu.enqueue_dma source(%dma_start3A_82 : memref<10000xi32, #tpu.memory_space<hbm>>) target(%arg7 : memref<10000xi32, #tpu.memory_space<vmem>>) target_semaphore(%run_scoped3A : memref<!tpu.dma_semaphore, #tpu.memory_space<semaphore_mem>>)
      %dma_wait3A_83 = tpu.memref_slice %arg3[%add3A_3] : memref<160000xi32, #tpu.memory_space<hbm>> -> memref<10000xi32, #tpu.memory_space<hbm>>
      %dma_wait3A_84 = tpu.memref_slice %arg3[%add3A_3] : memref<160000xi32, #tpu.memory_space<hbm>> -> memref<10000xi32, #tpu.memory_space<hbm>>
      tpu.wait_dma2 semaphore(%run_scoped3A : memref<!tpu.dma_semaphore, #tpu.memory_space<semaphore_mem>>) src(%dma_wait3A_84 : memref<10000xi32, #tpu.memory_space<hbm>>) dst(%arg7 : memref<10000xi32, #tpu.memory_space<vmem>>)
      tpu.yield
    }) : () -> ()
    %mul3A_4 = arith.constant 10000 : i32
    %mul3A_5 = arith.muli %arg1, %mul3A_4 : i32
    "tpu.region"() ({
      %run_scoped3A = tpu.sem_alloc : memref<!tpu.dma_semaphore, #tpu.memory_space<semaphore_mem>>
      %dma_start3A_81 = tpu.memref_slice %arg4[%mul3A_5] : memref<160000xi32, #tpu.memory_space<hbm>> -> memref<10000xi32, #tpu.memory_space<hbm>>
      %dma_start3A_82 = tpu.memref_slice %arg4[%mul3A_5] : memref<160000xi32, #tpu.memory_space<hbm>> -> memref<10000xi32, #tpu.memory_space<hbm>>
      tpu.enqueue_dma source(%dma_start3A_82 : memref<10000xi32, #tpu.memory_space<hbm>>) target(%arg8 : memref<10000xi32, #tpu.memory_space<vmem>>) target_semaphore(%run_scoped3A : memref<!tpu.dma_semaphore, #tpu.memory_space<semaphore_mem>>)
      %dma_wait3A_83 = tpu.memref_slice %arg4[%mul3A_5] : memref<160000xi32, #tpu.memory_space<hbm>> -> memref<10000xi32, #tpu.memory_space<hbm>>
      %dma_wait3A_84 = tpu.memref_slice %arg4[%mul3A_5] : memref<160000xi32, #tpu.memory_space<hbm>> -> memref<10000xi32, #tpu.memory_space<hbm>>
      tpu.wait_dma2 semaphore(%run_scoped3A : memref<!tpu.dma_semaphore, #tpu.memory_space<semaphore_mem>>) src(%dma_wait3A_84 : memref<10000xi32, #tpu.memory_space<hbm>>) dst(%arg8 : memref<10000xi32, #tpu.memory_space<vmem>>)
      tpu.yield
    }) : () -> ()
    %barrier3A = arith.constant 0 : index
    tpu.barrier barrier_id(%barrier3A)
    %mul3A_6 = arith.constant 10000 : i32
    %mul3A_7 = arith.muli %arg1, %mul3A_6 : i32
    %add3A_8 = arith.constant 0 : i32
    %add3A_9 = arith.addi %mul3A_7, %add3A_8 : i32
    %mul3A_10 = arith.constant 128 : i32
    %mul3A_11 = arith.muli %arg0, %mul3A_10 : i32
    %dma_start3A = tpu.memref_slice %arg2[%add3A_9, %mul3A_11] : memref<160000x256xf32, #tpu.memory_space<hbm>> -> memref<80x128xf32, #tpu.memory_space<hbm>>
    %dma_start3A_12 = tpu.memref_slice %arg2[%add3A_9, %mul3A_11] : memref<160000x256xf32, #tpu.memory_space<hbm>> -> memref<80x128xf32, #tpu.memory_space<hbm>>
    tpu.enqueue_dma source(%dma_start3A_12 : memref<80x128xf32, #tpu.memory_space<hbm>>) target(%arg9 : memref<80x128xf32, #tpu.memory_space<vmem>>) target_semaphore(%arg12 : memref<!tpu.dma_semaphore, #tpu.memory_space<semaphore_mem>>)
    %scan3A = arith.constant 0 : i32
    %scan3A_13 = arith.constant 0 : i32
    %scan3A_14 = arith.constant 62 : i32
    %scan3A_15 = arith.addi %scan3A_13, %scan3A_14 : i32
    %scan3A_16 = arith.constant 1 : i32
    scf.for %scan3A_81 = %scan3A_13 to %scan3A_15 step %scan3A_16  : i32 {
      %mul3A_82 = arith.constant 2 : i32
      %mul3A_83 = arith.muli %scan3A_81, %mul3A_82 : i32
      %ge3A = arith.constant 1 : i32
      %ge3A_84 = arith.cmpi sge, %mul3A_83, %ge3A : i32
      %convert_element_type3A_85 = arith.extui %ge3A_84 : i1 to i32
      %cond3A_86 = arith.constant 0 : i32
      %cond3A_87 = arith.cmpi ne, %convert_element_type3A_85, %cond3A_86 : i32
      scf.if %cond3A_87 {
        %sub3A = arith.constant 1 : i32
        %sub3A_141 = arith.subi %mul3A_83, %sub3A : i32
        %mul3A_142 = arith.constant 80 : i32
        %mul3A_143 = arith.muli %sub3A_141, %mul3A_142 : i32
        %dma_wait3A_144 = tpu.memref_slice %arg7[%mul3A_143] : memref<10000xi32, #tpu.memory_space<vmem>> -> memref<80xi32, #tpu.memory_space<vmem>>
        %dma_wait3A_145 = arith.constant 0 : i32
        %dma_wait3A_146 = arith.constant 0 : i32
        %dma_wait3A_147 = tpu.memref_slice %arg11[%dma_wait3A_145, %dma_wait3A_146] : memref<10000x128xf32, #tpu.memory_space<vmem_shared>> -> memref<10000x128xf32, #tpu.memory_space<vmem_shared>>
        tpu.wait_indirect_dma semaphore(%arg15 : memref<!tpu.dma_semaphore, #tpu.memory_space<semaphore_mem>>) src(%arg10 : memref<80x128xf32, #tpu.memory_space<vmem>>) dst(%dma_wait3A_147 : memref<10000x128xf32, #tpu.memory_space<vmem_shared>>)
      } else {
      }
      %add3A_88 = arith.constant 1 : i32
      %add3A_89 = arith.addi %mul3A_83, %add3A_88 : i32
      %lt3A_90 = arith.constant 125 : i32
      %lt3A_91 = arith.cmpi slt, %add3A_89, %lt3A_90 : i32
      %convert_element_type3A_92 = arith.extui %lt3A_91 : i1 to i32
      %cond3A_93 = arith.constant 0 : i32
      %cond3A_94 = arith.cmpi ne, %convert_element_type3A_92, %cond3A_93 : i32
      scf.if %cond3A_94 {
        %add3A_141 = arith.constant 1 : i32
        %add3A_142 = arith.addi %mul3A_83, %add3A_141 : i32
        %mul3A_143 = arith.constant 10000 : i32
        %mul3A_144 = arith.muli %arg1, %mul3A_143 : i32
        %mul3A_145 = arith.constant 80 : i32
        %mul3A_146 = arith.muli %add3A_142, %mul3A_145 : i32
        %add3A_147 = arith.addi %mul3A_144, %mul3A_146 : i32
        %mul3A_148 = arith.constant 128 : i32
        %mul3A_149 = arith.muli %arg0, %mul3A_148 : i32
        %dma_start3A_150 = tpu.memref_slice %arg2[%add3A_147, %mul3A_149] : memref<160000x256xf32, #tpu.memory_space<hbm>> -> memref<80x128xf32, #tpu.memory_space<hbm>>
        %dma_start3A_151 = tpu.memref_slice %arg2[%add3A_147, %mul3A_149] : memref<160000x256xf32, #tpu.memory_space<hbm>> -> memref<80x128xf32, #tpu.memory_space<hbm>>
        tpu.enqueue_dma source(%dma_start3A_151 : memref<80x128xf32, #tpu.memory_space<hbm>>) target(%arg10 : memref<80x128xf32, #tpu.memory_space<vmem>>) target_semaphore(%arg13 : memref<!tpu.dma_semaphore, #tpu.memory_space<semaphore_mem>>)
      } else {
      }
      %mul3A_95 = arith.constant 10000 : i32
      %mul3A_96 = arith.muli %arg1, %mul3A_95 : i32
      %mul3A_97 = arith.constant 80 : i32
      %mul3A_98 = arith.muli %mul3A_83, %mul3A_97 : i32
      %add3A_99 = arith.addi %mul3A_96, %mul3A_98 : i32
      %mul3A_100 = arith.constant 128 : i32
      %mul3A_101 = arith.muli %arg0, %mul3A_100 : i32
      %dma_wait3A_102 = tpu.memref_slice %arg2[%add3A_99, %mul3A_101] : memref<160000x256xf32, #tpu.memory_space<hbm>> -> memref<80x128xf32, #tpu.memory_space<hbm>>
      %dma_wait3A_103 = tpu.memref_slice %arg2[%add3A_99, %mul3A_101] : memref<160000x256xf32, #tpu.memory_space<hbm>> -> memref<80x128xf32, #tpu.memory_space<hbm>>
      tpu.wait_dma2 semaphore(%arg12 : memref<!tpu.dma_semaphore, #tpu.memory_space<semaphore_mem>>) src(%dma_wait3A_103 : memref<80x128xf32, #tpu.memory_space<hbm>>) dst(%arg9 : memref<80x128xf32, #tpu.memory_space<vmem>>)
      %mul3A_104 = arith.constant 80 : i32
      %mul3A_105 = arith.muli %mul3A_83, %mul3A_104 : i32
      %dma_start3A_106 = tpu.memref_slice %arg7[%mul3A_105] : memref<10000xi32, #tpu.memory_space<vmem>> -> memref<80xi32, #tpu.memory_space<vmem>>
      %dma_start3A_107 = arith.constant 0 : i32
      %dma_start3A_108 = arith.constant 0 : i32
      %dma_start3A_109 = tpu.memref_slice %arg11[%dma_start3A_107, %dma_start3A_108] : memref<10000x128xf32, #tpu.memory_space<vmem_shared>> -> memref<10000x128xf32, #tpu.memory_space<vmem_shared>>
      tpu.enqueue_indirect_dma source(%arg9 : memref<80x128xf32, #tpu.memory_space<vmem>>) target(%dma_start3A_109 : memref<10000x128xf32, #tpu.memory_space<vmem_shared>>) offsets(%dma_start3A_106 : memref<80xi32, #tpu.memory_space<vmem>>) semaphore(%arg14 : memref<!tpu.dma_semaphore, #tpu.memory_space<semaphore_mem>>) {add = true}
      %mul3A_110 = arith.constant 2 : i32
      %mul3A_111 = arith.muli %scan3A_81, %mul3A_110 : i32
      %add3A_112 = arith.constant 1 : i32
      %add3A_113 = arith.addi %mul3A_111, %add3A_112 : i32
      %ge3A_114 = arith.constant 1 : i32
      %ge3A_115 = arith.cmpi sge, %add3A_113, %ge3A_114 : i32
      %convert_element_type3A_116 = arith.extui %ge3A_115 : i1 to i32
      %cond3A_117 = arith.constant 0 : i32
      %cond3A_118 = arith.cmpi ne, %convert_element_type3A_116, %cond3A_117 : i32
      scf.if %cond3A_118 {
        %sub3A = arith.constant 1 : i32
        %sub3A_141 = arith.subi %add3A_113, %sub3A : i32
        %mul3A_142 = arith.constant 80 : i32
        %mul3A_143 = arith.muli %sub3A_141, %mul3A_142 : i32
        %dma_wait3A_144 = tpu.memref_slice %arg7[%mul3A_143] : memref<10000xi32, #tpu.memory_space<vmem>> -> memref<80xi32, #tpu.memory_space<vmem>>
        %dma_wait3A_145 = arith.constant 0 : i32
        %dma_wait3A_146 = arith.constant 0 : i32
        %dma_wait3A_147 = tpu.memref_slice %arg11[%dma_wait3A_145, %dma_wait3A_146] : memref<10000x128xf32, #tpu.memory_space<vmem_shared>> -> memref<10000x128xf32, #tpu.memory_space<vmem_shared>>
        tpu.wait_indirect_dma semaphore(%arg14 : memref<!tpu.dma_semaphore, #tpu.memory_space<semaphore_mem>>) src(%arg9 : memref<80x128xf32, #tpu.memory_space<vmem>>) dst(%dma_wait3A_147 : memref<10000x128xf32, #tpu.memory_space<vmem_shared>>)
      } else {
      }
      %add3A_119 = arith.constant 1 : i32
      %add3A_120 = arith.addi %add3A_113, %add3A_119 : i32
      %lt3A_121 = arith.constant 125 : i32
      %lt3A_122 = arith.cmpi slt, %add3A_120, %lt3A_121 : i32
      %convert_element_type3A_123 = arith.extui %lt3A_122 : i1 to i32
      %cond3A_124 = arith.constant 0 : i32
      %cond3A_125 = arith.cmpi ne, %convert_element_type3A_123, %cond3A_124 : i32
      scf.if %cond3A_125 {
        %add3A_141 = arith.constant 1 : i32
        %add3A_142 = arith.addi %add3A_113, %add3A_141 : i32
        %mul3A_143 = arith.constant 10000 : i32
        %mul3A_144 = arith.muli %arg1, %mul3A_143 : i32
        %mul3A_145 = arith.constant 80 : i32
        %mul3A_146 = arith.muli %add3A_142, %mul3A_145 : i32
        %add3A_147 = arith.addi %mul3A_144, %mul3A_146 : i32
        %mul3A_148 = arith.constant 128 : i32
        %mul3A_149 = arith.muli %arg0, %mul3A_148 : i32
        %dma_start3A_150 = tpu.memref_slice %arg2[%add3A_147, %mul3A_149] : memref<160000x256xf32, #tpu.memory_space<hbm>> -> memref<80x128xf32, #tpu.memory_space<hbm>>
        %dma_start3A_151 = tpu.memref_slice %arg2[%add3A_147, %mul3A_149] : memref<160000x256xf32, #tpu.memory_space<hbm>> -> memref<80x128xf32, #tpu.memory_space<hbm>>
        tpu.enqueue_dma source(%dma_start3A_151 : memref<80x128xf32, #tpu.memory_space<hbm>>) target(%arg9 : memref<80x128xf32, #tpu.memory_space<vmem>>) target_semaphore(%arg12 : memref<!tpu.dma_semaphore, #tpu.memory_space<semaphore_mem>>)
      } else {
      }
      %mul3A_126 = arith.constant 10000 : i32
      %mul3A_127 = arith.muli %arg1, %mul3A_126 : i32
      %mul3A_128 = arith.constant 80 : i32
      %mul3A_129 = arith.muli %add3A_113, %mul3A_128 : i32
      %add3A_130 = arith.addi %mul3A_127, %mul3A_129 : i32
      %mul3A_131 = arith.constant 128 : i32
      %mul3A_132 = arith.muli %arg0, %mul3A_131 : i32
      %dma_wait3A_133 = tpu.memref_slice %arg2[%add3A_130, %mul3A_132] : memref<160000x256xf32, #tpu.memory_space<hbm>> -> memref<80x128xf32, #tpu.memory_space<hbm>>
      %dma_wait3A_134 = tpu.memref_slice %arg2[%add3A_130, %mul3A_132] : memref<160000x256xf32, #tpu.memory_space<hbm>> -> memref<80x128xf32, #tpu.memory_space<hbm>>
      tpu.wait_dma2 semaphore(%arg13 : memref<!tpu.dma_semaphore, #tpu.memory_space<semaphore_mem>>) src(%dma_wait3A_134 : memref<80x128xf32, #tpu.memory_space<hbm>>) dst(%arg10 : memref<80x128xf32, #tpu.memory_space<vmem>>)
      %mul3A_135 = arith.constant 80 : i32
      %mul3A_136 = arith.muli %add3A_113, %mul3A_135 : i32
      %dma_start3A_137 = tpu.memref_slice %arg7[%mul3A_136] : memref<10000xi32, #tpu.memory_space<vmem>> -> memref<80xi32, #tpu.memory_space<vmem>>
      %dma_start3A_138 = arith.constant 0 : i32
      %dma_start3A_139 = arith.constant 0 : i32
      %dma_start3A_140 = tpu.memref_slice %arg11[%dma_start3A_138, %dma_start3A_139] : memref<10000x128xf32, #tpu.memory_space<vmem_shared>> -> memref<10000x128xf32, #tpu.memory_space<vmem_shared>>
      tpu.enqueue_indirect_dma source(%arg10 : memref<80x128xf32, #tpu.memory_space<vmem>>) target(%dma_start3A_140 : memref<10000x128xf32, #tpu.memory_space<vmem_shared>>) offsets(%dma_start3A_137 : memref<80xi32, #tpu.memory_space<vmem>>) semaphore(%arg15 : memref<!tpu.dma_semaphore, #tpu.memory_space<semaphore_mem>>) {add = true}
    }
    %scan3A_17 = arith.constant 62 : i32
    %dma_wait3A = arith.constant 9840 : i32
    %dma_wait3A_18 = tpu.memref_slice %arg7[%dma_wait3A] : memref<10000xi32, #tpu.memory_space<vmem>> -> memref<80xi32, #tpu.memory_space<vmem>>
    %dma_wait3A_19 = arith.constant 0 : i32
    %dma_wait3A_20 = arith.constant 0 : i32
    %dma_wait3A_21 = tpu.memref_slice %arg11[%dma_wait3A_19, %dma_wait3A_20] : memref<10000x128xf32, #tpu.memory_space<vmem_shared>> -> memref<10000x128xf32, #tpu.memory_space<vmem_shared>>
    tpu.wait_indirect_dma semaphore(%arg15 : memref<!tpu.dma_semaphore, #tpu.memory_space<semaphore_mem>>) src(%arg10 : memref<80x128xf32, #tpu.memory_space<vmem>>) dst(%dma_wait3A_21 : memref<10000x128xf32, #tpu.memory_space<vmem_shared>>)
    %mul3A_22 = arith.constant 10000 : i32
    %mul3A_23 = arith.muli %arg1, %mul3A_22 : i32
    %add3A_24 = arith.constant 9920 : i32
    %add3A_25 = arith.addi %mul3A_23, %add3A_24 : i32
    %mul3A_26 = arith.constant 128 : i32
    %mul3A_27 = arith.muli %arg0, %mul3A_26 : i32
    %dma_wait3A_28 = tpu.memref_slice %arg2[%add3A_25, %mul3A_27] : memref<160000x256xf32, #tpu.memory_space<hbm>> -> memref<80x128xf32, #tpu.memory_space<hbm>>
    %dma_wait3A_29 = tpu.memref_slice %arg2[%add3A_25, %mul3A_27] : memref<160000x256xf32, #tpu.memory_space<hbm>> -> memref<80x128xf32, #tpu.memory_space<hbm>>
    tpu.wait_dma2 semaphore(%arg12 : memref<!tpu.dma_semaphore, #tpu.memory_space<semaphore_mem>>) src(%dma_wait3A_29 : memref<80x128xf32, #tpu.memory_space<hbm>>) dst(%arg9 : memref<80x128xf32, #tpu.memory_space<vmem>>)
    %dma_start3A_30 = arith.constant 9920 : i32
    %dma_start3A_31 = tpu.memref_slice %arg7[%dma_start3A_30] : memref<10000xi32, #tpu.memory_space<vmem>> -> memref<80xi32, #tpu.memory_space<vmem>>
    %dma_start3A_32 = arith.constant 0 : i32
    %dma_start3A_33 = arith.constant 0 : i32
    %dma_start3A_34 = tpu.memref_slice %arg11[%dma_start3A_32, %dma_start3A_33] : memref<10000x128xf32, #tpu.memory_space<vmem_shared>> -> memref<10000x128xf32, #tpu.memory_space<vmem_shared>>
    tpu.enqueue_indirect_dma source(%arg9 : memref<80x128xf32, #tpu.memory_space<vmem>>) target(%dma_start3A_34 : memref<10000x128xf32, #tpu.memory_space<vmem_shared>>) offsets(%dma_start3A_31 : memref<80xi32, #tpu.memory_space<vmem>>) semaphore(%arg14 : memref<!tpu.dma_semaphore, #tpu.memory_space<semaphore_mem>>) {add = true}
    %dma_wait3A_35 = arith.constant 9920 : i32
    %dma_wait3A_36 = tpu.memref_slice %arg7[%dma_wait3A_35] : memref<10000xi32, #tpu.memory_space<vmem>> -> memref<80xi32, #tpu.memory_space<vmem>>
    %dma_wait3A_37 = arith.constant 0 : i32
    %dma_wait3A_38 = arith.constant 0 : i32
    %dma_wait3A_39 = tpu.memref_slice %arg11[%dma_wait3A_37, %dma_wait3A_38] : memref<10000x128xf32, #tpu.memory_space<vmem_shared>> -> memref<10000x128xf32, #tpu.memory_space<vmem_shared>>
    tpu.wait_indirect_dma semaphore(%arg14 : memref<!tpu.dma_semaphore, #tpu.memory_space<semaphore_mem>>) src(%arg9 : memref<80x128xf32, #tpu.memory_space<vmem>>) dst(%dma_wait3A_39 : memref<10000x128xf32, #tpu.memory_space<vmem_shared>>)
    %barrier3A_40 = arith.constant 0 : index
    tpu.barrier barrier_id(%barrier3A_40)
    %dma_start3A_41 = arith.constant 0 : i32
    %dma_start3A_42 = tpu.memref_slice %arg8[%dma_start3A_41] : memref<10000xi32, #tpu.memory_space<vmem>> -> memref<80xi32, #tpu.memory_space<vmem>>
    %dma_start3A_43 = arith.constant 0 : i32
    %dma_start3A_44 = arith.constant 0 : i32
    %dma_start3A_45 = tpu.memref_slice %arg11[%dma_start3A_43, %dma_start3A_44] : memref<10000x128xf32, #tpu.memory_space<vmem_shared>> -> memref<10000x128xf32, #tpu.memory_space<vmem_shared>>
    tpu.enqueue_indirect_dma source(%dma_start3A_45 : memref<10000x128xf32, #tpu.memory_space<vmem_shared>>) target(%arg9 : memref<80x128xf32, #tpu.memory_space<vmem>>) offsets(%dma_start3A_42 : memref<80xi32, #tpu.memory_space<vmem>>) semaphore(%arg12 : memref<!tpu.dma_semaphore, #tpu.memory_space<semaphore_mem>>)
    %scan3A_46 = arith.constant 0 : i32
    %scan3A_47 = arith.constant 0 : i32
    %scan3A_48 = arith.constant 62 : i32
    %scan3A_49 = arith.addi %scan3A_47, %scan3A_48 : i32
    %scan3A_50 = arith.constant 1 : i32
    scf.for %scan3A_81 = %scan3A_47 to %scan3A_49 step %scan3A_50  : i32 {
      %mul3A_82 = arith.constant 2 : i32
      %mul3A_83 = arith.muli %scan3A_81, %mul3A_82 : i32
      %ge3A = arith.constant 1 : i32
      %ge3A_84 = arith.cmpi sge, %mul3A_83, %ge3A : i32
      %convert_element_type3A_85 = arith.extui %ge3A_84 : i1 to i32
      %cond3A_86 = arith.constant 0 : i32
      %cond3A_87 = arith.cmpi ne, %convert_element_type3A_85, %cond3A_86 : i32
      scf.if %cond3A_87 {
        %sub3A = arith.constant 1 : i32
        %sub3A_141 = arith.subi %mul3A_83, %sub3A : i32
        %mul3A_142 = arith.constant 10000 : i32
        %mul3A_143 = arith.muli %arg1, %mul3A_142 : i32
        %mul3A_144 = arith.constant 80 : i32
        %mul3A_145 = arith.muli %sub3A_141, %mul3A_144 : i32
        %add3A_146 = arith.addi %mul3A_143, %mul3A_145 : i32
        %mul3A_147 = arith.constant 128 : i32
        %mul3A_148 = arith.muli %arg0, %mul3A_147 : i32
        %dma_wait3A_149 = tpu.memref_slice %arg6[%add3A_146, %mul3A_148] : memref<160000x256xf32, #tpu.memory_space<hbm>> -> memref<80x128xf32, #tpu.memory_space<hbm>>
        %dma_wait3A_150 = tpu.memref_slice %arg6[%add3A_146, %mul3A_148] : memref<160000x256xf32, #tpu.memory_space<hbm>> -> memref<80x128xf32, #tpu.memory_space<hbm>>
        tpu.wait_dma2 semaphore(%arg15 : memref<!tpu.dma_semaphore, #tpu.memory_space<semaphore_mem>>) src(%arg10 : memref<80x128xf32, #tpu.memory_space<vmem>>) dst(%dma_wait3A_150 : memref<80x128xf32, #tpu.memory_space<hbm>>)
      } else {
      }
      %add3A_88 = arith.constant 1 : i32
      %add3A_89 = arith.addi %mul3A_83, %add3A_88 : i32
      %lt3A_90 = arith.constant 125 : i32
      %lt3A_91 = arith.cmpi slt, %add3A_89, %lt3A_90 : i32
      %convert_element_type3A_92 = arith.extui %lt3A_91 : i1 to i32
      %cond3A_93 = arith.constant 0 : i32
      %cond3A_94 = arith.cmpi ne, %convert_element_type3A_92, %cond3A_93 : i32
      scf.if %cond3A_94 {
        %add3A_141 = arith.constant 1 : i32
        %add3A_142 = arith.addi %mul3A_83, %add3A_141 : i32
        %mul3A_143 = arith.constant 80 : i32
        %mul3A_144 = arith.muli %add3A_142, %mul3A_143 : i32
        %dma_start3A_145 = tpu.memref_slice %arg8[%mul3A_144] : memref<10000xi32, #tpu.memory_space<vmem>> -> memref<80xi32, #tpu.memory_space<vmem>>
        %dma_start3A_146 = arith.constant 0 : i32
        %dma_start3A_147 = arith.constant 0 : i32
        %dma_start3A_148 = tpu.memref_slice %arg11[%dma_start3A_146, %dma_start3A_147] : memref<10000x128xf32, #tpu.memory_space<vmem_shared>> -> memref<10000x128xf32, #tpu.memory_space<vmem_shared>>
        tpu.enqueue_indirect_dma source(%dma_start3A_148 : memref<10000x128xf32, #tpu.memory_space<vmem_shared>>) target(%arg10 : memref<80x128xf32, #tpu.memory_space<vmem>>) offsets(%dma_start3A_145 : memref<80xi32, #tpu.memory_space<vmem>>) semaphore(%arg13 : memref<!tpu.dma_semaphore, #tpu.memory_space<semaphore_mem>>)
      } else {
      }
      %mul3A_95 = arith.constant 80 : i32
      %mul3A_96 = arith.muli %mul3A_83, %mul3A_95 : i32
      %dma_wait3A_97 = tpu.memref_slice %arg8[%mul3A_96] : memref<10000xi32, #tpu.memory_space<vmem>> -> memref<80xi32, #tpu.memory_space<vmem>>
      %dma_wait3A_98 = arith.constant 0 : i32
      %dma_wait3A_99 = arith.constant 0 : i32
      %dma_wait3A_100 = tpu.memref_slice %arg11[%dma_wait3A_98, %dma_wait3A_99] : memref<10000x128xf32, #tpu.memory_space<vmem_shared>> -> memref<10000x128xf32, #tpu.memory_space<vmem_shared>>
      tpu.wait_indirect_dma semaphore(%arg12 : memref<!tpu.dma_semaphore, #tpu.memory_space<semaphore_mem>>) src(%dma_wait3A_100 : memref<10000x128xf32, #tpu.memory_space<vmem_shared>>) dst(%arg9 : memref<80x128xf32, #tpu.memory_space<vmem>>)
      %mul3A_101 = arith.constant 10000 : i32
      %mul3A_102 = arith.muli %arg1, %mul3A_101 : i32
      %mul3A_103 = arith.constant 80 : i32
      %mul3A_104 = arith.muli %mul3A_83, %mul3A_103 : i32
      %add3A_105 = arith.addi %mul3A_102, %mul3A_104 : i32
      %mul3A_106 = arith.constant 128 : i32
      %mul3A_107 = arith.muli %arg0, %mul3A_106 : i32
      %dma_start3A_108 = tpu.memref_slice %arg6[%add3A_105, %mul3A_107] : memref<160000x256xf32, #tpu.memory_space<hbm>> -> memref<80x128xf32, #tpu.memory_space<hbm>>
      %dma_start3A_109 = tpu.memref_slice %arg6[%add3A_105, %mul3A_107] : memref<160000x256xf32, #tpu.memory_space<hbm>> -> memref<80x128xf32, #tpu.memory_space<hbm>>
      tpu.enqueue_dma source(%arg9 : memref<80x128xf32, #tpu.memory_space<vmem>>) target(%dma_start3A_109 : memref<80x128xf32, #tpu.memory_space<hbm>>) target_semaphore(%arg14 : memref<!tpu.dma_semaphore, #tpu.memory_space<semaphore_mem>>)
      %mul3A_110 = arith.constant 2 : i32
      %mul3A_111 = arith.muli %scan3A_81, %mul3A_110 : i32
      %add3A_112 = arith.constant 1 : i32
      %add3A_113 = arith.addi %mul3A_111, %add3A_112 : i32
      %ge3A_114 = arith.constant 1 : i32
      %ge3A_115 = arith.cmpi sge, %add3A_113, %ge3A_114 : i32
      %convert_element_type3A_116 = arith.extui %ge3A_115 : i1 to i32
      %cond3A_117 = arith.constant 0 : i32
      %cond3A_118 = arith.cmpi ne, %convert_element_type3A_116, %cond3A_117 : i32
      scf.if %cond3A_118 {
        %sub3A = arith.constant 1 : i32
        %sub3A_141 = arith.subi %add3A_113, %sub3A : i32
        %mul3A_142 = arith.constant 10000 : i32
        %mul3A_143 = arith.muli %arg1, %mul3A_142 : i32
        %mul3A_144 = arith.constant 80 : i32
        %mul3A_145 = arith.muli %sub3A_141, %mul3A_144 : i32
        %add3A_146 = arith.addi %mul3A_143, %mul3A_145 : i32
        %mul3A_147 = arith.constant 128 : i32
        %mul3A_148 = arith.muli %arg0, %mul3A_147 : i32
        %dma_wait3A_149 = tpu.memref_slice %arg6[%add3A_146, %mul3A_148] : memref<160000x256xf32, #tpu.memory_space<hbm>> -> memref<80x128xf32, #tpu.memory_space<hbm>>
        %dma_wait3A_150 = tpu.memref_slice %arg6[%add3A_146, %mul3A_148] : memref<160000x256xf32, #tpu.memory_space<hbm>> -> memref<80x128xf32, #tpu.memory_space<hbm>>
        tpu.wait_dma2 semaphore(%arg14 : memref<!tpu.dma_semaphore, #tpu.memory_space<semaphore_mem>>) src(%arg9 : memref<80x128xf32, #tpu.memory_space<vmem>>) dst(%dma_wait3A_150 : memref<80x128xf32, #tpu.memory_space<hbm>>)
      } else {
      }
      %add3A_119 = arith.constant 1 : i32
      %add3A_120 = arith.addi %add3A_113, %add3A_119 : i32
      %lt3A_121 = arith.constant 125 : i32
      %lt3A_122 = arith.cmpi slt, %add3A_120, %lt3A_121 : i32
      %convert_element_type3A_123 = arith.extui %lt3A_122 : i1 to i32
      %cond3A_124 = arith.constant 0 : i32
      %cond3A_125 = arith.cmpi ne, %convert_element_type3A_123, %cond3A_124 : i32
      scf.if %cond3A_125 {
        %add3A_141 = arith.constant 1 : i32
        %add3A_142 = arith.addi %add3A_113, %add3A_141 : i32
        %mul3A_143 = arith.constant 80 : i32
        %mul3A_144 = arith.muli %add3A_142, %mul3A_143 : i32
        %dma_start3A_145 = tpu.memref_slice %arg8[%mul3A_144] : memref<10000xi32, #tpu.memory_space<vmem>> -> memref<80xi32, #tpu.memory_space<vmem>>
        %dma_start3A_146 = arith.constant 0 : i32
        %dma_start3A_147 = arith.constant 0 : i32
        %dma_start3A_148 = tpu.memref_slice %arg11[%dma_start3A_146, %dma_start3A_147] : memref<10000x128xf32, #tpu.memory_space<vmem_shared>> -> memref<10000x128xf32, #tpu.memory_space<vmem_shared>>
        tpu.enqueue_indirect_dma source(%dma_start3A_148 : memref<10000x128xf32, #tpu.memory_space<vmem_shared>>) target(%arg9 : memref<80x128xf32, #tpu.memory_space<vmem>>) offsets(%dma_start3A_145 : memref<80xi32, #tpu.memory_space<vmem>>) semaphore(%arg12 : memref<!tpu.dma_semaphore, #tpu.memory_space<semaphore_mem>>)
      } else {
      }
      %mul3A_126 = arith.constant 80 : i32
      %mul3A_127 = arith.muli %add3A_113, %mul3A_126 : i32
      %dma_wait3A_128 = tpu.memref_slice %arg8[%mul3A_127] : memref<10000xi32, #tpu.memory_space<vmem>> -> memref<80xi32, #tpu.memory_space<vmem>>
      %dma_wait3A_129 = arith.constant 0 : i32
      %dma_wait3A_130 = arith.constant 0 : i32
      %dma_wait3A_131 = tpu.memref_slice %arg11[%dma_wait3A_129, %dma_wait3A_130] : memref<10000x128xf32, #tpu.memory_space<vmem_shared>> -> memref<10000x128xf32, #tpu.memory_space<vmem_shared>>
      tpu.wait_indirect_dma semaphore(%arg13 : memref<!tpu.dma_semaphore, #tpu.memory_space<semaphore_mem>>) src(%dma_wait3A_131 : memref<10000x128xf32, #tpu.memory_space<vmem_shared>>) dst(%arg10 : memref<80x128xf32, #tpu.memory_space<vmem>>)
      %mul3A_132 = arith.constant 10000 : i32
      %mul3A_133 = arith.muli %arg1, %mul3A_132 : i32
      %mul3A_134 = arith.constant 80 : i32
      %mul3A_135 = arith.muli %add3A_113, %mul3A_134 : i32
      %add3A_136 = arith.addi %mul3A_133, %mul3A_135 : i32
      %mul3A_137 = arith.constant 128 : i32
      %mul3A_138 = arith.muli %arg0, %mul3A_137 : i32
      %dma_start3A_139 = tpu.memref_slice %arg6[%add3A_136, %mul3A_138] : memref<160000x256xf32, #tpu.memory_space<hbm>> -> memref<80x128xf32, #tpu.memory_space<hbm>>
      %dma_start3A_140 = tpu.memref_slice %arg6[%add3A_136, %mul3A_138] : memref<160000x256xf32, #tpu.memory_space<hbm>> -> memref<80x128xf32, #tpu.memory_space<hbm>>
      tpu.enqueue_dma source(%arg10 : memref<80x128xf32, #tpu.memory_space<vmem>>) target(%dma_start3A_140 : memref<80x128xf32, #tpu.memory_space<hbm>>) target_semaphore(%arg15 : memref<!tpu.dma_semaphore, #tpu.memory_space<semaphore_mem>>)
    }
    %scan3A_51 = arith.constant 62 : i32
    %mul3A_52 = arith.constant 10000 : i32
    %mul3A_53 = arith.muli %arg1, %mul3A_52 : i32
    %add3A_54 = arith.constant 9840 : i32
    %add3A_55 = arith.addi %mul3A_53, %add3A_54 : i32
    %mul3A_56 = arith.constant 128 : i32
    %mul3A_57 = arith.muli %arg0, %mul3A_56 : i32
    %dma_wait3A_58 = tpu.memref_slice %arg6[%add3A_55, %mul3A_57] : memref<160000x256xf32, #tpu.memory_space<hbm>> -> memref<80x128xf32, #tpu.memory_space<hbm>>
    %dma_wait3A_59 = tpu.memref_slice %arg6[%add3A_55, %mul3A_57] : memref<160000x256xf32, #tpu.memory_space<hbm>> -> memref<80x128xf32, #tpu.memory_space<hbm>>
    tpu.wait_dma2 semaphore(%arg15 : memref<!tpu.dma_semaphore, #tpu.memory_space<semaphore_mem>>) src(%arg10 : memref<80x128xf32, #tpu.memory_space<vmem>>) dst(%dma_wait3A_59 : memref<80x128xf32, #tpu.memory_space<hbm>>)
    %dma_wait3A_60 = arith.constant 9920 : i32
    %dma_wait3A_61 = tpu.memref_slice %arg8[%dma_wait3A_60] : memref<10000xi32, #tpu.memory_space<vmem>> -> memref<80xi32, #tpu.memory_space<vmem>>
    %dma_wait3A_62 = arith.constant 0 : i32
    %dma_wait3A_63 = arith.constant 0 : i32
    %dma_wait3A_64 = tpu.memref_slice %arg11[%dma_wait3A_62, %dma_wait3A_63] : memref<10000x128xf32, #tpu.memory_space<vmem_shared>> -> memref<10000x128xf32, #tpu.memory_space<vmem_shared>>
    tpu.wait_indirect_dma semaphore(%arg12 : memref<!tpu.dma_semaphore, #tpu.memory_space<semaphore_mem>>) src(%dma_wait3A_64 : memref<10000x128xf32, #tpu.memory_space<vmem_shared>>) dst(%arg9 : memref<80x128xf32, #tpu.memory_space<vmem>>)
    %mul3A_65 = arith.constant 10000 : i32
    %mul3A_66 = arith.muli %arg1, %mul3A_65 : i32
    %add3A_67 = arith.constant 9920 : i32
    %add3A_68 = arith.addi %mul3A_66, %add3A_67 : i32
    %mul3A_69 = arith.constant 128 : i32
    %mul3A_70 = arith.muli %arg0, %mul3A_69 : i32
    %dma_start3A_71 = tpu.memref_slice %arg6[%add3A_68, %mul3A_70] : memref<160000x256xf32, #tpu.memory_space<hbm>> -> memref<80x128xf32, #tpu.memory_space<hbm>>
    %dma_start3A_72 = tpu.memref_slice %arg6[%add3A_68, %mul3A_70] : memref<160000x256xf32, #tpu.memory_space<hbm>> -> memref<80x128xf32, #tpu.memory_space<hbm>>
    tpu.enqueue_dma source(%arg9 : memref<80x128xf32, #tpu.memory_space<vmem>>) target(%dma_start3A_72 : memref<80x128xf32, #tpu.memory_space<hbm>>) target_semaphore(%arg14 : memref<!tpu.dma_semaphore, #tpu.memory_space<semaphore_mem>>)
    %mul3A_73 = arith.constant 10000 : i32
    %mul3A_74 = arith.muli %arg1, %mul3A_73 : i32
    %add3A_75 = arith.constant 9920 : i32
    %add3A_76 = arith.addi %mul3A_74, %add3A_75 : i32
    %mul3A_77 = arith.constant 128 : i32
    %mul3A_78 = arith.muli %arg0, %mul3A_77 : i32
    %dma_wait3A_79 = tpu.memref_slice %arg6[%add3A_76, %mul3A_78] : memref<160000x256xf32, #tpu.memory_space<hbm>> -> memref<80x128xf32, #tpu.memory_space<hbm>>
    %dma_wait3A_80 = tpu.memref_slice %arg6[%add3A_76, %mul3A_78] : memref<160000x256xf32, #tpu.memory_space<hbm>> -> memref<80x128xf32, #tpu.memory_space<hbm>>
    tpu.wait_dma2 semaphore(%arg14 : memref<!tpu.dma_semaphore, #tpu.memory_space<semaphore_mem>>) src(%arg9 : memref<80x128xf32, #tpu.memory_space<vmem>>) dst(%dma_wait3A_80 : memref<80x128xf32, #tpu.memory_space<hbm>>)
    return
  }
}

#map = affine_map<(d0, d1) -> (0, 0)>
#map1 = affine_map<(d0, d1) -> (0)>
module attributes {stable_mosaic.version = 14 : i64} {
  func.func @scatter_kernel(%arg0: i32, %arg1: i32, %arg2: memref<64000x256xf32, #tpu.memory_space<hbm>>, %arg3: memref<160000xi32, #tpu.memory_space<hbm>>, %arg4: memref<10000x256xf32, #tpu.memory_space<hbm>>, %arg5: memref<10000x256xf32, #tpu.memory_space<hbm>>, %arg6: memref<4000xi32, #tpu.memory_space<vmem>>, %arg7: memref<80x128xf32, #tpu.memory_space<vmem>>, %arg8: memref<80x128xf32, #tpu.memory_space<vmem>>, %arg9: memref<10000x128xf32, #tpu.memory_space<vmem_shared>>, %arg10: memref<!tpu.dma_semaphore, #tpu.memory_space<semaphore_mem>>, %arg11: memref<!tpu.dma_semaphore, #tpu.memory_space<semaphore_mem>>, %arg12: memref<!tpu.dma_semaphore, #tpu.memory_space<semaphore_mem>>, %arg13: memref<!tpu.dma_semaphore, #tpu.memory_space<semaphore_mem>>) attributes {dimension_semantics = [#tpu.dimension_semantics<core_parallel>, #tpu.dimension_semantics<subcore_parallel>], iteration_bounds = array<i64: 2, 16>, scalar_prefetch = 0 : i64, scratch_operands = 8 : i64, tpu.core_type = #tpu.core_type<sc_vector_subcore>, window_params = [{transform_indices = #map}, {transform_indices = #map1}, {transform_indices = #map}, {transform_indices = #map}]} {
    %lt3A = arith.constant 10 : i32
    %lt3A_0 = arith.cmpi slt, %arg1, %lt3A : i32
    %convert_element_type3A = arith.extui %lt3A_0 : i1 to i32
    %cond3A = arith.constant 0 : i32
    %cond3A_1 = arith.cmpi ne, %convert_element_type3A, %cond3A : i32
    scf.if %cond3A_1 {
      %mul3A_26 = arith.constant 1000 : i32
      %mul3A_27 = arith.muli %arg1, %mul3A_26 : i32
      %mul3A_28 = arith.constant 128 : i32
      %mul3A_29 = arith.muli %arg0, %mul3A_28 : i32
      %mul3A_30 = arith.constant 1000 : i32
      %mul3A_31 = arith.muli %arg1, %mul3A_30 : i32
      "tpu.region"() ({
        %run_scoped3A = tpu.sem_alloc : memref<!tpu.dma_semaphore, #tpu.memory_space<semaphore_mem>>
        %dma_start3A_32 = arith.constant 0 : i32
        %dma_start3A_33 = tpu.memref_slice %arg9[%mul3A_31, %dma_start3A_32] : memref<10000x128xf32, #tpu.memory_space<vmem_shared>> -> memref<1000x128xf32, #tpu.memory_space<vmem_shared>>
        %dma_start3A_34 = tpu.memref_slice %arg4[%mul3A_27, %mul3A_29] : memref<10000x256xf32, #tpu.memory_space<hbm>> -> memref<1000x128xf32, #tpu.memory_space<hbm>>
        tpu.enqueue_dma source(%dma_start3A_34 : memref<1000x128xf32, #tpu.memory_space<hbm>>) target(%dma_start3A_33 : memref<1000x128xf32, #tpu.memory_space<vmem_shared>>) target_semaphore(%run_scoped3A : memref<!tpu.dma_semaphore, #tpu.memory_space<semaphore_mem>>)
        %dma_wait3A_35 = arith.constant 0 : i32
        %dma_wait3A_36 = tpu.memref_slice %arg9[%mul3A_31, %dma_wait3A_35] : memref<10000x128xf32, #tpu.memory_space<vmem_shared>> -> memref<1000x128xf32, #tpu.memory_space<vmem_shared>>
        %dma_wait3A_37 = tpu.memref_slice %arg4[%mul3A_27, %mul3A_29] : memref<10000x256xf32, #tpu.memory_space<hbm>> -> memref<1000x128xf32, #tpu.memory_space<hbm>>
        tpu.wait_dma2 semaphore(%run_scoped3A : memref<!tpu.dma_semaphore, #tpu.memory_space<semaphore_mem>>) src(%dma_wait3A_37 : memref<1000x128xf32, #tpu.memory_space<hbm>>) dst(%dma_wait3A_36 : memref<1000x128xf32, #tpu.memory_space<vmem_shared>>)
        tpu.yield
      }) : () -> ()
    } else {
    }
    %mul3A = arith.constant 4000 : i32
    %mul3A_2 = arith.muli %arg1, %mul3A : i32
    %add3A = arith.constant 96000 : i32
    %add3A_3 = arith.addi %add3A, %mul3A_2 : i32
    "tpu.region"() ({
      %run_scoped3A = tpu.sem_alloc : memref<!tpu.dma_semaphore, #tpu.memory_space<semaphore_mem>>
      %dma_start3A_26 = tpu.memref_slice %arg3[%add3A_3] : memref<160000xi32, #tpu.memory_space<hbm>> -> memref<4000xi32, #tpu.memory_space<hbm>>
      %dma_start3A_27 = tpu.memref_slice %arg3[%add3A_3] : memref<160000xi32, #tpu.memory_space<hbm>> -> memref<4000xi32, #tpu.memory_space<hbm>>
      tpu.enqueue_dma source(%dma_start3A_27 : memref<4000xi32, #tpu.memory_space<hbm>>) target(%arg6 : memref<4000xi32, #tpu.memory_space<vmem>>) target_semaphore(%run_scoped3A : memref<!tpu.dma_semaphore, #tpu.memory_space<semaphore_mem>>)
      %dma_wait3A_28 = tpu.memref_slice %arg3[%add3A_3] : memref<160000xi32, #tpu.memory_space<hbm>> -> memref<4000xi32, #tpu.memory_space<hbm>>
      %dma_wait3A_29 = tpu.memref_slice %arg3[%add3A_3] : memref<160000xi32, #tpu.memory_space<hbm>> -> memref<4000xi32, #tpu.memory_space<hbm>>
      tpu.wait_dma2 semaphore(%run_scoped3A : memref<!tpu.dma_semaphore, #tpu.memory_space<semaphore_mem>>) src(%dma_wait3A_29 : memref<4000xi32, #tpu.memory_space<hbm>>) dst(%arg6 : memref<4000xi32, #tpu.memory_space<vmem>>)
      tpu.yield
    }) : () -> ()
    %barrier3A = arith.constant 0 : index
    tpu.barrier barrier_id(%barrier3A)
    %mul3A_4 = arith.constant 4000 : i32
    %mul3A_5 = arith.muli %arg1, %mul3A_4 : i32
    %add3A_6 = arith.constant 0 : i32
    %add3A_7 = arith.addi %mul3A_5, %add3A_6 : i32
    %mul3A_8 = arith.constant 128 : i32
    %mul3A_9 = arith.muli %arg0, %mul3A_8 : i32
    %dma_start3A = tpu.memref_slice %arg2[%add3A_7, %mul3A_9] : memref<64000x256xf32, #tpu.memory_space<hbm>> -> memref<80x128xf32, #tpu.memory_space<hbm>>
    %dma_start3A_10 = tpu.memref_slice %arg2[%add3A_7, %mul3A_9] : memref<64000x256xf32, #tpu.memory_space<hbm>> -> memref<80x128xf32, #tpu.memory_space<hbm>>
    tpu.enqueue_dma source(%dma_start3A_10 : memref<80x128xf32, #tpu.memory_space<hbm>>) target(%arg7 : memref<80x128xf32, #tpu.memory_space<vmem>>) target_semaphore(%arg10 : memref<!tpu.dma_semaphore, #tpu.memory_space<semaphore_mem>>)
    %scan3A = arith.constant 0 : i32
    %scan3A_11 = arith.constant 0 : i32
    %scan3A_12 = arith.constant 25 : i32
    %scan3A_13 = arith.addi %scan3A_11, %scan3A_12 : i32
    %scan3A_14 = arith.constant 1 : i32
    scf.for %scan3A_26 = %scan3A_11 to %scan3A_13 step %scan3A_14  : i32 {
      %mul3A_27 = arith.constant 2 : i32
      %mul3A_28 = arith.muli %scan3A_26, %mul3A_27 : i32
      %ge3A = arith.constant 1 : i32
      %ge3A_29 = arith.cmpi sge, %mul3A_28, %ge3A : i32
      %convert_element_type3A_30 = arith.extui %ge3A_29 : i1 to i32
      %cond3A_31 = arith.constant 0 : i32
      %cond3A_32 = arith.cmpi ne, %convert_element_type3A_30, %cond3A_31 : i32
      scf.if %cond3A_32 {
        %sub3A = arith.constant 1 : i32
        %sub3A_86 = arith.subi %mul3A_28, %sub3A : i32
        %mul3A_87 = arith.constant 80 : i32
        %mul3A_88 = arith.muli %sub3A_86, %mul3A_87 : i32
        %dma_wait3A_89 = tpu.memref_slice %arg6[%mul3A_88] : memref<4000xi32, #tpu.memory_space<vmem>> -> memref<80xi32, #tpu.memory_space<vmem>>
        %dma_wait3A_90 = arith.constant 0 : i32
        %dma_wait3A_91 = arith.constant 0 : i32
        %dma_wait3A_92 = tpu.memref_slice %arg9[%dma_wait3A_90, %dma_wait3A_91] : memref<10000x128xf32, #tpu.memory_space<vmem_shared>> -> memref<10000x128xf32, #tpu.memory_space<vmem_shared>>
        tpu.wait_indirect_dma semaphore(%arg13 : memref<!tpu.dma_semaphore, #tpu.memory_space<semaphore_mem>>) src(%arg8 : memref<80x128xf32, #tpu.memory_space<vmem>>) dst(%dma_wait3A_92 : memref<10000x128xf32, #tpu.memory_space<vmem_shared>>)
      } else {
      }
      %add3A_33 = arith.constant 1 : i32
      %add3A_34 = arith.addi %mul3A_28, %add3A_33 : i32
      %lt3A_35 = arith.constant 50 : i32
      %lt3A_36 = arith.cmpi slt, %add3A_34, %lt3A_35 : i32
      %convert_element_type3A_37 = arith.extui %lt3A_36 : i1 to i32
      %cond3A_38 = arith.constant 0 : i32
      %cond3A_39 = arith.cmpi ne, %convert_element_type3A_37, %cond3A_38 : i32
      scf.if %cond3A_39 {
        %add3A_86 = arith.constant 1 : i32
        %add3A_87 = arith.addi %mul3A_28, %add3A_86 : i32
        %mul3A_88 = arith.constant 4000 : i32
        %mul3A_89 = arith.muli %arg1, %mul3A_88 : i32
        %mul3A_90 = arith.constant 80 : i32
        %mul3A_91 = arith.muli %add3A_87, %mul3A_90 : i32
        %add3A_92 = arith.addi %mul3A_89, %mul3A_91 : i32
        %mul3A_93 = arith.constant 128 : i32
        %mul3A_94 = arith.muli %arg0, %mul3A_93 : i32
        %dma_start3A_95 = tpu.memref_slice %arg2[%add3A_92, %mul3A_94] : memref<64000x256xf32, #tpu.memory_space<hbm>> -> memref<80x128xf32, #tpu.memory_space<hbm>>
        %dma_start3A_96 = tpu.memref_slice %arg2[%add3A_92, %mul3A_94] : memref<64000x256xf32, #tpu.memory_space<hbm>> -> memref<80x128xf32, #tpu.memory_space<hbm>>
        tpu.enqueue_dma source(%dma_start3A_96 : memref<80x128xf32, #tpu.memory_space<hbm>>) target(%arg8 : memref<80x128xf32, #tpu.memory_space<vmem>>) target_semaphore(%arg11 : memref<!tpu.dma_semaphore, #tpu.memory_space<semaphore_mem>>)
      } else {
      }
      %mul3A_40 = arith.constant 4000 : i32
      %mul3A_41 = arith.muli %arg1, %mul3A_40 : i32
      %mul3A_42 = arith.constant 80 : i32
      %mul3A_43 = arith.muli %mul3A_28, %mul3A_42 : i32
      %add3A_44 = arith.addi %mul3A_41, %mul3A_43 : i32
      %mul3A_45 = arith.constant 128 : i32
      %mul3A_46 = arith.muli %arg0, %mul3A_45 : i32
      %dma_wait3A_47 = tpu.memref_slice %arg2[%add3A_44, %mul3A_46] : memref<64000x256xf32, #tpu.memory_space<hbm>> -> memref<80x128xf32, #tpu.memory_space<hbm>>
      %dma_wait3A_48 = tpu.memref_slice %arg2[%add3A_44, %mul3A_46] : memref<64000x256xf32, #tpu.memory_space<hbm>> -> memref<80x128xf32, #tpu.memory_space<hbm>>
      tpu.wait_dma2 semaphore(%arg10 : memref<!tpu.dma_semaphore, #tpu.memory_space<semaphore_mem>>) src(%dma_wait3A_48 : memref<80x128xf32, #tpu.memory_space<hbm>>) dst(%arg7 : memref<80x128xf32, #tpu.memory_space<vmem>>)
      %mul3A_49 = arith.constant 80 : i32
      %mul3A_50 = arith.muli %mul3A_28, %mul3A_49 : i32
      %dma_start3A_51 = tpu.memref_slice %arg6[%mul3A_50] : memref<4000xi32, #tpu.memory_space<vmem>> -> memref<80xi32, #tpu.memory_space<vmem>>
      %dma_start3A_52 = arith.constant 0 : i32
      %dma_start3A_53 = arith.constant 0 : i32
      %dma_start3A_54 = tpu.memref_slice %arg9[%dma_start3A_52, %dma_start3A_53] : memref<10000x128xf32, #tpu.memory_space<vmem_shared>> -> memref<10000x128xf32, #tpu.memory_space<vmem_shared>>
      tpu.enqueue_indirect_dma source(%arg7 : memref<80x128xf32, #tpu.memory_space<vmem>>) target(%dma_start3A_54 : memref<10000x128xf32, #tpu.memory_space<vmem_shared>>) offsets(%dma_start3A_51 : memref<80xi32, #tpu.memory_space<vmem>>) semaphore(%arg12 : memref<!tpu.dma_semaphore, #tpu.memory_space<semaphore_mem>>) {add = true}
      %mul3A_55 = arith.constant 2 : i32
      %mul3A_56 = arith.muli %scan3A_26, %mul3A_55 : i32
      %add3A_57 = arith.constant 1 : i32
      %add3A_58 = arith.addi %mul3A_56, %add3A_57 : i32
      %ge3A_59 = arith.constant 1 : i32
      %ge3A_60 = arith.cmpi sge, %add3A_58, %ge3A_59 : i32
      %convert_element_type3A_61 = arith.extui %ge3A_60 : i1 to i32
      %cond3A_62 = arith.constant 0 : i32
      %cond3A_63 = arith.cmpi ne, %convert_element_type3A_61, %cond3A_62 : i32
      scf.if %cond3A_63 {
        %sub3A = arith.constant 1 : i32
        %sub3A_86 = arith.subi %add3A_58, %sub3A : i32
        %mul3A_87 = arith.constant 80 : i32
        %mul3A_88 = arith.muli %sub3A_86, %mul3A_87 : i32
        %dma_wait3A_89 = tpu.memref_slice %arg6[%mul3A_88] : memref<4000xi32, #tpu.memory_space<vmem>> -> memref<80xi32, #tpu.memory_space<vmem>>
        %dma_wait3A_90 = arith.constant 0 : i32
        %dma_wait3A_91 = arith.constant 0 : i32
        %dma_wait3A_92 = tpu.memref_slice %arg9[%dma_wait3A_90, %dma_wait3A_91] : memref<10000x128xf32, #tpu.memory_space<vmem_shared>> -> memref<10000x128xf32, #tpu.memory_space<vmem_shared>>
        tpu.wait_indirect_dma semaphore(%arg12 : memref<!tpu.dma_semaphore, #tpu.memory_space<semaphore_mem>>) src(%arg7 : memref<80x128xf32, #tpu.memory_space<vmem>>) dst(%dma_wait3A_92 : memref<10000x128xf32, #tpu.memory_space<vmem_shared>>)
      } else {
      }
      %add3A_64 = arith.constant 1 : i32
      %add3A_65 = arith.addi %add3A_58, %add3A_64 : i32
      %lt3A_66 = arith.constant 50 : i32
      %lt3A_67 = arith.cmpi slt, %add3A_65, %lt3A_66 : i32
      %convert_element_type3A_68 = arith.extui %lt3A_67 : i1 to i32
      %cond3A_69 = arith.constant 0 : i32
      %cond3A_70 = arith.cmpi ne, %convert_element_type3A_68, %cond3A_69 : i32
      scf.if %cond3A_70 {
        %add3A_86 = arith.constant 1 : i32
        %add3A_87 = arith.addi %add3A_58, %add3A_86 : i32
        %mul3A_88 = arith.constant 4000 : i32
        %mul3A_89 = arith.muli %arg1, %mul3A_88 : i32
        %mul3A_90 = arith.constant 80 : i32
        %mul3A_91 = arith.muli %add3A_87, %mul3A_90 : i32
        %add3A_92 = arith.addi %mul3A_89, %mul3A_91 : i32
        %mul3A_93 = arith.constant 128 : i32
        %mul3A_94 = arith.muli %arg0, %mul3A_93 : i32
        %dma_start3A_95 = tpu.memref_slice %arg2[%add3A_92, %mul3A_94] : memref<64000x256xf32, #tpu.memory_space<hbm>> -> memref<80x128xf32, #tpu.memory_space<hbm>>
        %dma_start3A_96 = tpu.memref_slice %arg2[%add3A_92, %mul3A_94] : memref<64000x256xf32, #tpu.memory_space<hbm>> -> memref<80x128xf32, #tpu.memory_space<hbm>>
        tpu.enqueue_dma source(%dma_start3A_96 : memref<80x128xf32, #tpu.memory_space<hbm>>) target(%arg7 : memref<80x128xf32, #tpu.memory_space<vmem>>) target_semaphore(%arg10 : memref<!tpu.dma_semaphore, #tpu.memory_space<semaphore_mem>>)
      } else {
      }
      %mul3A_71 = arith.constant 4000 : i32
      %mul3A_72 = arith.muli %arg1, %mul3A_71 : i32
      %mul3A_73 = arith.constant 80 : i32
      %mul3A_74 = arith.muli %add3A_58, %mul3A_73 : i32
      %add3A_75 = arith.addi %mul3A_72, %mul3A_74 : i32
      %mul3A_76 = arith.constant 128 : i32
      %mul3A_77 = arith.muli %arg0, %mul3A_76 : i32
      %dma_wait3A_78 = tpu.memref_slice %arg2[%add3A_75, %mul3A_77] : memref<64000x256xf32, #tpu.memory_space<hbm>> -> memref<80x128xf32, #tpu.memory_space<hbm>>
      %dma_wait3A_79 = tpu.memref_slice %arg2[%add3A_75, %mul3A_77] : memref<64000x256xf32, #tpu.memory_space<hbm>> -> memref<80x128xf32, #tpu.memory_space<hbm>>
      tpu.wait_dma2 semaphore(%arg11 : memref<!tpu.dma_semaphore, #tpu.memory_space<semaphore_mem>>) src(%dma_wait3A_79 : memref<80x128xf32, #tpu.memory_space<hbm>>) dst(%arg8 : memref<80x128xf32, #tpu.memory_space<vmem>>)
      %mul3A_80 = arith.constant 80 : i32
      %mul3A_81 = arith.muli %add3A_58, %mul3A_80 : i32
      %dma_start3A_82 = tpu.memref_slice %arg6[%mul3A_81] : memref<4000xi32, #tpu.memory_space<vmem>> -> memref<80xi32, #tpu.memory_space<vmem>>
      %dma_start3A_83 = arith.constant 0 : i32
      %dma_start3A_84 = arith.constant 0 : i32
      %dma_start3A_85 = tpu.memref_slice %arg9[%dma_start3A_83, %dma_start3A_84] : memref<10000x128xf32, #tpu.memory_space<vmem_shared>> -> memref<10000x128xf32, #tpu.memory_space<vmem_shared>>
      tpu.enqueue_indirect_dma source(%arg8 : memref<80x128xf32, #tpu.memory_space<vmem>>) target(%dma_start3A_85 : memref<10000x128xf32, #tpu.memory_space<vmem_shared>>) offsets(%dma_start3A_82 : memref<80xi32, #tpu.memory_space<vmem>>) semaphore(%arg13 : memref<!tpu.dma_semaphore, #tpu.memory_space<semaphore_mem>>) {add = true}
    }
    %scan3A_15 = arith.constant 25 : i32
    %dma_wait3A = arith.constant 3920 : i32
    %dma_wait3A_16 = tpu.memref_slice %arg6[%dma_wait3A] : memref<4000xi32, #tpu.memory_space<vmem>> -> memref<80xi32, #tpu.memory_space<vmem>>
    %dma_wait3A_17 = arith.constant 0 : i32
    %dma_wait3A_18 = arith.constant 0 : i32
    %dma_wait3A_19 = tpu.memref_slice %arg9[%dma_wait3A_17, %dma_wait3A_18] : memref<10000x128xf32, #tpu.memory_space<vmem_shared>> -> memref<10000x128xf32, #tpu.memory_space<vmem_shared>>
    tpu.wait_indirect_dma semaphore(%arg13 : memref<!tpu.dma_semaphore, #tpu.memory_space<semaphore_mem>>) src(%arg8 : memref<80x128xf32, #tpu.memory_space<vmem>>) dst(%dma_wait3A_19 : memref<10000x128xf32, #tpu.memory_space<vmem_shared>>)
    %barrier3A_20 = arith.constant 0 : index
    tpu.barrier barrier_id(%barrier3A_20)
    %lt3A_21 = arith.constant 10 : i32
    %lt3A_22 = arith.cmpi slt, %arg1, %lt3A_21 : i32
    %convert_element_type3A_23 = arith.extui %lt3A_22 : i1 to i32
    %cond3A_24 = arith.constant 0 : i32
    %cond3A_25 = arith.cmpi ne, %convert_element_type3A_23, %cond3A_24 : i32
    scf.if %cond3A_25 {
      %mul3A_26 = arith.constant 1000 : i32
      %mul3A_27 = arith.muli %arg1, %mul3A_26 : i32
      %mul3A_28 = arith.constant 1000 : i32
      %mul3A_29 = arith.muli %arg1, %mul3A_28 : i32
      %mul3A_30 = arith.constant 128 : i32
      %mul3A_31 = arith.muli %arg0, %mul3A_30 : i32
      "tpu.region"() ({
        %run_scoped3A = tpu.sem_alloc : memref<!tpu.dma_semaphore, #tpu.memory_space<semaphore_mem>>
        %dma_start3A_32 = tpu.memref_slice %arg5[%mul3A_29, %mul3A_31] : memref<10000x256xf32, #tpu.memory_space<hbm>> -> memref<1000x128xf32, #tpu.memory_space<hbm>>
        %dma_start3A_33 = arith.constant 0 : i32
        %dma_start3A_34 = tpu.memref_slice %arg9[%mul3A_27, %dma_start3A_33] : memref<10000x128xf32, #tpu.memory_space<vmem_shared>> -> memref<1000x128xf32, #tpu.memory_space<vmem_shared>>
        tpu.enqueue_dma source(%dma_start3A_34 : memref<1000x128xf32, #tpu.memory_space<vmem_shared>>) target(%dma_start3A_32 : memref<1000x128xf32, #tpu.memory_space<hbm>>) target_semaphore(%run_scoped3A : memref<!tpu.dma_semaphore, #tpu.memory_space<semaphore_mem>>)
        %dma_wait3A_35 = tpu.memref_slice %arg5[%mul3A_29, %mul3A_31] : memref<10000x256xf32, #tpu.memory_space<hbm>> -> memref<1000x128xf32, #tpu.memory_space<hbm>>
        %dma_wait3A_36 = arith.constant 0 : i32
        %dma_wait3A_37 = tpu.memref_slice %arg9[%mul3A_27, %dma_wait3A_36] : memref<10000x128xf32, #tpu.memory_space<vmem_shared>> -> memref<1000x128xf32, #tpu.memory_space<vmem_shared>>
        tpu.wait_dma2 semaphore(%run_scoped3A : memref<!tpu.dma_semaphore, #tpu.memory_space<semaphore_mem>>) src(%dma_wait3A_37 : memref<1000x128xf32, #tpu.memory_space<vmem_shared>>) dst(%dma_wait3A_35 : memref<1000x128xf32, #tpu.memory_space<hbm>>)
        tpu.yield
      }) : () -> ()
    } else {
    }
    return
  }
}

module attributes {stable_mosaic.version = 14 : i64} {
  func.func @_mm_body(%arg0: i32, %arg1: memref<147x3200xf32, #tpu.memory_space<vmem>>, %arg2: memref<147x256xf32, #tpu.memory_space<vmem>>, %arg3: memref<3200x256xbf16, #tpu.memory_space<vmem>>) attributes {dimension_semantics = [#tpu.dimension_semantics<arbitrary>], iteration_bounds = array<i64: 50>, scalar_prefetch = 0 : i64, scratch_operands = 0 : i64, tpu.core_type = #tpu.core_type<tc>, window_params = [{transform_indices = @transform_0, window_bounds = array<i64: 147, 3200>}, {pipeline_mode = #tpu.pipeline_mode<synchronous>, transform_indices = @transform_1, window_bounds = array<i64: 147, 256>}, {transform_indices = @transform_2, window_bounds = array<i64: 3200, 256>}]} {
    %get3A = arith.constant 0 : index
    %get3A_0 = arith.constant 0 : index
    %get3A_1 = vector.load %arg1[%get3A, %get3A_0] : memref<147x3200xf32, #tpu.memory_space<vmem>>, vector<147x3200xf32>
    %get3A_2 = arith.constant 0 : index
    %get3A_3 = arith.constant 0 : index
    %get3A_4 = vector.load %arg2[%get3A_2, %get3A_3] : memref<147x256xf32, #tpu.memory_space<vmem>>, vector<147x256xf32>
    %dot_general3A = arith.constant dense<0.000000e+00> : vector<3200x256xf32>
    %dot_general3A_5 = tpu.matmul %get3A_1, %get3A_4, %dot_general3A {dimension_numbers = #tpu.dot_dimension_numbers<[0], [0], [1], [1], [0, 1, 1, 1], [], []>, transpose_lhs_hint = false} : vector<147x3200xf32>, vector<147x256xf32>, vector<3200x256xf32> -> vector<3200x256xf32>
    %convert_element_type3A = arith.truncf %dot_general3A_5 : vector<3200x256xf32> to vector<3200x256xbf16>
    %swap3A = arith.constant 0 : index
    %swap3A_6 = arith.constant 0 : index
    %swap3A_7 = vector.load %arg3[%swap3A, %swap3A_6] : memref<3200x256xbf16, #tpu.memory_space<vmem>>, vector<3200x256xbf16>
    tpu.vector_store %arg3[%swap3A, %swap3A_6], %convert_element_type3A {strides = array<i32>} : memref<3200x256xbf16, #tpu.memory_space<vmem>>, vector<3200x256xbf16>,
    return
  }
  func.func @transform_0(%arg0: i32) -> (i32, i32) {
    %c0_i32 = arith.constant 0 : i32
    %c0_i32_0 = arith.constant 0 : i32
    return %c0_i32, %arg0 : i32, i32
  }
  func.func @transform_1(%arg0: i32) -> (i32, i32) {
    %c0_i32 = arith.constant 0 : i32
    %c0_i32_0 = arith.constant 0 : i32
    %c0_i32_1 = arith.constant 0 : i32
    return %c0_i32, %c0_i32_0 : i32, i32
  }
  func.func @transform_2(%arg0: i32) -> (i32, i32) {
    %c0_i32 = arith.constant 0 : i32
    %c0_i32_0 = arith.constant 0 : i32
    return %arg0, %c0_i32 : i32, i32
  }
}

module attributes {stable_mosaic.version = 14 : i64} {
  func.func @_mm_relu_body(%arg0: i32, %arg1: memref<147x3200xf32, #tpu.memory_space<vmem>>, %arg2: memref<147x256xf32, #tpu.memory_space<vmem>>, %arg3: memref<3200x256xf32, #tpu.memory_space<vmem>>) attributes {dimension_semantics = [#tpu.dimension_semantics<arbitrary>], iteration_bounds = array<i64: 50>, scalar_prefetch = 0 : i64, scratch_operands = 0 : i64, tpu.core_type = #tpu.core_type<tc>, window_params = [{transform_indices = @transform_0, window_bounds = array<i64: 147, 3200>}, {pipeline_mode = #tpu.pipeline_mode<synchronous>, transform_indices = @transform_1, window_bounds = array<i64: 147, 256>}, {transform_indices = @transform_2, window_bounds = array<i64: 3200, 256>}]} {
    %get3A = arith.constant 0 : index
    %get3A_0 = arith.constant 0 : index
    %get3A_1 = vector.load %arg1[%get3A, %get3A_0] : memref<147x3200xf32, #tpu.memory_space<vmem>>, vector<147x3200xf32>
    %get3A_2 = arith.constant 0 : index
    %get3A_3 = arith.constant 0 : index
    %get3A_4 = vector.load %arg2[%get3A_2, %get3A_3] : memref<147x256xf32, #tpu.memory_space<vmem>>, vector<147x256xf32>
    %dot_general3A = arith.constant dense<0.000000e+00> : vector<3200x256xf32>
    %dot_general3A_5 = tpu.matmul %get3A_1, %get3A_4, %dot_general3A {dimension_numbers = #tpu.dot_dimension_numbers<[0], [0], [1], [1], [0, 1, 1, 1], [], []>, transpose_lhs_hint = false} : vector<147x3200xf32>, vector<147x256xf32>, vector<3200x256xf32> -> vector<3200x256xf32>
    %max3A = arith.constant 0.000000e+00 : f32
    %max3A_6 = vector.broadcast %max3A : f32 to vector<3200x256xf32>
    %max3A_7 = arith.maximumf %dot_general3A_5, %max3A_6 : vector<3200x256xf32>
    %swap3A = arith.constant 0 : index
    %swap3A_8 = arith.constant 0 : index
    %swap3A_9 = vector.load %arg3[%swap3A, %swap3A_8] : memref<3200x256xf32, #tpu.memory_space<vmem>>, vector<3200x256xf32>
    tpu.vector_store %arg3[%swap3A, %swap3A_8], %max3A_7 {strides = array<i32>} : memref<3200x256xf32, #tpu.memory_space<vmem>>, vector<3200x256xf32>,
    return
  }
  func.func @transform_0(%arg0: i32) -> (i32, i32) {
    %c0_i32 = arith.constant 0 : i32
    %c0_i32_0 = arith.constant 0 : i32
    return %c0_i32, %arg0 : i32, i32
  }
  func.func @transform_1(%arg0: i32) -> (i32, i32) {
    %c0_i32 = arith.constant 0 : i32
    %c0_i32_0 = arith.constant 0 : i32
    %c0_i32_1 = arith.constant 0 : i32
    return %c0_i32, %c0_i32_0 : i32, i32
  }
  func.func @transform_2(%arg0: i32) -> (i32, i32) {
    %c0_i32 = arith.constant 0 : i32
    %c0_i32_0 = arith.constant 0 : i32
    return %arg0, %c0_i32 : i32, i32
  }
}

module attributes {stable_mosaic.version = 14 : i64} {
  func.func @_fused_iter_body(%arg0: i32, %arg1: memref<1600x256xf32, #tpu.memory_space<vmem>>, %arg2: memref<1600x256xbf16, #tpu.memory_space<vmem>>, %arg3: memref<1600x256xf32, #tpu.memory_space<vmem>>, %arg4: memref<256x256xf32, #tpu.memory_space<vmem>>, %arg5: memref<1600x256xf32, #tpu.memory_space<vmem>>) attributes {dimension_semantics = [#tpu.dimension_semantics<arbitrary>], iteration_bounds = array<i64: 60>, scalar_prefetch = 0 : i64, scratch_operands = 0 : i64, tpu.core_type = #tpu.core_type<tc>, window_params = [{transform_indices = @transform_0, window_bounds = array<i64: 1600, 256>}, {transform_indices = @transform_1, window_bounds = array<i64: 1600, 256>}, {transform_indices = @transform_2, window_bounds = array<i64: 1600, 256>}, {pipeline_mode = #tpu.pipeline_mode<synchronous>, transform_indices = @transform_3, window_bounds = array<i64: 256, 256>}, {transform_indices = @transform_4, window_bounds = array<i64: 1600, 256>}]} {
    %get3A = arith.constant 0 : index
    %get3A_0 = arith.constant 0 : index
    %get3A_1 = vector.load %arg1[%get3A, %get3A_0] : memref<1600x256xf32, #tpu.memory_space<vmem>>, vector<1600x256xf32>
    %slice3A = vector.extract_strided_slice %get3A_1 {offsets = [1, 0], sizes = [1599, 256], strides = [1, 1]} : vector<1600x256xf32> to vector<1599x256xf32>
    %slice3A_2 = vector.extract_strided_slice %get3A_1 {offsets = [0, 0], sizes = [1, 256], strides = [1, 1]} : vector<1600x256xf32> to vector<1x256xf32>
    %concatenate3A = tpu.concatenate %slice3A, %slice3A_2 in 0 : vector<1599x256xf32>, vector<1x256xf32> -> vector<1600x256xf32>
    %slice3A_3 = vector.extract_strided_slice %get3A_1 {offsets = [1599, 0], sizes = [1, 256], strides = [1, 1]} : vector<1600x256xf32> to vector<1x256xf32>
    %slice3A_4 = vector.extract_strided_slice %get3A_1 {offsets = [0, 0], sizes = [1599, 256], strides = [1, 1]} : vector<1600x256xf32> to vector<1599x256xf32>
    %concatenate3A_5 = tpu.concatenate %slice3A_3, %slice3A_4 in 0 : vector<1x256xf32>, vector<1599x256xf32> -> vector<1600x256xf32>
    %iota3A = tpu.iota {dimensions = array<i32: 0>} : vector<1600x256xi32>
    %jit3A = arith.constant 2 : i32
    %eq3A = arith.constant 0 : i32
    %eq3A_6 = arith.cmpi eq, %jit3A, %eq3A : i32
    %jit3A_7 = arith.constant 1 : i32
    %select_n3A = arith.select %eq3A_6, %jit3A_7, %jit3A : i32
    %rem3A = vector.broadcast %select_n3A : i32 to vector<1600x256xi32>
    %rem3A_8 = arith.remsi %iota3A, %rem3A : vector<1600x256xi32>
    %ne3A = arith.constant 0 : i32
    %ne3A_9 = vector.broadcast %ne3A : i32 to vector<1600x256xi32>
    %ne3A_10 = arith.cmpi ne, %rem3A_8, %ne3A_9 : vector<1600x256xi32>
    %lt3A = arith.constant 0 : i32
    %lt3A_11 = vector.broadcast %lt3A : i32 to vector<1600x256xi32>
    %lt3A_12 = arith.cmpi slt, %rem3A_8, %lt3A_11 : vector<1600x256xi32>
    %lt3A_13 = arith.constant 0 : i32
    %lt3A_14 = arith.cmpi slt, %select_n3A, %lt3A_13 : i32
    %ne3A_15 = vector.broadcast %lt3A_14 : i1 to vector<1600x256xi1>
    %ne3A_16 = vector.broadcast %ne3A_15 : vector<1600x256xi1> to vector<1600x256xi1>
    %ne3A_17 = arith.xori %lt3A_12, %ne3A_16 : vector<1600x256xi1>
    %and3A = arith.andi %ne3A_17, %ne3A_10 : vector<1600x256xi1>
    %add3A = vector.broadcast %select_n3A : i32 to vector<1600x256xi32>
    %add3A_18 = arith.addi %rem3A_8, %add3A : vector<1600x256xi32>
    %select_n3A_19 = arith.select %and3A, %add3A_18, %rem3A_8 : vector<1600x256xi1>, vector<1600x256xi32>
    %eq3A_20 = arith.constant 0 : i32
    %eq3A_21 = vector.broadcast %eq3A_20 : i32 to vector<1600x256xi32>
    %eq3A_22 = arith.cmpi eq, %select_n3A_19, %eq3A_21 : vector<1600x256xi32>
    %select_n3A_23 = arith.select %eq3A_22, %concatenate3A, %concatenate3A_5 : vector<1600x256xi1>, vector<1600x256xf32>
    %get3A_24 = arith.constant 0 : index
    %get3A_25 = arith.constant 0 : index
    %get3A_26 = vector.load %arg3[%get3A_24, %get3A_25] : memref<1600x256xf32, #tpu.memory_space<vmem>>, vector<1600x256xf32>
    %sub3A = arith.subf %get3A_26, %select_n3A_23 : vector<1600x256xf32>
    %get3A_27 = arith.constant 0 : index
    %get3A_28 = arith.constant 0 : index
    %get3A_29 = vector.load %arg4[%get3A_27, %get3A_28] : memref<256x256xf32, #tpu.memory_space<vmem>>, vector<256x256xf32>
    %dot_general3A = arith.constant dense<0.000000e+00> : vector<1600x256xf32>
    %dot_general3A_30 = tpu.matmul %sub3A, %get3A_29, %dot_general3A {dimension_numbers = #tpu.dot_dimension_numbers<[1], [0], [0], [1], [0, 0, 1, 1], [], []>, transpose_lhs_hint = false} : vector<1600x256xf32>, vector<256x256xf32>, vector<1600x256xf32> -> vector<1600x256xf32>
    %get3A_31 = arith.constant 0 : index
    %get3A_32 = arith.constant 0 : index
    %get3A_33 = vector.load %arg2[%get3A_31, %get3A_32] : memref<1600x256xbf16, #tpu.memory_space<vmem>>, vector<1600x256xbf16>
    %convert_element_type3A = arith.extf %get3A_33 : vector<1600x256xbf16> to vector<1600x256xf32>
    %add3A_34 = arith.addf %convert_element_type3A, %dot_general3A_30 : vector<1600x256xf32>
    %max3A = arith.constant 0.000000e+00 : f32
    %max3A_35 = vector.broadcast %max3A : f32 to vector<1600x256xf32>
    %max3A_36 = arith.maximumf %add3A_34, %max3A_35 : vector<1600x256xf32>
    %swap3A = arith.constant 0 : index
    %swap3A_37 = arith.constant 0 : index
    %swap3A_38 = vector.load %arg5[%swap3A, %swap3A_37] : memref<1600x256xf32, #tpu.memory_space<vmem>>, vector<1600x256xf32>
    tpu.vector_store %arg5[%swap3A, %swap3A_37], %max3A_36 {strides = array<i32>} : memref<1600x256xf32, #tpu.memory_space<vmem>>, vector<1600x256xf32>,
    return
  }
  func.func @transform_0(%arg0: i32) -> (i32, i32) {
    %add3A = arith.constant 0 : i32
    %add3A_0 = arith.addi %arg0, %add3A : i32
    %c0_i32 = arith.constant 0 : i32
    %c0_i32_1 = arith.constant 0 : i32
    return %add3A_0, %c0_i32 : i32, i32
  }
  func.func @transform_1(%arg0: i32) -> (i32, i32) {
    %add3A = arith.constant 0 : i32
    %add3A_0 = arith.addi %arg0, %add3A : i32
    %c0_i32 = arith.constant 0 : i32
    %c0_i32_1 = arith.constant 0 : i32
    return %add3A_0, %c0_i32 : i32, i32
  }
  func.func @transform_2(%arg0: i32) -> (i32, i32) {
    %add3A = arith.constant 0 : i32
    %add3A_0 = arith.addi %arg0, %add3A : i32
    %c0_i32 = arith.constant 0 : i32
    %c0_i32_1 = arith.constant 0 : i32
    return %add3A_0, %c0_i32 : i32, i32
  }
  func.func @transform_3(%arg0: i32) -> (i32, i32) {
    %c0_i32 = arith.constant 0 : i32
    %c0_i32_0 = arith.constant 0 : i32
    %c0_i32_1 = arith.constant 0 : i32
    return %c0_i32, %c0_i32_0 : i32, i32
  }
  func.func @transform_4(%arg0: i32) -> (i32, i32) {
    %c0_i32 = arith.constant 0 : i32
    %c0_i32_0 = arith.constant 0 : i32
    return %arg0, %c0_i32 : i32, i32
  }
}

module attributes {stable_mosaic.version = 14 : i64} {
  func.func @_fused_iter_body(%arg0: i32, %arg1: memref<1600x256xf32, #tpu.memory_space<vmem>>, %arg2: memref<1600x256xbf16, #tpu.memory_space<vmem>>, %arg3: memref<1600x256xf32, #tpu.memory_space<vmem>>, %arg4: memref<256x256xf32, #tpu.memory_space<vmem>>, %arg5: memref<1600x256xf32, #tpu.memory_space<vmem>>) attributes {dimension_semantics = [#tpu.dimension_semantics<arbitrary>], iteration_bounds = array<i64: 40>, scalar_prefetch = 0 : i64, scratch_operands = 0 : i64, tpu.core_type = #tpu.core_type<tc>, window_params = [{transform_indices = @transform_0, window_bounds = array<i64: 1600, 256>}, {transform_indices = @transform_1, window_bounds = array<i64: 1600, 256>}, {transform_indices = @transform_2, window_bounds = array<i64: 1600, 256>}, {pipeline_mode = #tpu.pipeline_mode<synchronous>, transform_indices = @transform_3, window_bounds = array<i64: 256, 256>}, {transform_indices = @transform_4, window_bounds = array<i64: 1600, 256>}]} {
    %get3A = arith.constant 0 : index
    %get3A_0 = arith.constant 0 : index
    %get3A_1 = vector.load %arg1[%get3A, %get3A_0] : memref<1600x256xf32, #tpu.memory_space<vmem>>, vector<1600x256xf32>
    %slice3A = vector.extract_strided_slice %get3A_1 {offsets = [1, 0], sizes = [1599, 256], strides = [1, 1]} : vector<1600x256xf32> to vector<1599x256xf32>
    %slice3A_2 = vector.extract_strided_slice %get3A_1 {offsets = [0, 0], sizes = [1, 256], strides = [1, 1]} : vector<1600x256xf32> to vector<1x256xf32>
    %concatenate3A = tpu.concatenate %slice3A, %slice3A_2 in 0 : vector<1599x256xf32>, vector<1x256xf32> -> vector<1600x256xf32>
    %slice3A_3 = vector.extract_strided_slice %get3A_1 {offsets = [1599, 0], sizes = [1, 256], strides = [1, 1]} : vector<1600x256xf32> to vector<1x256xf32>
    %slice3A_4 = vector.extract_strided_slice %get3A_1 {offsets = [0, 0], sizes = [1599, 256], strides = [1, 1]} : vector<1600x256xf32> to vector<1599x256xf32>
    %concatenate3A_5 = tpu.concatenate %slice3A_3, %slice3A_4 in 0 : vector<1x256xf32>, vector<1599x256xf32> -> vector<1600x256xf32>
    %iota3A = tpu.iota {dimensions = array<i32: 0>} : vector<1600x256xi32>
    %jit3A = arith.constant 2 : i32
    %eq3A = arith.constant 0 : i32
    %eq3A_6 = arith.cmpi eq, %jit3A, %eq3A : i32
    %jit3A_7 = arith.constant 1 : i32
    %select_n3A = arith.select %eq3A_6, %jit3A_7, %jit3A : i32
    %rem3A = vector.broadcast %select_n3A : i32 to vector<1600x256xi32>
    %rem3A_8 = arith.remsi %iota3A, %rem3A : vector<1600x256xi32>
    %ne3A = arith.constant 0 : i32
    %ne3A_9 = vector.broadcast %ne3A : i32 to vector<1600x256xi32>
    %ne3A_10 = arith.cmpi ne, %rem3A_8, %ne3A_9 : vector<1600x256xi32>
    %lt3A = arith.constant 0 : i32
    %lt3A_11 = vector.broadcast %lt3A : i32 to vector<1600x256xi32>
    %lt3A_12 = arith.cmpi slt, %rem3A_8, %lt3A_11 : vector<1600x256xi32>
    %lt3A_13 = arith.constant 0 : i32
    %lt3A_14 = arith.cmpi slt, %select_n3A, %lt3A_13 : i32
    %ne3A_15 = vector.broadcast %lt3A_14 : i1 to vector<1600x256xi1>
    %ne3A_16 = vector.broadcast %ne3A_15 : vector<1600x256xi1> to vector<1600x256xi1>
    %ne3A_17 = arith.xori %lt3A_12, %ne3A_16 : vector<1600x256xi1>
    %and3A = arith.andi %ne3A_17, %ne3A_10 : vector<1600x256xi1>
    %add3A = vector.broadcast %select_n3A : i32 to vector<1600x256xi32>
    %add3A_18 = arith.addi %rem3A_8, %add3A : vector<1600x256xi32>
    %select_n3A_19 = arith.select %and3A, %add3A_18, %rem3A_8 : vector<1600x256xi1>, vector<1600x256xi32>
    %eq3A_20 = arith.constant 0 : i32
    %eq3A_21 = vector.broadcast %eq3A_20 : i32 to vector<1600x256xi32>
    %eq3A_22 = arith.cmpi eq, %select_n3A_19, %eq3A_21 : vector<1600x256xi32>
    %select_n3A_23 = arith.select %eq3A_22, %concatenate3A, %concatenate3A_5 : vector<1600x256xi1>, vector<1600x256xf32>
    %get3A_24 = arith.constant 0 : index
    %get3A_25 = arith.constant 0 : index
    %get3A_26 = vector.load %arg3[%get3A_24, %get3A_25] : memref<1600x256xf32, #tpu.memory_space<vmem>>, vector<1600x256xf32>
    %sub3A = arith.subf %get3A_26, %select_n3A_23 : vector<1600x256xf32>
    %get3A_27 = arith.constant 0 : index
    %get3A_28 = arith.constant 0 : index
    %get3A_29 = vector.load %arg4[%get3A_27, %get3A_28] : memref<256x256xf32, #tpu.memory_space<vmem>>, vector<256x256xf32>
    %dot_general3A = arith.constant dense<0.000000e+00> : vector<1600x256xf32>
    %dot_general3A_30 = tpu.matmul %sub3A, %get3A_29, %dot_general3A {dimension_numbers = #tpu.dot_dimension_numbers<[1], [0], [0], [1], [0, 0, 1, 1], [], []>, transpose_lhs_hint = false} : vector<1600x256xf32>, vector<256x256xf32>, vector<1600x256xf32> -> vector<1600x256xf32>
    %get3A_31 = arith.constant 0 : index
    %get3A_32 = arith.constant 0 : index
    %get3A_33 = vector.load %arg2[%get3A_31, %get3A_32] : memref<1600x256xbf16, #tpu.memory_space<vmem>>, vector<1600x256xbf16>
    %convert_element_type3A = arith.extf %get3A_33 : vector<1600x256xbf16> to vector<1600x256xf32>
    %add3A_34 = arith.addf %convert_element_type3A, %dot_general3A_30 : vector<1600x256xf32>
    %max3A = arith.constant 0.000000e+00 : f32
    %max3A_35 = vector.broadcast %max3A : f32 to vector<1600x256xf32>
    %max3A_36 = arith.maximumf %add3A_34, %max3A_35 : vector<1600x256xf32>
    %swap3A = arith.constant 0 : index
    %swap3A_37 = arith.constant 0 : index
    %swap3A_38 = vector.load %arg5[%swap3A, %swap3A_37] : memref<1600x256xf32, #tpu.memory_space<vmem>>, vector<1600x256xf32>
    tpu.vector_store %arg5[%swap3A, %swap3A_37], %max3A_36 {strides = array<i32>} : memref<1600x256xf32, #tpu.memory_space<vmem>>, vector<1600x256xf32>,
    return
  }
  func.func @transform_0(%arg0: i32) -> (i32, i32) {
    %add3A = arith.constant 60 : i32
    %add3A_0 = arith.addi %arg0, %add3A : i32
    %c0_i32 = arith.constant 0 : i32
    %c0_i32_1 = arith.constant 0 : i32
    return %add3A_0, %c0_i32 : i32, i32
  }
  func.func @transform_1(%arg0: i32) -> (i32, i32) {
    %add3A = arith.constant 60 : i32
    %add3A_0 = arith.addi %arg0, %add3A : i32
    %c0_i32 = arith.constant 0 : i32
    %c0_i32_1 = arith.constant 0 : i32
    return %add3A_0, %c0_i32 : i32, i32
  }
  func.func @transform_2(%arg0: i32) -> (i32, i32) {
    %add3A = arith.constant 60 : i32
    %add3A_0 = arith.addi %arg0, %add3A : i32
    %c0_i32 = arith.constant 0 : i32
    %c0_i32_1 = arith.constant 0 : i32
    return %add3A_0, %c0_i32 : i32, i32
  }
  func.func @transform_3(%arg0: i32) -> (i32, i32) {
    %c0_i32 = arith.constant 0 : i32
    %c0_i32_0 = arith.constant 0 : i32
    %c0_i32_1 = arith.constant 0 : i32
    return %c0_i32, %c0_i32_0 : i32, i32
  }
  func.func @transform_4(%arg0: i32) -> (i32, i32) {
    %c0_i32 = arith.constant 0 : i32
    %c0_i32_0 = arith.constant 0 : i32
    return %arg0, %c0_i32 : i32, i32
  }
}

module attributes {stable_mosaic.version = 14 : i64} {
  func.func @_fused_iter_body(%arg0: i32, %arg1: memref<1600x256xf32, #tpu.memory_space<vmem>>, %arg2: memref<1600x256xbf16, #tpu.memory_space<vmem>>, %arg3: memref<1600x256xf32, #tpu.memory_space<vmem>>, %arg4: memref<256x256xf32, #tpu.memory_space<vmem>>, %arg5: memref<1600x256xf32, #tpu.memory_space<vmem>>) attributes {dimension_semantics = [#tpu.dimension_semantics<arbitrary>], iteration_bounds = array<i64: 60>, scalar_prefetch = 0 : i64, scratch_operands = 0 : i64, tpu.core_type = #tpu.core_type<tc>, window_params = [{transform_indices = @transform_0, window_bounds = array<i64: 1600, 256>}, {transform_indices = @transform_1, window_bounds = array<i64: 1600, 256>}, {transform_indices = @transform_2, window_bounds = array<i64: 1600, 256>}, {pipeline_mode = #tpu.pipeline_mode<synchronous>, transform_indices = @transform_3, window_bounds = array<i64: 256, 256>}, {transform_indices = @transform_4, window_bounds = array<i64: 1600, 256>}]} {
    %get3A = arith.constant 0 : index
    %get3A_0 = arith.constant 0 : index
    %get3A_1 = vector.load %arg1[%get3A, %get3A_0] : memref<1600x256xf32, #tpu.memory_space<vmem>>, vector<1600x256xf32>
    %slice3A = vector.extract_strided_slice %get3A_1 {offsets = [1, 0], sizes = [1599, 256], strides = [1, 1]} : vector<1600x256xf32> to vector<1599x256xf32>
    %slice3A_2 = vector.extract_strided_slice %get3A_1 {offsets = [0, 0], sizes = [1, 256], strides = [1, 1]} : vector<1600x256xf32> to vector<1x256xf32>
    %concatenate3A = tpu.concatenate %slice3A, %slice3A_2 in 0 : vector<1599x256xf32>, vector<1x256xf32> -> vector<1600x256xf32>
    %slice3A_3 = vector.extract_strided_slice %get3A_1 {offsets = [1599, 0], sizes = [1, 256], strides = [1, 1]} : vector<1600x256xf32> to vector<1x256xf32>
    %slice3A_4 = vector.extract_strided_slice %get3A_1 {offsets = [0, 0], sizes = [1599, 256], strides = [1, 1]} : vector<1600x256xf32> to vector<1599x256xf32>
    %concatenate3A_5 = tpu.concatenate %slice3A_3, %slice3A_4 in 0 : vector<1x256xf32>, vector<1599x256xf32> -> vector<1600x256xf32>
    %iota3A = tpu.iota {dimensions = array<i32: 0>} : vector<1600x256xi32>
    %jit3A = arith.constant 2 : i32
    %eq3A = arith.constant 0 : i32
    %eq3A_6 = arith.cmpi eq, %jit3A, %eq3A : i32
    %jit3A_7 = arith.constant 1 : i32
    %select_n3A = arith.select %eq3A_6, %jit3A_7, %jit3A : i32
    %rem3A = vector.broadcast %select_n3A : i32 to vector<1600x256xi32>
    %rem3A_8 = arith.remsi %iota3A, %rem3A : vector<1600x256xi32>
    %ne3A = arith.constant 0 : i32
    %ne3A_9 = vector.broadcast %ne3A : i32 to vector<1600x256xi32>
    %ne3A_10 = arith.cmpi ne, %rem3A_8, %ne3A_9 : vector<1600x256xi32>
    %lt3A = arith.constant 0 : i32
    %lt3A_11 = vector.broadcast %lt3A : i32 to vector<1600x256xi32>
    %lt3A_12 = arith.cmpi slt, %rem3A_8, %lt3A_11 : vector<1600x256xi32>
    %lt3A_13 = arith.constant 0 : i32
    %lt3A_14 = arith.cmpi slt, %select_n3A, %lt3A_13 : i32
    %ne3A_15 = vector.broadcast %lt3A_14 : i1 to vector<1600x256xi1>
    %ne3A_16 = vector.broadcast %ne3A_15 : vector<1600x256xi1> to vector<1600x256xi1>
    %ne3A_17 = arith.xori %lt3A_12, %ne3A_16 : vector<1600x256xi1>
    %and3A = arith.andi %ne3A_17, %ne3A_10 : vector<1600x256xi1>
    %add3A = vector.broadcast %select_n3A : i32 to vector<1600x256xi32>
    %add3A_18 = arith.addi %rem3A_8, %add3A : vector<1600x256xi32>
    %select_n3A_19 = arith.select %and3A, %add3A_18, %rem3A_8 : vector<1600x256xi1>, vector<1600x256xi32>
    %eq3A_20 = arith.constant 0 : i32
    %eq3A_21 = vector.broadcast %eq3A_20 : i32 to vector<1600x256xi32>
    %eq3A_22 = arith.cmpi eq, %select_n3A_19, %eq3A_21 : vector<1600x256xi32>
    %select_n3A_23 = arith.select %eq3A_22, %concatenate3A, %concatenate3A_5 : vector<1600x256xi1>, vector<1600x256xf32>
    %get3A_24 = arith.constant 0 : index
    %get3A_25 = arith.constant 0 : index
    %get3A_26 = vector.load %arg3[%get3A_24, %get3A_25] : memref<1600x256xf32, #tpu.memory_space<vmem>>, vector<1600x256xf32>
    %sub3A = arith.subf %get3A_26, %select_n3A_23 : vector<1600x256xf32>
    %get3A_27 = arith.constant 0 : index
    %get3A_28 = arith.constant 0 : index
    %get3A_29 = vector.load %arg4[%get3A_27, %get3A_28] : memref<256x256xf32, #tpu.memory_space<vmem>>, vector<256x256xf32>
    %dot_general3A = arith.constant dense<0.000000e+00> : vector<1600x256xf32>
    %dot_general3A_30 = tpu.matmul %sub3A, %get3A_29, %dot_general3A {dimension_numbers = #tpu.dot_dimension_numbers<[1], [0], [0], [1], [0, 0, 1, 1], [], []>, transpose_lhs_hint = false} : vector<1600x256xf32>, vector<256x256xf32>, vector<1600x256xf32> -> vector<1600x256xf32>
    %get3A_31 = arith.constant 0 : index
    %get3A_32 = arith.constant 0 : index
    %get3A_33 = vector.load %arg2[%get3A_31, %get3A_32] : memref<1600x256xbf16, #tpu.memory_space<vmem>>, vector<1600x256xbf16>
    %convert_element_type3A = arith.extf %get3A_33 : vector<1600x256xbf16> to vector<1600x256xf32>
    %add3A_34 = arith.addf %convert_element_type3A, %dot_general3A_30 : vector<1600x256xf32>
    %max3A = arith.constant 0.000000e+00 : f32
    %max3A_35 = vector.broadcast %max3A : f32 to vector<1600x256xf32>
    %max3A_36 = arith.maximumf %add3A_34, %max3A_35 : vector<1600x256xf32>
    %swap3A = arith.constant 0 : index
    %swap3A_37 = arith.constant 0 : index
    %swap3A_38 = vector.load %arg5[%swap3A, %swap3A_37] : memref<1600x256xf32, #tpu.memory_space<vmem>>, vector<1600x256xf32>
    tpu.vector_store %arg5[%swap3A, %swap3A_37], %max3A_36 {strides = array<i32>} : memref<1600x256xf32, #tpu.memory_space<vmem>>, vector<1600x256xf32>,
    return
  }
  func.func @transform_0(%arg0: i32) -> (i32, i32) {
    %add3A = arith.constant 0 : i32
    %add3A_0 = arith.addi %arg0, %add3A : i32
    %c0_i32 = arith.constant 0 : i32
    %c0_i32_1 = arith.constant 0 : i32
    return %add3A_0, %c0_i32 : i32, i32
  }
  func.func @transform_1(%arg0: i32) -> (i32, i32) {
    %add3A = arith.constant 0 : i32
    %add3A_0 = arith.addi %arg0, %add3A : i32
    %c0_i32 = arith.constant 0 : i32
    %c0_i32_1 = arith.constant 0 : i32
    return %add3A_0, %c0_i32 : i32, i32
  }
  func.func @transform_2(%arg0: i32) -> (i32, i32) {
    %add3A = arith.constant 0 : i32
    %add3A_0 = arith.addi %arg0, %add3A : i32
    %c0_i32 = arith.constant 0 : i32
    %c0_i32_1 = arith.constant 0 : i32
    return %add3A_0, %c0_i32 : i32, i32
  }
  func.func @transform_3(%arg0: i32) -> (i32, i32) {
    %c0_i32 = arith.constant 0 : i32
    %c0_i32_0 = arith.constant 0 : i32
    %c0_i32_1 = arith.constant 0 : i32
    return %c0_i32, %c0_i32_0 : i32, i32
  }
  func.func @transform_4(%arg0: i32) -> (i32, i32) {
    %c0_i32 = arith.constant 0 : i32
    %c0_i32_0 = arith.constant 0 : i32
    return %arg0, %c0_i32 : i32, i32
  }
}

module attributes {stable_mosaic.version = 14 : i64} {
  func.func @_fused_iter_body(%arg0: i32, %arg1: memref<1600x256xf32, #tpu.memory_space<vmem>>, %arg2: memref<1600x256xbf16, #tpu.memory_space<vmem>>, %arg3: memref<1600x256xf32, #tpu.memory_space<vmem>>, %arg4: memref<256x256xf32, #tpu.memory_space<vmem>>, %arg5: memref<1600x256xf32, #tpu.memory_space<vmem>>) attributes {dimension_semantics = [#tpu.dimension_semantics<arbitrary>], iteration_bounds = array<i64: 40>, scalar_prefetch = 0 : i64, scratch_operands = 0 : i64, tpu.core_type = #tpu.core_type<tc>, window_params = [{transform_indices = @transform_0, window_bounds = array<i64: 1600, 256>}, {transform_indices = @transform_1, window_bounds = array<i64: 1600, 256>}, {transform_indices = @transform_2, window_bounds = array<i64: 1600, 256>}, {pipeline_mode = #tpu.pipeline_mode<synchronous>, transform_indices = @transform_3, window_bounds = array<i64: 256, 256>}, {transform_indices = @transform_4, window_bounds = array<i64: 1600, 256>}]} {
    %get3A = arith.constant 0 : index
    %get3A_0 = arith.constant 0 : index
    %get3A_1 = vector.load %arg1[%get3A, %get3A_0] : memref<1600x256xf32, #tpu.memory_space<vmem>>, vector<1600x256xf32>
    %slice3A = vector.extract_strided_slice %get3A_1 {offsets = [1, 0], sizes = [1599, 256], strides = [1, 1]} : vector<1600x256xf32> to vector<1599x256xf32>
    %slice3A_2 = vector.extract_strided_slice %get3A_1 {offsets = [0, 0], sizes = [1, 256], strides = [1, 1]} : vector<1600x256xf32> to vector<1x256xf32>
    %concatenate3A = tpu.concatenate %slice3A, %slice3A_2 in 0 : vector<1599x256xf32>, vector<1x256xf32> -> vector<1600x256xf32>
    %slice3A_3 = vector.extract_strided_slice %get3A_1 {offsets = [1599, 0], sizes = [1, 256], strides = [1, 1]} : vector<1600x256xf32> to vector<1x256xf32>
    %slice3A_4 = vector.extract_strided_slice %get3A_1 {offsets = [0, 0], sizes = [1599, 256], strides = [1, 1]} : vector<1600x256xf32> to vector<1599x256xf32>
    %concatenate3A_5 = tpu.concatenate %slice3A_3, %slice3A_4 in 0 : vector<1x256xf32>, vector<1599x256xf32> -> vector<1600x256xf32>
    %iota3A = tpu.iota {dimensions = array<i32: 0>} : vector<1600x256xi32>
    %jit3A = arith.constant 2 : i32
    %eq3A = arith.constant 0 : i32
    %eq3A_6 = arith.cmpi eq, %jit3A, %eq3A : i32
    %jit3A_7 = arith.constant 1 : i32
    %select_n3A = arith.select %eq3A_6, %jit3A_7, %jit3A : i32
    %rem3A = vector.broadcast %select_n3A : i32 to vector<1600x256xi32>
    %rem3A_8 = arith.remsi %iota3A, %rem3A : vector<1600x256xi32>
    %ne3A = arith.constant 0 : i32
    %ne3A_9 = vector.broadcast %ne3A : i32 to vector<1600x256xi32>
    %ne3A_10 = arith.cmpi ne, %rem3A_8, %ne3A_9 : vector<1600x256xi32>
    %lt3A = arith.constant 0 : i32
    %lt3A_11 = vector.broadcast %lt3A : i32 to vector<1600x256xi32>
    %lt3A_12 = arith.cmpi slt, %rem3A_8, %lt3A_11 : vector<1600x256xi32>
    %lt3A_13 = arith.constant 0 : i32
    %lt3A_14 = arith.cmpi slt, %select_n3A, %lt3A_13 : i32
    %ne3A_15 = vector.broadcast %lt3A_14 : i1 to vector<1600x256xi1>
    %ne3A_16 = vector.broadcast %ne3A_15 : vector<1600x256xi1> to vector<1600x256xi1>
    %ne3A_17 = arith.xori %lt3A_12, %ne3A_16 : vector<1600x256xi1>
    %and3A = arith.andi %ne3A_17, %ne3A_10 : vector<1600x256xi1>
    %add3A = vector.broadcast %select_n3A : i32 to vector<1600x256xi32>
    %add3A_18 = arith.addi %rem3A_8, %add3A : vector<1600x256xi32>
    %select_n3A_19 = arith.select %and3A, %add3A_18, %rem3A_8 : vector<1600x256xi1>, vector<1600x256xi32>
    %eq3A_20 = arith.constant 0 : i32
    %eq3A_21 = vector.broadcast %eq3A_20 : i32 to vector<1600x256xi32>
    %eq3A_22 = arith.cmpi eq, %select_n3A_19, %eq3A_21 : vector<1600x256xi32>
    %select_n3A_23 = arith.select %eq3A_22, %concatenate3A, %concatenate3A_5 : vector<1600x256xi1>, vector<1600x256xf32>
    %get3A_24 = arith.constant 0 : index
    %get3A_25 = arith.constant 0 : index
    %get3A_26 = vector.load %arg3[%get3A_24, %get3A_25] : memref<1600x256xf32, #tpu.memory_space<vmem>>, vector<1600x256xf32>
    %sub3A = arith.subf %get3A_26, %select_n3A_23 : vector<1600x256xf32>
    %get3A_27 = arith.constant 0 : index
    %get3A_28 = arith.constant 0 : index
    %get3A_29 = vector.load %arg4[%get3A_27, %get3A_28] : memref<256x256xf32, #tpu.memory_space<vmem>>, vector<256x256xf32>
    %dot_general3A = arith.constant dense<0.000000e+00> : vector<1600x256xf32>
    %dot_general3A_30 = tpu.matmul %sub3A, %get3A_29, %dot_general3A {dimension_numbers = #tpu.dot_dimension_numbers<[1], [0], [0], [1], [0, 0, 1, 1], [], []>, transpose_lhs_hint = false} : vector<1600x256xf32>, vector<256x256xf32>, vector<1600x256xf32> -> vector<1600x256xf32>
    %get3A_31 = arith.constant 0 : index
    %get3A_32 = arith.constant 0 : index
    %get3A_33 = vector.load %arg2[%get3A_31, %get3A_32] : memref<1600x256xbf16, #tpu.memory_space<vmem>>, vector<1600x256xbf16>
    %convert_element_type3A = arith.extf %get3A_33 : vector<1600x256xbf16> to vector<1600x256xf32>
    %add3A_34 = arith.addf %convert_element_type3A, %dot_general3A_30 : vector<1600x256xf32>
    %max3A = arith.constant 0.000000e+00 : f32
    %max3A_35 = vector.broadcast %max3A : f32 to vector<1600x256xf32>
    %max3A_36 = arith.maximumf %add3A_34, %max3A_35 : vector<1600x256xf32>
    %swap3A = arith.constant 0 : index
    %swap3A_37 = arith.constant 0 : index
    %swap3A_38 = vector.load %arg5[%swap3A, %swap3A_37] : memref<1600x256xf32, #tpu.memory_space<vmem>>, vector<1600x256xf32>
    tpu.vector_store %arg5[%swap3A, %swap3A_37], %max3A_36 {strides = array<i32>} : memref<1600x256xf32, #tpu.memory_space<vmem>>, vector<1600x256xf32>,
    return
  }
  func.func @transform_0(%arg0: i32) -> (i32, i32) {
    %add3A = arith.constant 0 : i32
    %add3A_0 = arith.addi %arg0, %add3A : i32
    %c0_i32 = arith.constant 0 : i32
    %c0_i32_1 = arith.constant 0 : i32
    return %add3A_0, %c0_i32 : i32, i32
  }
  func.func @transform_1(%arg0: i32) -> (i32, i32) {
    %add3A = arith.constant 60 : i32
    %add3A_0 = arith.addi %arg0, %add3A : i32
    %c0_i32 = arith.constant 0 : i32
    %c0_i32_1 = arith.constant 0 : i32
    return %add3A_0, %c0_i32 : i32, i32
  }
  func.func @transform_2(%arg0: i32) -> (i32, i32) {
    %add3A = arith.constant 60 : i32
    %add3A_0 = arith.addi %arg0, %add3A : i32
    %c0_i32 = arith.constant 0 : i32
    %c0_i32_1 = arith.constant 0 : i32
    return %add3A_0, %c0_i32 : i32, i32
  }
  func.func @transform_3(%arg0: i32) -> (i32, i32) {
    %c0_i32 = arith.constant 0 : i32
    %c0_i32_0 = arith.constant 0 : i32
    %c0_i32_1 = arith.constant 0 : i32
    return %c0_i32, %c0_i32_0 : i32, i32
  }
  func.func @transform_4(%arg0: i32) -> (i32, i32) {
    %c0_i32 = arith.constant 0 : i32
    %c0_i32_0 = arith.constant 0 : i32
    return %arg0, %c0_i32 : i32, i32
  }
}

module attributes {stable_mosaic.version = 14 : i64} {
  func.func @_sys_body(%arg0: memref<250x12xf32, #tpu.memory_space<vmem>>, %arg1: memref<12x256xf32, #tpu.memory_space<vmem>>, %arg2: memref<1x256xf32, #tpu.memory_space<vmem>>, %arg3: memref<250x256xf32, #tpu.memory_space<vmem>>) attributes {dimension_semantics = [], scalar_prefetch = 0 : i64, scratch_operands = 0 : i64, tpu.core_type = #tpu.core_type<tc>} {
    %get3A = arith.constant 0 : index
    %get3A_0 = arith.constant 0 : index
    %get3A_1 = vector.load %arg0[%get3A, %get3A_0] : memref<250x12xf32, #tpu.memory_space<vmem>>, vector<250x12xf32>
    %get3A_2 = arith.constant 0 : index
    %get3A_3 = arith.constant 0 : index
    %get3A_4 = vector.load %arg1[%get3A_2, %get3A_3] : memref<12x256xf32, #tpu.memory_space<vmem>>, vector<12x256xf32>
    %dot_general3A = arith.constant dense<0.000000e+00> : vector<250x256xf32>
    %dot_general3A_5 = tpu.matmul %get3A_1, %get3A_4, %dot_general3A {dimension_numbers = #tpu.dot_dimension_numbers<[1], [0], [0], [1], [0, 0, 1, 1], [], []>, transpose_lhs_hint = false} : vector<250x12xf32>, vector<12x256xf32>, vector<250x256xf32> -> vector<250x256xf32>
    %get3A_6 = arith.constant 0 : index
    %get3A_7 = arith.constant 0 : index
    %get3A_8 = vector.load %arg2[%get3A_6, %get3A_7] : memref<1x256xf32, #tpu.memory_space<vmem>>, vector<1x256xf32>
    %add3A = vector.broadcast %get3A_8 : vector<1x256xf32> to vector<250x256xf32>
    %add3A_9 = arith.addf %dot_general3A_5, %add3A : vector<250x256xf32>
    %swap3A = arith.constant 0 : index
    %swap3A_10 = arith.constant 0 : index
    %swap3A_11 = vector.load %arg3[%swap3A, %swap3A_10] : memref<250x256xf32, #tpu.memory_space<vmem>>, vector<250x256xf32>
    tpu.vector_store %arg3[%swap3A, %swap3A_10], %add3A_9 {strides = array<i32>} : memref<250x256xf32, #tpu.memory_space<vmem>>, vector<250x256xf32>,
    return
  }
}

module attributes {stable_mosaic.version = 14 : i64} {
  func.func @_final_body(%arg0: i32, %arg1: memref<1000x133xf32, #tpu.memory_space<vmem>>, %arg2: memref<1000x256xf32, #tpu.memory_space<vmem>>, %arg3: memref<133x256xf32, #tpu.memory_space<vmem>>, %arg4: memref<256x256xf32, #tpu.memory_space<vmem>>, %arg5: memref<1x256xf32, #tpu.memory_space<vmem>>, %arg6: memref<1000x256xf32, #tpu.memory_space<vmem>>) attributes {dimension_semantics = [#tpu.dimension_semantics<arbitrary>], iteration_bounds = array<i64: 10>, scalar_prefetch = 0 : i64, scratch_operands = 0 : i64, tpu.core_type = #tpu.core_type<tc>, window_params = [{transform_indices = @transform_0, window_bounds = array<i64: 1000, 133>}, {transform_indices = @transform_1, window_bounds = array<i64: 1000, 256>}, {pipeline_mode = #tpu.pipeline_mode<synchronous>, transform_indices = @transform_2, window_bounds = array<i64: 133, 256>}, {pipeline_mode = #tpu.pipeline_mode<synchronous>, transform_indices = @transform_3, window_bounds = array<i64: 256, 256>}, {pipeline_mode = #tpu.pipeline_mode<synchronous>, transform_indices = @transform_4, window_bounds = array<i64: 1, 256>}, {transform_indices = @transform_5, window_bounds = array<i64: 1000, 256>}]} {
    %get3A = arith.constant 0 : index
    %get3A_0 = arith.constant 0 : index
    %get3A_1 = vector.load %arg1[%get3A, %get3A_0] : memref<1000x133xf32, #tpu.memory_space<vmem>>, vector<1000x133xf32>
    %get3A_2 = arith.constant 0 : index
    %get3A_3 = arith.constant 0 : index
    %get3A_4 = vector.load %arg3[%get3A_2, %get3A_3] : memref<133x256xf32, #tpu.memory_space<vmem>>, vector<133x256xf32>
    %dot_general3A = arith.constant dense<0.000000e+00> : vector<1000x256xf32>
    %dot_general3A_5 = tpu.matmul %get3A_1, %get3A_4, %dot_general3A {dimension_numbers = #tpu.dot_dimension_numbers<[1], [0], [0], [1], [0, 0, 1, 1], [], []>, transpose_lhs_hint = false} : vector<1000x133xf32>, vector<133x256xf32>, vector<1000x256xf32> -> vector<1000x256xf32>
    %get3A_6 = arith.constant 0 : index
    %get3A_7 = arith.constant 0 : index
    %get3A_8 = vector.load %arg2[%get3A_6, %get3A_7] : memref<1000x256xf32, #tpu.memory_space<vmem>>, vector<1000x256xf32>
    %get3A_9 = arith.constant 0 : index
    %get3A_10 = arith.constant 0 : index
    %get3A_11 = vector.load %arg4[%get3A_9, %get3A_10] : memref<256x256xf32, #tpu.memory_space<vmem>>, vector<256x256xf32>
    %dot_general3A_12 = arith.constant dense<0.000000e+00> : vector<1000x256xf32>
    %dot_general3A_13 = tpu.matmul %get3A_8, %get3A_11, %dot_general3A_12 {dimension_numbers = #tpu.dot_dimension_numbers<[1], [0], [0], [1], [0, 0, 1, 1], [], []>, transpose_lhs_hint = false} : vector<1000x256xf32>, vector<256x256xf32>, vector<1000x256xf32> -> vector<1000x256xf32>
    %add3A = arith.addf %dot_general3A_5, %dot_general3A_13 : vector<1000x256xf32>
    %get3A_14 = arith.constant 0 : index
    %get3A_15 = arith.constant 0 : index
    %get3A_16 = vector.load %arg5[%get3A_14, %get3A_15] : memref<1x256xf32, #tpu.memory_space<vmem>>, vector<1x256xf32>
    %add3A_17 = vector.broadcast %get3A_16 : vector<1x256xf32> to vector<1000x256xf32>
    %add3A_18 = arith.addf %add3A, %add3A_17 : vector<1000x256xf32>
    %max3A = arith.constant 0.000000e+00 : f32
    %max3A_19 = vector.broadcast %max3A : f32 to vector<1000x256xf32>
    %max3A_20 = arith.maximumf %add3A_18, %max3A_19 : vector<1000x256xf32>
    %swap3A = arith.constant 0 : index
    %swap3A_21 = arith.constant 0 : index
    %swap3A_22 = vector.load %arg6[%swap3A, %swap3A_21] : memref<1000x256xf32, #tpu.memory_space<vmem>>, vector<1000x256xf32>
    tpu.vector_store %arg6[%swap3A, %swap3A_21], %max3A_20 {strides = array<i32>} : memref<1000x256xf32, #tpu.memory_space<vmem>>, vector<1000x256xf32>,
    return
  }
  func.func @transform_0(%arg0: i32) -> (i32, i32) {
    %c0_i32 = arith.constant 0 : i32
    %c0_i32_0 = arith.constant 0 : i32
    return %arg0, %c0_i32 : i32, i32
  }
  func.func @transform_1(%arg0: i32) -> (i32, i32) {
    %c0_i32 = arith.constant 0 : i32
    %c0_i32_0 = arith.constant 0 : i32
    return %arg0, %c0_i32 : i32, i32
  }
  func.func @transform_2(%arg0: i32) -> (i32, i32) {
    %c0_i32 = arith.constant 0 : i32
    %c0_i32_0 = arith.constant 0 : i32
    %c0_i32_1 = arith.constant 0 : i32
    return %c0_i32, %c0_i32_0 : i32, i32
  }
  func.func @transform_3(%arg0: i32) -> (i32, i32) {
    %c0_i32 = arith.constant 0 : i32
    %c0_i32_0 = arith.constant 0 : i32
    %c0_i32_1 = arith.constant 0 : i32
    return %c0_i32, %c0_i32_0 : i32, i32
  }
  func.func @transform_4(%arg0: i32) -> (i32, i32) {
    %c0_i32 = arith.constant 0 : i32
    %c0_i32_0 = arith.constant 0 : i32
    %c0_i32_1 = arith.constant 0 : i32
    return %c0_i32, %c0_i32_0 : i32, i32
  }
  func.func @transform_5(%arg0: i32) -> (i32, i32) {
    %c0_i32 = arith.constant 0 : i32
    %c0_i32_0 = arith.constant 0 : i32
    return %arg0, %c0_i32 : i32, i32
  }
}

</mosaic_0001>

<sc_bundles>
// kernel: kernel.15.cloned.1.call-start
scs
__scs_entry_jumppad:
0x0: {  	(pc) =	sbr.rel $0x88, $3  }
0x1: {  	(tag) =	ssettag $0x0;
	lr =	simm.s32 $0x1  }
0x2: {  	[smem:$0x3F97] =	sst lr;
	_ =	strace $0xD0000000  }
0x3: {  	_ = 	snop  }
0x4: {  	_ = 	snop  }
0x5: {  	_ = 	snop  }
0x6: {  	_ = 	snop  }
0x7: {  	_ = 	snop  }
__scs_overlays_trampoline_lowered:
0x8: {  	[smem:$0x3FA6] =	sst s0  }
0x9: {  	[smem:$0x3FA7] =	sst s1  }
0xa: {  	[smem:$0x3FA8] =	sst s2  }
0xb: {  	[smem:$0x3FA9] =	sst s3  }
0xc: {  	[smem:$0x3FAA] =	sst s4  }
0xd: {  	[smem:$0x3FAB] =	sst s5  }
0xe: {  	[smem:$0x3FAC] =	sst s6  }
0xf: {  	[smem:$0x3FAD] =	sst s7  }
0x10: {  	[smem:$0x3FAE] =	sst s8  }
0x11: {  	[smem:$0x3FAF] =	sst s9;
	s0 =	simm.s32 @!p0 $0x0  }
0x12: {  	s1 =	sld [smem:$0x3F95];
	s0 =	simm.s32 @p0 $0x1  }
0x13: {  	[smem:$0x3FB0] =	sst s0;
	s0 =	simm.s32 @!p1 $0x0  }
0x14: {  	s2 =	sld [smem:$0x3F94];
	s0 =	simm.s32 @p1 $0x1  }
0x15: {  	[smem:$0x3FB1] =	sst s0;
	s0 =	simm.s32 @!p2 $0x0  }
0x16: {  	s3 =	sld [smem:$0x3FDB];
	s0 =	simm.s32 @p2 $0x1  }
0x17: {  	s4 =	simm.s32 $0x1BF5;
	[smem:$0x3FB3] =	sst s0  }
0x18: {  	s0 =	sld [smem:$0x3F96];
	_ =	swait.ge [sflag:s4], $0x0  }
0x19: {  	s7 =	sld [smem:$0x3F97]  }
0x1a: {  	s8 =	sadd.s32 $0xFFFFE003, lr  }
0x1b: {  	s9 =	sadd.s32 $0xFFFFFEF7, lr;
	s5 =	simm.s32 $0xFFFFFFFF;
	p2 =	slt.u32 s8, $0xFFFFF086  }
0x1c: {  	p1 =	slt.u32 s9, $0xF7A;
	s5 =	simm.s32 @!p2 $0x0  }
0x1d: {  	s5 =	simm.s32 @p1 $0x1;
	p0 =	seq.s32 s7, s2  }
0x1e: {  	s7 =	smul.u32 @!p0 $0xF7A, s2;
	p2 =	seq.s32 @!p0 s5, $0x0  }
0x1f: {  	s9 =	smul.u32 $0xF7A, s1;
	s8 =	simm.s32 @!p0 $0x1BF5;
	p2 =	por !p2, p0  }
0x20: {  	[sflag:s8] =	ssyncset.s32 @!p0 $0xFFFFF086;
	s6 =	sadd.s32 @!p0 s3, s7;
	s7 =	simm.s32 @!p0 $0x108  }
0x21: {  	s3 =	sadd.s32 s3, s9;
	s6 =	sadd.s32 @!p0 $0x88, s6;
	s7 =	simm.s32 @p2 $0x1082  }
0x22: {  	[simem:s7], [sflag:s8] =	dma.local @!p0 [hbm:s6], $0xF7A  }
0x23: {  	s9 =	sor.u32 $0xD0000000, s2;
	s6 =	simm.s32 $0x108;
	_ =	swait.ge @!p0 [sflag:s8], $0x0  }
0x24: {  	s3 =	sadd.s32 $0x88, s3;
	s6 =	simm.s32 @!p1 $0x1082;
	[sflag:s4] =	ssyncset.s32 $0xFFFFF086  }
0x25: {  	[simem:s6], [sflag:s4] =	dma.local [hbm:s3], $0xF7A  }
0x26: {  	[smem:$0x3F97] =	sst s1;
	(tag) =	ssettag s2;
	_ =	strace s9  }
0x27: {  	s1 =	sld [smem:$0x3FA7]  }
0x28: {  	s2 =	sld [smem:$0x3FA8]  }
0x29: {  	s4 =	sld [smem:$0x3FAA]  }
0x2a: {  	p0 =	seq.s32 s5, $0x0;
	s5 =	sld [smem:$0x3FAB]  }
0x2b: {  	s6 =	sld [smem:$0x3FAC]  }
0x2c: {  	s7 =	sld [smem:$0x3FAD]  }
0x2d: {  	s3 =	simm.s32 $0x108;
	s8 =	sld [smem:$0x3FAE]  }
0x2e: {  	s3 =	simm.s32 @!p0 $0x1082;
	s9 =	sld [smem:$0x3FAF]  }
0x2f: {  	lr =	sadd.s32 s0, s3;
	s0 =	sld [smem:$0x3FA6]  }
0x30: {  	s3 =	sld [smem:$0x3FA9]  }
0x31: {  	[smem:$0x3FB2] =	sst s10  }
0x32: {  	s10 =	sld [smem:$0x3FB0];
	_ =	sdelay $0x3  }
0x33: {  	p0 =	seq.s32 s10, $0x1;
	s10 =	sld [smem:$0x3FB2];
	_ =	sdelay $0x3  }
0x34: {  	[smem:$0x3FB2] =	sst s10  }
0x35: {  	s10 =	sld [smem:$0x3FB1];
	_ =	sdelay $0x3  }
0x36: {  	p1 =	seq.s32 s10, $0x1;
	s10 =	sld [smem:$0x3FB2];
	_ =	sdelay $0x3  }
0x37: {  	[smem:$0x3FB2] =	sst s10  }
0x38: {  	s10 =	sld [smem:$0x3FB3]  }
0x39: {  	_ = 	snop;
	(pc) =	sbr.ind lr, $3  }
0x3a: {  	_ = 	snop  }
0x3b: {  	_ = 	snop  }
0x3c: {  	p2 =	seq.s32 s10, $0x1;
	s10 =	sld [smem:$0x3FB2]  }
0x3d: {  	_ =	shalt  }
0x3e: {  	_ =	shalt  }
0x3f: {  	_ =	shalt  }
0x40: {  	_ =	shalt  }
0x41: {  	_ =	shalt  }
0x42: {  	_ =	shalt  }
0x43: {  	_ =	shalt  }
0x44: {  	_ =	shalt  }
0x45: {  	_ =	shalt  }
0x46: {  	_ =	shalt  }
0x47: {  	_ =	shalt  }
0x48: {  	_ =	shalt  }
0x49: {  	_ =	shalt  }
0x4a: {  	_ =	shalt  }
0x4b: {  	_ =	shalt  }
0x4c: {  	_ =	shalt  }
0x4d: {  	_ =	shalt  }
0x4e: {  	_ =	shalt  }
0x4f: {  	_ =	shalt  }
0x50: {  	_ =	shalt  }
0x51: {  	_ =	shalt  }
0x52: {  	_ =	shalt  }
0x53: {  	_ =	shalt  }
0x54: {  	_ =	shalt  }
0x55: {  	_ =	shalt  }
0x56: {  	_ =	shalt  }
0x57: {  	_ =	shalt  }
0x58: {  	_ =	shalt  }
0x59: {  	_ =	shalt  }
0x5a: {  	_ =	shalt  }
0x5b: {  	_ =	shalt  }
0x5c: {  	_ =	shalt  }
0x5d: {  	_ =	shalt  }
0x5e: {  	_ =	shalt  }
0x5f: {  	_ =	shalt  }
0x60: {  	_ =	shalt  }
0x61: {  	_ =	shalt  }
0x62: {  	_ =	shalt  }
0x63: {  	_ =	shalt  }
0x64: {  	_ =	shalt  }
0x65: {  	_ =	shalt  }
0x66: {  	_ =	shalt  }
0x67: {  	_ =	shalt  }
0x68: {  	_ =	shalt  }
0x69: {  	_ =	shalt  }
0x6a: {  	_ =	shalt  }
0x6b: {  	_ =	shalt  }
0x6c: {  	_ =	shalt  }
0x6d: {  	_ =	shalt  }
0x6e: {  	_ =	shalt  }
0x6f: {  	_ =	shalt  }
0x70: {  	_ =	shalt  }
0x71: {  	_ =	shalt  }
0x72: {  	_ =	shalt  }
0x73: {  	_ =	shalt  }
0x74: {  	_ =	shalt  }
0x75: {  	_ =	shalt  }
0x76: {  	_ =	shalt  }
0x77: {  	_ =	shalt  }
0x78: {  	_ =	shalt  }
0x79: {  	_ =	shalt  }
0x7a: {  	_ =	shalt  }
0x7b: {  	_ =	shalt  }
0x7c: {  	_ =	shalt  }
0x7d: {  	_ =	shalt  }
0x7e: {  	_ =	shalt  }
0x7f: {  	_ =	shalt  }
0x80: {  	_ =	shalt  }
0x81: {  	_ =	shalt  }
0x82: {  	_ =	shalt  }
0x83: {  	_ =	shalt  }
0x84: {  	_ =	shalt  }
0x85: {  	_ =	shalt  }
0x86: {  	_ =	shalt  }
0x87: {  	_ =	shalt  }
.Lfunc_end0:
.L_simem_size_0:
called_computation_lowered:
.L_overlay_start_0:
0x88: {  	s2 =	sld [smem:$0x3FD9]  }
0x89: {  	s3 =	sld [smem:$0x3FFE];
	_ =	sdelay $0x1  }
0x8a: {  	s1 =	srdreg.scid  }
0x8b: {  	s0 =	sand.u32 $0x1, s1  }
0x8c: {  	s16 =	sshll.u32 s0, $0xA;
	s2 =	sadd.s32 s3, s2  }
0x8d: {  	s2 =	sadd.s32 s2, s16  }
0x8e: {  	[smem:$0x3FBE] =	sst s2  }
0x8f: {  	_ = 	snop  }
0x90: {  	(tm) =	ssettm $0x1  }
0x91: {  	s17 =	sld [smem:$0x3FFB];
	_ =	sdelay $0x3  }
0x92: {  	_ =	strace s17  }
0x93: {  	s2 =	sld [smem:$0x3FFC];
	_ =	sdelay $0x3  }
0x94: {  	_ =	strace s2  }
0x95: {  	s2 =	sld [smem:$0x3FFD];
	_ =	sdelay $0x3  }
0x96: {  	_ =	strace s2  }
0x97: {  	_ =	strace $0x8FFFFFFF  }
0x98: {  	s18 =	sld [smem:$0x3FDB];
	_ =	sdelay $0x1  }
0x99: {  	s19 =	simm.s32 $_scs_section_size  }
0x9a: {  	s4 =	simm.s32 $_size__tile_overlayer_lowered;
	s5 =	simm.s32 $_tile_overlayer_lowered  }
0x9b: {  	s22 =	simm.s32 $0x1BFF;
	s21 =	sshll.u32 s5, $0x1;
	s2 =	sadd.s32 s19, s18  }
0x9c: {  	s6 =	simm.s32 $0x0;
	s20 =	sshll.u32 s4, $0x1;
	s4 =	sadd.s32 s21, s2  }
0x9d: {  	[timem:s6], [sflag:s22] =	dma.local [hbm:s4], s20  }
0x9e: {  	_ =	swait.ge [sflag:s22], s20  }
0x9f: {  	s3 =	ssub.s32 $0x0, s20;
	[sflag:s22] =	ssyncset.done $0x0  }
0xa0: {  	[sflag:s22] =	ssyncadd.s32 s3;
	_ =	sdelay $0x1  }
0xa1: {  	s23 =	simm.s32 $0x1B8B  }
0xa2: {  	_ =	swait.ge [sflag:s23], $0x1  }
0xa3: {  	[sflag:s23] =	ssyncset.done $0x0  }
0xa4: {  	s25 =	simm.s32 $0x1B8E;
	s24 =	sld [smem:$0x3FFE];
	[sflag:s23] =	ssyncadd.s32 $0xFFFFFFFF  }
0xa5: {  	s26 =	simm.s32 $execute0_lowered;
	[smem:$0x3FD2] =	sst s25  }
0xa6: {  	s4 =	sshll.u32 s26, $0x1;
	_ =	strace $0x80000046;
	[dreg:$0x1] =	wrdreg $0xFFFFFFFF  }
0xa7: {  	s28 =	simm.s32 $_size_execute0_lowered;
	s2 =	sadd.s32 s2, s4;
	[dreg:$0x0] =	wrdreg $0x0  }
0xa8: {  	s4 =	sshll.u32 s28, $0x1;
	[dreg:$0x2] =	wrdreg s2  }
0xa9: {  	[dreg:$0x3] =	wrdreg s4  }
0xaa: {  	[dreg:$0x4] =	wrdreg $0xC0  }
0xab: {  	_ =	task [dreg:s6], $0x5FFFF  }
0xac: {  	[dreg:$0x1] =	wrdreg $0xFFFFFFFF  }
0xad: {  	[dreg:$0x0] =	wrdreg $0x60  }
0xae: {  	[dreg:$0x2] =	wrdreg s24  }
0xaf: {  	[dreg:$0x3] =	wrdreg $0x9F000  }
0xb0: {  	[dreg:$0x4] =	wrdreg $0x9  }
0xb1: {  	_ =	task.clear_ibuf [dreg:s6], $0x5FFFF;
	_ =	strace $0x90000046  }
0xb2: {  	s29 =	simm.s32 $0x9;
	_ =	strace $0x80000048  }
0xb3: {  	_ =	swait.ge [sflag:s29], $0x1  }
0xb4: {  	[sflag:s29] =	ssyncadd.s32 $0xFFFFFFFF  }
0xb5: {  	_ =	strace $0x90000048  }
0xb6: {  	_ =	sfence  }
0xb7: {  	s30 =	sld [smem:$0x0];
	_ =	sdelay $0x2  }
0xb8: {  	s31 =	sshll.u32 s1, $0xD;
	s1 =	sshrl.u32 s1, $0x2  }
0xb9: {  	s3 =	sand.u32 $0x4000, s31;
	s1 =	sadd.s32 s1, s30  }
0xba: {  	s0 =	sor.u32 s3, s0;
	s1 =	sshll.u32 s1, $0x11  }
0xbb: {  	s0 =	sor.u32 s1, s0  }
0xbc: {  	s0 =	sadd.s32 $0x8F2B, s0  }
0xbd: {  	[sflag:s0] =	ssyncadd.remote.s32 $0x1  }
0xbe: {  	_ =	sfence.sel $0xFFFF  }
0xbf: {  	[dreg:$0x0] =	wrdreg $0xFFFFFFFF;
	(pc) =	sbr.abs _section_cstart, $3  }
0xc0: {  	[dreg:$0x1] =	wrdreg $0xFFFFFFFF  }
0xc1: {  	_ =	task.clear_ibuf [dreg:s6], $0x2FFFF;
	_ =	strace $0x9FFFFFFF  }
0xc2: {  	(tm) =	ssettm $0x7FFFFFFF  }
0xc3: {  	_ =	shalt  }
tec
execute0_lowered:
.L_overlay_start_1:
0x0: {  	(tag) =	ssettag $0x1  }
0x1: {  	s0 =	rddreg [dreg:$0x0]  }
0x2: {  	s2 =	rddreg [dreg:$0x1];
	s18 =	stileid.u32;
	s3 =	simm.s32 $0x0  }
0x3: {  	s5 =	srdreg.scid;
	s28 =	simm.s32 $0x50;
	s29 =	simm.s32 $0x3  }
0x4: {  	s30 =	simm.s32 $0x2;
	s31 =	simm.s32 $0x4;
	s1 =	smul.u32 $0x2710, s18  }
0x5: {  	[smem:$0x7FF] =	sst s3;
	s6 =	sadd.s32 $0xC200, s0;
	s14 =	sadd.s32 $0x4EE200, s0  }
0x6: {  	s7 =	sand.u32 $0x1, s5;
	s9 =	smul.u32 $0x7D000, s18;
	s5 =	sadd.s32 $0x4F2200, s0  }
0x7: {  	s10 =	smul.u32 $0x271000, s18;
	p0 =	sgt.u32 s18, $0x9;
	_ =	strace $0x80000047  }
0x8: {  	[dreg:$0x3] =	wrdreg s14;
	s8 =	ssub.s32 $0x2, s7;
	s7 =	sshll.u32 s7, $0xA  }
0x9: {  	s4 =	sshrl.u32 s1, $0x3;
	s15 =	sshrl.u32 s8, $0x1;
	s16 =	sshrl.u32 s9, $0x2  }
0xa: {  	s1 =	sshll.u32 s1, $0x8;
	s4 =	sadd.s32 s4, s0;
	s0 =	ssub.s32 s8, s15  }
0xb: {  	s19 =	sadd.s32 s16, s2;
	s1 =	sor.u32 s7, s1;
	s17 =	sadd.s32 $0x7200, s4  }
0xc: {  	s4 =	sadd.s32 $0x2200, s4;
	s1 =	sadd.s32 $0xA000, s1;
	[dreg:$0x4] =	wrdreg s17  }
0xd: {  	s19 =	sshrl.u32 @!p0 s19, $0x3;
	s17 =	sor.u32 s7, s10;
	[dreg:$0x5] =	wrdreg s4  }
0xe: {  	s1 =	sshrl.u32 s1, $0x3;
	s20 =	sshrl.u32 s17, $0x3;
	s22 =	sadd.s32 $0x26C000, s17  }
0xf: {  	s10 =	sadd.s32 $0x5000, s17;
	s12 =	sadd.s32 s6, s1;
	s25 =	sadd.s32 $0xF000, s17  }
0x10: {  	s26 =	sadd.s32 $0x14000, s17;
	s17 =	sadd.s32 $0xA000, s17;
	s21 =	sadd.s32 s6, s20  }
0x11: {  	s23 =	sshrl.u32 s22, $0x3;
	s24 =	sshrl.u32 s10, $0x3;
	s10 =	smax.u32 s0, $0x1  }
0x12: {  	s13 =	sadd.s32 s5, s20;
	s0 =	sshrl.u32 s25, $0x3;
	s1 =	sshrl.u32 s26, $0x3  }
0x13: {  	s20 =	simm.s32 $0x5;
	s22 =	simm.s32 $0x400;
	s25 =	simm.s32 $0x7700  }
0x14: {  	s26 =	simm.s32 $0x1;
	[dreg:$0x6] =	wrdreg s21;
	s9 =	sadd.s32 s5, s23  }
0x15: {  	s11 =	sadd.s32 s6, s24;
	s14 =	sadd.s32 s5, s24;
	s15 =	sadd.s32 s0, s6  }
0x16: {  	s16 =	sadd.s32 s1, s6;
	s18 =	sadd.s32 s0, s5;
	s21 =	simm.s32 $0x2780  }
0x17: {  	s23 =	simm.s32 $0x800;
	s24 =	simm.s32 $0x4F00;
	s1 =	simm.s32 $0x0  }
.LBB2_1:
0x18: {  	s0 =	stileid.u32  }
0x19: {  	s0 =	sshll.u32 @!p0 s0, $0x6  }
0x1a: {  	s4 =	rddreg [dreg:$0x3];
	s0 =	sor.u32 @!p0 $0x1C05, s0  }
0x1b: {  	[spmem:s19], [sflag:s0] =	dma.local @!p0 [hbm:s4], $0x3E80  }
0x1c: {  	s0 =	simm.s32 @!p0 $0x5  }
0x1d: {  	_ =	swait.ge @!p0 [sflag:s0], $0x3E80  }
0x1e: {  	[sflag:s0] =	ssyncset.done @!p0 $0x0  }
0x1f: {  	s7 =	rddreg [dreg:$0x4];
	[sflag:s0] =	ssyncadd.s32 @!p0 $0xFFFFC180  }
0x20: {  	[tilespmem:s3], [sflag:$0x5] =	stream.linear.gather [hbm4b:s7+s3], $0x2710, $0x38;
	[tilespmem:$0x1D780] =	vst v63  }
0x21: {  	_ =	swait.ge [sflag:s20], $0x2710  }
0x22: {  	[sflag:s20] =	ssyncset.done $0x0  }
0x23: {  	s8 =	rddreg [dreg:$0x5];
	[sflag:s20] =	ssyncadd.s32 $0xFFFFD8F0  }
0x24: {  	[tilespmem:s21], [sflag:$0x5] =	stream.linear.gather [hbm4b:s8+s3], $0x2710, $0x38;
	[tilespmem:$0x1D780] =	vst v63  }
0x25: {  	_ =	swait.ge [sflag:s20], $0x2710  }
0x26: {  	[sflag:s20] =	ssyncset.done $0x0  }
0x27: {  	[sflag:s20] =	ssyncadd.s32 $0xFFFFD8F0  }
0x28: {  	[bflag:$0x0] =	sbarrier.arrive $0xFFFF  }
0x29: {  	s4 =	rddreg [dreg:$0x6]  }
0x2a: {  	[tilespmem:s24], [sflag:$0x1] =	stream.strided.gather [hbm4b:s4+s22], $0x2800, s23, s22, $0x38;
	[tilespmem:$0x1D780] =	vst v63  }
0x2b: {  	_ = 	snop  }
0x2c: {  	[tilespmem:s25], [sflag:$0x2] =	stream.strided.gather [hbm4b:s11+s22], $0x2800, s23, s22, $0x38;
	[tilespmem:$0x1D780] =	vst v63  }
0x2d: {  	_ =	swait.ge [sflag:s26], $0x2800  }
0x2e: {  	[sflag:s26] =	ssyncset.done $0x0  }
0x2f: {  	[sflag:s26] =	ssyncadd.s32 $0xFFFFD800  }
0x30: {  	[spmem:s2] =	stream.indirect.scatter.add.f32 [tilespmem:s24], [sflag:$0x3], $0x80, s3, s28, $0xb8;
	[tilespmem:$0x1D780] =	vst v63  }
0x31: {  	_ =	swait.ge [sflag:s29], $0x2800  }
0x32: {  	[sflag:s29] =	ssyncset.done $0x0  }
0x33: {  	[sflag:s29] =	ssyncadd.s32 $0xFFFFD800  }
0x34: {  	[tilespmem:s24], [sflag:$0x1] =	stream.strided.gather [hbm4b:s12+s22], $0x2800, s23, s22, $0x38;
	[tilespmem:$0x1D780] =	vst v63  }
0x35: {  	_ =	swait.ge [sflag:s30], $0x2800  }
0x36: {  	[sflag:s30] =	ssyncset.done $0x0  }
0x37: {  	[sflag:s30] =	ssyncadd.s32 $0xFFFFD800  }
0x38: {  	[spmem:s2] =	stream.indirect.scatter.add.f32 [tilespmem:s25], [sflag:$0x4], $0x80, s28, s28, $0xb8;
	[tilespmem:$0x1D780] =	vst v63  }
0x39: {  	_ =	swait.ge [sflag:s31], $0x2800  }
0x3a: {  	[sflag:s31] =	ssyncset.done $0x0  }
0x3b: {  	s6 =	sadd.s32 $0x0, s15;
	[sflag:s31] =	ssyncadd.s32 $0xFFFFD800  }
0x3c: {  	[tilespmem:s25], [sflag:$0x2] =	stream.strided.gather [hbm4b:s6+s22], $0x2800, s23, s22, $0x38;
	[tilespmem:$0x1D780] =	vst v63  }
0x3d: {  	_ =	swait.ge [sflag:s26], $0x2800  }
0x3e: {  	[sflag:s26] =	ssyncset.done $0x0  }
0x3f: {  	s7 =	simm.s32 $0xA0;
	[sflag:s26] =	ssyncadd.s32 $0xFFFFD800  }
0x40: {  	[spmem:s2] =	stream.indirect.scatter.add.f32 [tilespmem:s24], [sflag:$0x3], $0x80, s7, s28, $0xb8;
	[tilespmem:$0x1D780] =	vst v63  }
0x41: {  	_ =	swait.ge [sflag:s29], $0x2800  }
0x42: {  	[sflag:s29] =	ssyncset.done $0x0  }
0x43: {  	s8 =	sadd.s32 $0x0, s16;
	[sflag:s29] =	ssyncadd.s32 $0xFFFFD800  }
0x44: {  	[tilespmem:s24], [sflag:$0x1] =	stream.strided.gather [hbm4b:s8+s22], $0x2800, s23, s22, $0x38;
	[tilespmem:$0x1D780] =	vst v63  }
0x45: {  	_ =	swait.ge [sflag:s30], $0x2800  }
0x46: {  	s0 =	simm.s32 $0x1400;
	[sflag:s30] =	ssyncset.done $0x0  }
0x47: {  	s4 =	simm.s32 $0x140;
	s6 =	simm.s32 $0xF0;
	[sflag:s30] =	ssyncadd.s32 $0xFFFFD800  }
.LBB2_2:
0x48: {  	[spmem:s2] =	stream.indirect.scatter.add.f32 [tilespmem:s25], [sflag:$0x4], $0x80, s6, s28, $0xb8;
	[tilespmem:$0x1D780] =	vst v63  }
0x49: {  	s6 =	smov.u32 s0  }
0x4a: {  	p1 =	sne.s32 s0, $0x4B000;
	s0 =	sadd.s32 $0x1400, s0;
	_ =	swait.ge [sflag:s31], $0x2800  }
0x4b: {  	[sflag:s31] =	ssyncset.done $0x0  }
0x4c: {  	s7 =	sadd.s32 s6, s15;
	[sflag:s31] =	ssyncadd.s32 $0xFFFFD800  }
0x4d: {  	[tilespmem:s25], [sflag:$0x2] =	stream.strided.gather [hbm4b:s7+s22], $0x2800, s23, s22, $0x38;
	[tilespmem:$0x1D780] =	vst v63  }
0x4e: {  	_ =	swait.ge [sflag:s26], $0x2800  }
0x4f: {  	[sflag:s26] =	ssyncset.done $0x0  }
0x50: {  	[sflag:s26] =	ssyncadd.s32 $0xFFFFD800  }
0x51: {  	[spmem:s2] =	stream.indirect.scatter.add.f32 [tilespmem:s24], [sflag:$0x3], $0x80, s4, s28, $0xb8;
	[tilespmem:$0x1D780] =	vst v63  }
0x52: {  	_ =	swait.ge [sflag:s29], $0x2800  }
0x53: {  	[sflag:s29] =	ssyncset.done $0x0  }
.Ltmp0:
0x54: {  	s6 =	sadd.s32 s6, s16;
	[sflag:s29] =	ssyncadd.s32 $0xFFFFD800;
	(pc) =	sbr.rel @p1 .LBB2_2-.Ltmp0, $4  }
0x55: {  	[tilespmem:s24], [sflag:$0x1] =	stream.strided.gather [hbm4b:s6+s22], $0x2800, s23, s22, $0x38;
	[tilespmem:$0x1D780] =	vst v63  }
0x56: {  	_ =	swait.ge [sflag:s30], $0x2800  }
0x57: {  	[sflag:s30] =	ssyncset.done $0x0  }
0x58: {  	s6 =	sadd.s32 $0x50, s4;
	s4 =	sadd.s32 $0xA0, s4;
	[sflag:s30] =	ssyncadd.s32 $0xFFFFD800  }
0x59: {  	[spmem:s2] =	stream.indirect.scatter.add.f32 [tilespmem:s25], [sflag:$0x4], $0x80, s6, s28, $0xb8;
	[tilespmem:$0x1D780] =	vst v63  }
0x5a: {  	_ =	swait.ge [sflag:s31], $0x2800  }
0x5b: {  	[sflag:s31] =	ssyncset.done $0x0  }
0x5c: {  	[sflag:s31] =	ssyncadd.s32 $0xFFFFD800  }
0x5d: {  	_ =	swait.ge [sflag:s26], $0x2800  }
0x5e: {  	[sflag:s26] =	ssyncset.done $0x0  }
0x5f: {  	s0 =	simm.s32 $0x26C0;
	[sflag:s26] =	ssyncadd.s32 $0xFFFFD800  }
0x60: {  	[spmem:s2] =	stream.indirect.scatter.add.f32 [tilespmem:s24], [sflag:$0x3], $0x80, s0, s28, $0xb8;
	[tilespmem:$0x1D780] =	vst v63  }
0x61: {  	_ =	swait.ge [sflag:s29], $0x2800  }
0x62: {  	[sflag:s29] =	ssyncset.done $0x0  }
0x63: {  	[sflag:s29] =	ssyncadd.s32 $0xFFFFD800  }
0x64: {  	[bflag:$0x0] =	sbarrier.arrive $0xFFFF  }
0x65: {  	[tilespmem:s24], [sflag:$0x1] =	stream.indirect.gather [spmem:s2], $0x80, s21, s28, $0xb8;
	[tilespmem:$0x1D780] =	vst v63  }
0x66: {  	s8 =	simm.s32 $0x27D0  }
0x67: {  	[tilespmem:s25], [sflag:$0x2] =	stream.indirect.gather [spmem:s2], $0x80, s8, s28, $0xb8;
	[tilespmem:$0x1D780] =	vst v63  }
0x68: {  	_ =	swait.ge [sflag:s26], $0x2800  }
0x69: {  	[sflag:s26] =	ssyncset.done $0x0  }
0x6a: {  	[sflag:s26] =	ssyncadd.s32 $0xFFFFD800  }
0x6b: {  	[hbm4b:s13+s22] =	stream.strided.scatter [tilespmem:s24], [sflag:$0x3], $0x2800, s23, s22, $0x38;
	[tilespmem:$0x1D780] =	vst v63  }
0x6c: {  	_ =	swait.ge [sflag:s29], $0x2800  }
0x6d: {  	[sflag:s29] =	ssyncset.done $0x0  }
0x6e: {  	s4 =	simm.s32 $0x2820;
	[sflag:s29] =	ssyncadd.s32 $0xFFFFD800  }
0x6f: {  	[tilespmem:s24], [sflag:$0x1] =	stream.indirect.gather [spmem:s2], $0x80, s4, s28, $0xb8;
	[tilespmem:$0x1D780] =	vst v63  }
0x70: {  	_ =	swait.ge [sflag:s30], $0x2800  }
0x71: {  	[sflag:s30] =	ssyncset.done $0x0  }
0x72: {  	[sflag:s30] =	ssyncadd.s32 $0xFFFFD800  }
0x73: {  	[hbm4b:s14+s22] =	stream.strided.scatter [tilespmem:s25], [sflag:$0x4], $0x2800, s23, s22, $0x38;
	[tilespmem:$0x1D780] =	vst v63  }
0x74: {  	_ =	swait.ge [sflag:s31], $0x2800  }
0x75: {  	[sflag:s31] =	ssyncset.done $0x0  }
0x76: {  	s6 =	simm.s32 $0x2870;
	[sflag:s31] =	ssyncadd.s32 $0xFFFFD800  }
0x77: {  	[tilespmem:s25], [sflag:$0x2] =	stream.indirect.gather [spmem:s2], $0x80, s6, s28, $0xb8;
	[tilespmem:$0x1D780] =	vst v63  }
0x78: {  	_ =	swait.ge [sflag:s26], $0x2800  }
0x79: {  	s7 =	sshrl.u32 s17, $0x3;
	[sflag:s26] =	ssyncset.done $0x0  }
0x7a: {  	s0 =	sadd.s32 s5, s7;
	[sflag:s26] =	ssyncadd.s32 $0xFFFFD800  }
0x7b: {  	[hbm4b:s0+s22] =	stream.strided.scatter [tilespmem:s24], [sflag:$0x3], $0x2800, s23, s22, $0x38;
	[tilespmem:$0x1D780] =	vst v63  }
0x7c: {  	_ =	swait.ge [sflag:s29], $0x2800  }
0x7d: {  	[sflag:s29] =	ssyncset.done $0x0  }
0x7e: {  	s8 =	simm.s32 $0x28C0;
	[sflag:s29] =	ssyncadd.s32 $0xFFFFD800  }
0x7f: {  	[tilespmem:s24], [sflag:$0x1] =	stream.indirect.gather [spmem:s2], $0x80, s8, s28, $0xb8;
	[tilespmem:$0x1D780] =	vst v63  }
0x80: {  	_ =	swait.ge [sflag:s30], $0x2800  }
0x81: {  	s7 =	sadd.s32 $0x0, s18;
	s4 =	simm.s32 $0x2910;
	[sflag:s30] =	ssyncset.done $0x0  }
0x82: {  	s6 =	sadd.s32 $0xA000, s17;
	s0 =	simm.s32 $0x1400;
	[sflag:s30] =	ssyncadd.s32 $0xFFFFD800  }
.LBB2_4:
0x83: {  	[hbm4b:s7+s22] =	stream.strided.scatter [tilespmem:s25], [sflag:$0x4], $0x2800, s23, s22, $0x38;
	[tilespmem:$0x1D780] =	vst v63  }
0x84: {  	s7 =	smov.u32 s0  }
0x85: {  	p1 =	sne.s32 s0, $0x4B000;
	s0 =	sadd.s32 $0x1400, s0;
	_ =	swait.ge [sflag:s31], $0x2800  }
0x86: {  	[sflag:s31] =	ssyncset.done $0x0  }
0x87: {  	[sflag:s31] =	ssyncadd.s32 $0xFFFFD800  }
0x88: {  	[tilespmem:s25], [sflag:$0x2] =	stream.indirect.gather [spmem:s2], $0x80, s4, s28, $0xb8;
	[tilespmem:$0x1D780] =	vst v63  }
0x89: {  	_ =	swait.ge [sflag:s26], $0x2800  }
0x8a: {  	s8 =	sshrl.u32 s6, $0x3;
	[sflag:s26] =	ssyncset.done $0x0  }
0x8b: {  	s8 =	sadd.s32 s5, s8;
	[sflag:s26] =	ssyncadd.s32 $0xFFFFD800  }
0x8c: {  	[hbm4b:s8+s22] =	stream.strided.scatter [tilespmem:s24], [sflag:$0x3], $0x2800, s23, s22, $0x38;
	[tilespmem:$0x1D780] =	vst v63  }
0x8d: {  	_ =	swait.ge [sflag:s29], $0x2800  }
0x8e: {  	[sflag:s29] =	ssyncset.done $0x0  }
.Ltmp1:
0x8f: {  	s8 =	sadd.s32 $0x50, s4;
	[sflag:s29] =	ssyncadd.s32 $0xFFFFD800;
	(pc) =	sbr.rel @p1 .LBB2_4-.Ltmp1, $4  }
0x90: {  	[tilespmem:s24], [sflag:$0x1] =	stream.indirect.gather [spmem:s2], $0x80, s8, s28, $0xb8;
	[tilespmem:$0x1D780] =	vst v63  }
0x91: {  	_ =	swait.ge [sflag:s30], $0x2800  }
0x92: {  	s4 =	sadd.s32 $0xA0, s4;
	[sflag:s30] =	ssyncset.done $0x0  }
0x93: {  	s6 =	sadd.s32 $0xA000, s6;
	s7 =	sadd.s32 s7, s18;
	[sflag:s30] =	ssyncadd.s32 $0xFFFFD800  }
0x94: {  	[hbm4b:s7+s22] =	stream.strided.scatter [tilespmem:s25], [sflag:$0x4], $0x2800, s23, s22, $0x38;
	[tilespmem:$0x1D780] =	vst v63  }
0x95: {  	_ =	swait.ge [sflag:s31], $0x2800  }
0x96: {  	[sflag:s31] =	ssyncset.done $0x0  }
0x97: {  	[sflag:s31] =	ssyncadd.s32 $0xFFFFD800  }
0x98: {  	s1 =	sadd.s32 $0x1, s1;
	_ =	swait.ge [sflag:s26], $0x2800  }
0x99: {  	p1 =	sne.s32 s1, s10;
	[sflag:s26] =	ssyncset.done $0x0  }
.Ltmp2:
0x9a: {  	[sflag:s26] =	ssyncadd.s32 $0xFFFFD800;
	(pc) =	sbr.rel @p1 .LBB2_1-.Ltmp2, $4  }
0x9b: {  	[hbm4b:s9+s22] =	stream.strided.scatter [tilespmem:s24], [sflag:$0x3], $0x2800, s23, s22, $0x38;
	[tilespmem:$0x1D780] =	vst v63  }
0x9c: {  	_ =	swait.ge [sflag:s29], $0x2800  }
0x9d: {  	[sflag:s29] =	ssyncset.done $0x0  }
0x9e: {  	[sflag:s29] =	ssyncadd.s32 $0xFFFFD800  }
0x9f: {  	_ =	sfence.sel $0x180000  }
0xa0: {  	[bflag:$0x0] =	sbarrier.arrive $0xFFFF  }
0xa1: {  	_ =	strace $0x90000047  }
0xa2: {  	s0 =	stileid.u32;
	[bflag:$0x2] =	sbarrier.arrive $0xFFFF  }
0xa3: {  	p0 =	sne.s32 s0, $0x0;
	s0 =	rddreg [dreg:$0x2]  }
0xa4: {  	s0 =	sadd.s32 @!p0 $0x100000, s0  }
0xa5: {  	[sflag:s0] =	ssyncadd.tile.s32 @!p0 $0x1;
	_ =	shalt  }
.Lfunc_end2:
_tile_overlayer_lowered:
.L_overlay_start_2:
0xa6: {  	(tag) =	ssettag $0x2  }
0xa7: {  	s0 =	rddreg [dreg:$0x0];
	s2 =	stileid.u32  }
0xa8: {  	s1 =	rddreg [dreg:$0x1];
	p0 =	sne.s32 s2, $0x0  }
0xa9: {  	s3 =	rddreg [dreg:$0x2];
	[bflag:$0x3] =	sbarrier.arrive $0xFFFF;
	s2 =	simm.s32 @!p0 $0x1C05  }
0xaa: {  	[timem:s3], [sflag:s2] =	dma.local @!p0 [hbm:s0], s1  }
0xab: {  	s0 =	simm.s32 @!p0 $0x5  }
0xac: {  	_ =	swait.ge @!p0 [sflag:s0], s1  }
0xad: {  	s1 =	ssub.s32 @!p0 $0x0, s1;
	[sflag:s0] =	ssyncset.done @!p0 $0x0  }
0xae: {  	[sflag:s0] =	ssyncadd.s32 @!p0 s1  }
0xaf: {  	[bflag:$0x3] =	sbarrier.arrive $0xFFFF  }
0xb0: {  	_ =	shalt  }

// kernel: kernel.18.cloned.1.call-start
scs
__scs_entry_jumppad:
0x0: {  	(pc) =	sbr.rel $0x88, $3  }
0x1: {  	(tag) =	ssettag $0x0;
	lr =	simm.s32 $0x1  }
0x2: {  	[smem:$0x3F97] =	sst lr;
	_ =	strace $0xD0000000  }
0x3: {  	_ = 	snop  }
0x4: {  	_ = 	snop  }
0x5: {  	_ = 	snop  }
0x6: {  	_ = 	snop  }
0x7: {  	_ = 	snop  }
__scs_overlays_trampoline_lowered:
0x8: {  	[smem:$0x3FA6] =	sst s0  }
0x9: {  	[smem:$0x3FA7] =	sst s1  }
0xa: {  	[smem:$0x3FA8] =	sst s2  }
0xb: {  	[smem:$0x3FA9] =	sst s3  }
0xc: {  	[smem:$0x3FAA] =	sst s4  }
0xd: {  	[smem:$0x3FAB] =	sst s5  }
0xe: {  	[smem:$0x3FAC] =	sst s6  }
0xf: {  	[smem:$0x3FAD] =	sst s7  }
0x10: {  	[smem:$0x3FAE] =	sst s8  }
0x11: {  	[smem:$0x3FAF] =	sst s9;
	s0 =	simm.s32 @!p0 $0x0  }
0x12: {  	s1 =	sld [smem:$0x3F95];
	s0 =	simm.s32 @p0 $0x1  }
0x13: {  	[smem:$0x3FB0] =	sst s0;
	s0 =	simm.s32 @!p1 $0x0  }
0x14: {  	s2 =	sld [smem:$0x3F94];
	s0 =	simm.s32 @p1 $0x1  }
0x15: {  	[smem:$0x3FB1] =	sst s0;
	s0 =	simm.s32 @!p2 $0x0  }
0x16: {  	s3 =	sld [smem:$0x3FDB];
	s0 =	simm.s32 @p2 $0x1  }
0x17: {  	s4 =	simm.s32 $0x1BF5;
	[smem:$0x3FB3] =	sst s0  }
0x18: {  	s0 =	sld [smem:$0x3F96];
	_ =	swait.ge [sflag:s4], $0x0  }
0x19: {  	s7 =	sld [smem:$0x3F97]  }
0x1a: {  	s8 =	sadd.s32 $0xFFFFE003, lr  }
0x1b: {  	s9 =	sadd.s32 $0xFFFFFEF7, lr;
	s5 =	simm.s32 $0xFFFFFFFF;
	p2 =	slt.u32 s8, $0xFFFFF086  }
0x1c: {  	p1 =	slt.u32 s9, $0xF7A;
	s5 =	simm.s32 @!p2 $0x0  }
0x1d: {  	s5 =	simm.s32 @p1 $0x1;
	p0 =	seq.s32 s7, s2  }
0x1e: {  	s7 =	smul.u32 @!p0 $0xF7A, s2;
	p2 =	seq.s32 @!p0 s5, $0x0  }
0x1f: {  	s9 =	smul.u32 $0xF7A, s1;
	s8 =	simm.s32 @!p0 $0x1BF5;
	p2 =	por !p2, p0  }
0x20: {  	[sflag:s8] =	ssyncset.s32 @!p0 $0xFFFFF086;
	s6 =	sadd.s32 @!p0 s3, s7;
	s7 =	simm.s32 @!p0 $0x108  }
0x21: {  	s3 =	sadd.s32 s3, s9;
	s6 =	sadd.s32 @!p0 $0x88, s6;
	s7 =	simm.s32 @p2 $0x1082  }
0x22: {  	[simem:s7], [sflag:s8] =	dma.local @!p0 [hbm:s6], $0xF7A  }
0x23: {  	s9 =	sor.u32 $0xD0000000, s2;
	s6 =	simm.s32 $0x108;
	_ =	swait.ge @!p0 [sflag:s8], $0x0  }
0x24: {  	s3 =	sadd.s32 $0x88, s3;
	s6 =	simm.s32 @!p1 $0x1082;
	[sflag:s4] =	ssyncset.s32 $0xFFFFF086  }
0x25: {  	[simem:s6], [sflag:s4] =	dma.local [hbm:s3], $0xF7A  }
0x26: {  	[smem:$0x3F97] =	sst s1;
	(tag) =	ssettag s2;
	_ =	strace s9  }
0x27: {  	s1 =	sld [smem:$0x3FA7]  }
0x28: {  	s2 =	sld [smem:$0x3FA8]  }
0x29: {  	s4 =	sld [smem:$0x3FAA]  }
0x2a: {  	p0 =	seq.s32 s5, $0x0;
	s5 =	sld [smem:$0x3FAB]  }
0x2b: {  	s6 =	sld [smem:$0x3FAC]  }
0x2c: {  	s7 =	sld [smem:$0x3FAD]  }
0x2d: {  	s3 =	simm.s32 $0x108;
	s8 =	sld [smem:$0x3FAE]  }
0x2e: {  	s3 =	simm.s32 @!p0 $0x1082;
	s9 =	sld [smem:$0x3FAF]  }
0x2f: {  	lr =	sadd.s32 s0, s3;
	s0 =	sld [smem:$0x3FA6]  }
0x30: {  	s3 =	sld [smem:$0x3FA9]  }
0x31: {  	[smem:$0x3FB2] =	sst s10  }
0x32: {  	s10 =	sld [smem:$0x3FB0];
	_ =	sdelay $0x3  }
0x33: {  	p0 =	seq.s32 s10, $0x1;
	s10 =	sld [smem:$0x3FB2];
	_ =	sdelay $0x3  }
0x34: {  	[smem:$0x3FB2] =	sst s10  }
0x35: {  	s10 =	sld [smem:$0x3FB1];
	_ =	sdelay $0x3  }
0x36: {  	p1 =	seq.s32 s10, $0x1;
	s10 =	sld [smem:$0x3FB2];
	_ =	sdelay $0x3  }
0x37: {  	[smem:$0x3FB2] =	sst s10  }
0x38: {  	s10 =	sld [smem:$0x3FB3]  }
0x39: {  	_ = 	snop;
	(pc) =	sbr.ind lr, $3  }
0x3a: {  	_ = 	snop  }
0x3b: {  	_ = 	snop  }
0x3c: {  	p2 =	seq.s32 s10, $0x1;
	s10 =	sld [smem:$0x3FB2]  }
0x3d: {  	_ =	shalt  }
0x3e: {  	_ =	shalt  }
0x3f: {  	_ =	shalt  }
0x40: {  	_ =	shalt  }
0x41: {  	_ =	shalt  }
0x42: {  	_ =	shalt  }
0x43: {  	_ =	shalt  }
0x44: {  	_ =	shalt  }
0x45: {  	_ =	shalt  }
0x46: {  	_ =	shalt  }
0x47: {  	_ =	shalt  }
0x48: {  	_ =	shalt  }
0x49: {  	_ =	shalt  }
0x4a: {  	_ =	shalt  }
0x4b: {  	_ =	shalt  }
0x4c: {  	_ =	shalt  }
0x4d: {  	_ =	shalt  }
0x4e: {  	_ =	shalt  }
0x4f: {  	_ =	shalt  }
0x50: {  	_ =	shalt  }
0x51: {  	_ =	shalt  }
0x52: {  	_ =	shalt  }
0x53: {  	_ =	shalt  }
0x54: {  	_ =	shalt  }
0x55: {  	_ =	shalt  }
0x56: {  	_ =	shalt  }
0x57: {  	_ =	shalt  }
0x58: {  	_ =	shalt  }
0x59: {  	_ =	shalt  }
0x5a: {  	_ =	shalt  }
0x5b: {  	_ =	shalt  }
0x5c: {  	_ =	shalt  }
0x5d: {  	_ =	shalt  }
0x5e: {  	_ =	shalt  }
0x5f: {  	_ =	shalt  }
0x60: {  	_ =	shalt  }
0x61: {  	_ =	shalt  }
0x62: {  	_ =	shalt  }
0x63: {  	_ =	shalt  }
0x64: {  	_ =	shalt  }
0x65: {  	_ =	shalt  }
0x66: {  	_ =	shalt  }
0x67: {  	_ =	shalt  }
0x68: {  	_ =	shalt  }
0x69: {  	_ =	shalt  }
0x6a: {  	_ =	shalt  }
0x6b: {  	_ =	shalt  }
0x6c: {  	_ =	shalt  }
0x6d: {  	_ =	shalt  }
0x6e: {  	_ =	shalt  }
0x6f: {  	_ =	shalt  }
0x70: {  	_ =	shalt  }
0x71: {  	_ =	shalt  }
0x72: {  	_ =	shalt  }
0x73: {  	_ =	shalt  }
0x74: {  	_ =	shalt  }
0x75: {  	_ =	shalt  }
0x76: {  	_ =	shalt  }
0x77: {  	_ =	shalt  }
0x78: {  	_ =	shalt  }
0x79: {  	_ =	shalt  }
0x7a: {  	_ =	shalt  }
0x7b: {  	_ =	shalt  }
0x7c: {  	_ =	shalt  }
0x7d: {  	_ =	shalt  }
0x7e: {  	_ =	shalt  }
0x7f: {  	_ =	shalt  }
0x80: {  	_ =	shalt  }
0x81: {  	_ =	shalt  }
0x82: {  	_ =	shalt  }
0x83: {  	_ =	shalt  }
0x84: {  	_ =	shalt  }
0x85: {  	_ =	shalt  }
0x86: {  	_ =	shalt  }
0x87: {  	_ =	shalt  }
.Lfunc_end0:
.L_simem_size_0:
called_computation.1_lowered:
.L_overlay_start_0:
0x88: {  	s2 =	sld [smem:$0x3FD9]  }
0x89: {  	s3 =	sld [smem:$0x3FFE];
	_ =	sdelay $0x1  }
0x8a: {  	s1 =	srdreg.scid  }
0x8b: {  	s0 =	sand.u32 $0x1, s1  }
0x8c: {  	s14 =	sshll.u32 s0, $0xA;
	s2 =	sadd.s32 s3, s2  }
0x8d: {  	s2 =	sadd.s32 s2, s14  }
0x8e: {  	[smem:$0x3FBE] =	sst s2  }
0x8f: {  	_ = 	snop  }
0x90: {  	s2 =	sld [smem:$0x3FD0];
	_ =	sdelay $0x2  }
0x91: {  	s15 =	simm.s32 $0xA;
	s4 =	simm.s32 $0x10  }
0x92: {  	[smem:s4], [sflag:s15] =	dma.local [hbm:s2], $0x1  }
0x93: {  	_ =	swait.eq [sflag:s15], $0x1  }
0x94: {  	[sflag:s15] =	ssyncset.done $0x0  }
0x95: {  	[sflag:s15] =	ssyncadd.s32 $0xFFFFFFFF  }
0x96: {  	s16 =	sld [smem:$0x11];
	(tm) =	ssettm $0x1  }
0x97: {  	s17 =	sld [smem:$0x3FFB];
	_ =	sdelay $0x3  }
0x98: {  	_ =	strace s17  }
0x99: {  	s3 =	sld [smem:$0x3FFC];
	_ =	sdelay $0x3  }
0x9a: {  	_ =	strace s3  }
0x9b: {  	s3 =	sld [smem:$0x3FFD];
	_ =	sdelay $0x3  }
0x9c: {  	_ =	strace s3  }
0x9d: {  	_ =	strace $0x8FFFFFFF  }
0x9e: {  	s18 =	sld [smem:$0x3FDB];
	_ =	sdelay $0x1  }
0x9f: {  	s19 =	simm.s32 $_scs_section_size  }
0xa0: {  	s5 =	simm.s32 $_size__tile_overlayer_lowered;
	s6 =	simm.s32 $_tile_overlayer_lowered  }
0xa1: {  	s22 =	simm.s32 $0x1BFF;
	s21 =	sshll.u32 s6, $0x1;
	s3 =	sadd.s32 s19, s18  }
0xa2: {  	s7 =	simm.s32 $0x0;
	s20 =	sshll.u32 s5, $0x1;
	s5 =	sadd.s32 s21, s3  }
0xa3: {  	[timem:s7], [sflag:s22] =	dma.local [hbm:s5], s20  }
0xa4: {  	_ =	swait.ge [sflag:s22], s20  }
0xa5: {  	s4 =	ssub.s32 $0x0, s20;
	[sflag:s22] =	ssyncset.done $0x0  }
0xa6: {  	[sflag:s22] =	ssyncadd.s32 s4;
	_ =	sdelay $0x1  }
0xa7: {  	s23 =	simm.s32 $0x1B8B  }
0xa8: {  	_ =	swait.ge [sflag:s23], $0x1  }
0xa9: {  	[sflag:s23] =	ssyncset.done $0x0  }
0xaa: {  	s25 =	simm.s32 $0x1B8E;
	s24 =	sld [smem:$0x3FFE];
	[sflag:s23] =	ssyncadd.s32 $0xFFFFFFFF  }
0xab: {  	s26 =	simm.s32 $execute0_lowered;
	[smem:$0x3FD2] =	sst s25  }
0xac: {  	s5 =	sshll.u32 s26, $0x1;
	_ =	strace $0x80000049;
	[dreg:$0x1] =	wrdreg $0xFFFFFFFF  }
0xad: {  	s28 =	simm.s32 $_size_execute0_lowered;
	s3 =	sadd.s32 s3, s5;
	[dreg:$0x0] =	wrdreg $0x0  }
0xae: {  	s5 =	sshll.u32 s28, $0x1;
	[dreg:$0x2] =	wrdreg s3  }
0xaf: {  	[dreg:$0x3] =	wrdreg s5  }
0xb0: {  	[dreg:$0x4] =	wrdreg $0xC0  }
0xb1: {  	_ =	task [dreg:s7], $0x5FFFF  }
0xb2: {  	[dreg:$0x1] =	wrdreg $0xFFFFFFFF  }
0xb3: {  	[dreg:$0x0] =	wrdreg $0x60  }
0xb4: {  	[dreg:$0x2] =	wrdreg s24  }
0xb5: {  	[dreg:$0x3] =	wrdreg s16  }
0xb6: {  	[dreg:$0x4] =	wrdreg $0x67800  }
0xb7: {  	[dreg:$0x5] =	wrdreg $0x9  }
0xb8: {  	_ =	task.clear_ibuf [dreg:s7], $0x6FFFF;
	_ =	strace $0x90000049  }
0xb9: {  	s29 =	simm.s32 $0x9;
	_ =	strace $0x8000004B  }
0xba: {  	_ =	swait.ge [sflag:s29], $0x1  }
0xbb: {  	[sflag:s29] =	ssyncadd.s32 $0xFFFFFFFF  }
0xbc: {  	_ =	strace $0x9000004B  }
0xbd: {  	_ =	sfence  }
0xbe: {  	s30 =	sld [smem:$0x0];
	_ =	sdelay $0x2  }
0xbf: {  	s31 =	sshll.u32 s1, $0xD;
	s1 =	sshrl.u32 s1, $0x2  }
0xc0: {  	s3 =	sand.u32 $0x4000, s31;
	s1 =	sadd.s32 s1, s30  }
0xc1: {  	s0 =	sor.u32 s3, s0;
	s1 =	sshll.u32 s1, $0x11  }
0xc2: {  	s0 =	sor.u32 s1, s0  }
0xc3: {  	s0 =	sadd.s32 $0x8F2B, s0  }
0xc4: {  	[sflag:s0] =	ssyncadd.remote.s32 $0x1  }
0xc5: {  	_ =	sfence.sel $0xFFFF  }
0xc6: {  	[dreg:$0x0] =	wrdreg $0xFFFFFFFF;
	(pc) =	sbr.abs _section_cstart, $3  }
0xc7: {  	[dreg:$0x1] =	wrdreg $0xFFFFFFFF  }
0xc8: {  	_ =	task.clear_ibuf [dreg:s7], $0x2FFFF;
	_ =	strace $0x9FFFFFFF  }
0xc9: {  	(tm) =	ssettm $0x7FFFFFFF  }
tec
execute0_lowered:
.L_overlay_start_1:
0x0: {  	(tag) =	ssettag $0x1  }
0x1: {  	s4 =	rddreg [dreg:$0x0]  }
0x2: {  	s7 =	rddreg [dreg:$0x1]  }
0x3: {  	s2 =	rddreg [dreg:$0x2]  }
0x4: {  	s0 =	rddreg [dreg:$0x3];
	s3 =	simm.s32 $0x0  }
0x5: {  	s1 =	stileid.u32;
	s5 =	srdreg.scid;
	s16 =	simm.s32 $0x400  }
0x6: {  	s17 =	simm.s32 $0x800;
	s18 =	simm.s32 $0x1780;
	s6 =	smul.u32 $0x1770, s1  }
0x7: {  	s19 =	simm.s32 $0x3F80;
	s20 =	simm.s32 $0x1;
	s11 =	smul.u32 $0x7D000, s1  }
0x8: {  	[smem:$0x7FF] =	sst s3;
	s5 =	sand.u32 $0x1, s5;
	s21 =	smul.u32 $0x177000, s1  }
0x9: {  	s12 =	sadd.s32 $0xC45200, s4;
	s14 =	smul.u32 $0x3E800, s1;
	p0 =	sgt.u32 s1, $0x9  }
0xa: {  	_ =	strace $0x8000004A;
	s9 =	ssub.s32 $0x2, s5;
	s13 =	sshll.u32 s5, $0xA  }
0xb: {  	s8 =	sshrl.u32 s6, $0x3;
	s10 =	sshrl.u32 s9, $0x1;
	s11 =	sshrl.u32 s11, $0x2  }
0xc: {  	s22 =	sor.u32 s13, s21;
	s24 =	sshll.u32 s6, $0x8;
	s14 =	sor.u32 s13, s14  }
0xd: {  	s21 =	simm.s32 $0x50;
	s8 =	sadd.s32 s8, s4;
	s4 =	sadd.s32 $0x4EE200, s4  }
0xe: {  	s9 =	ssub.s32 s9, s10;
	s15 =	sadd.s32 s11, s2;
	s23 =	sshrl.u32 s22, $0x3  }
0xf: {  	s25 =	sshrl.u32 s14, $0x3;
	s10 =	sor.u32 s13, s24;
	s26 =	sadd.s32 $0x5000, s22  }
0x10: {  	s29 =	sadd.s32 $0xF000, s22;
	s30 =	sadd.s32 $0x14000, s22;
	s14 =	sshll.u32 @!p0 s1, $0x6  }
0x11: {  	s22 =	simm.s32 $0x3;
	s24 =	simm.s32 $0x4;
	s5 =	sadd.s32 $0x7200, s8  }
0x12: {  	s6 =	sadd.s32 s12, s23;
	s7 =	sadd.s32 s7, s25;
	s10 =	sadd.s32 $0xA000, s10  }
0x13: {  	s8 =	smax.u32 s9, $0x1;
	s28 =	sshrl.u32 s26, $0x3;
	s13 =	sshrl.u32 s29, $0x3  }
0x14: {  	s31 =	sshrl.u32 s30, $0x3;
	s23 =	simm.s32 $0x2;
	s25 =	simm.s32 $0x1720  }
0x15: {  	s26 =	simm.s32 $0x0;
	s10 =	sshrl.u32 s10, $0x3;
	s9 =	sadd.s32 s12, s28  }
0x16: {  	s11 =	sadd.s32 s13, s12;
	s13 =	sor.u32 @!p0 $0x1C05, s14;
	s14 =	sshrl.u32 @!p0 s15, $0x3  }
0x17: {  	s15 =	simm.s32 $0x5;
	s10 =	sadd.s32 s12, s10;
	s12 =	sadd.s32 s31, s12  }
.LBB2_1:
0x18: {  	[spmem:s14], [sflag:s13] =	dma.local @!p0 [hbm:s4], $0x3E80  }
0x19: {  	s28 =	simm.s32 @!p0 $0x5  }
0x1a: {  	_ =	swait.ge @!p0 [sflag:s28], $0x3E80  }
0x1b: {  	[sflag:s28] =	ssyncset.done @!p0 $0x0  }
0x1c: {  	[sflag:s28] =	ssyncadd.s32 @!p0 $0xFFFFC180  }
0x1d: {  	[tilespmem:s3], [sflag:$0x5] =	stream.linear.gather [hbm4b:s5+s3], $0x1770, $0x38;
	[tilespmem:$0x1A000] =	vst v63  }
0x1e: {  	_ =	swait.ge [sflag:s15], $0x1770  }
0x1f: {  	[sflag:s15] =	ssyncset.done $0x0  }
0x20: {  	[sflag:s15] =	ssyncadd.s32 $0xFFFFE890  }
0x21: {  	[bflag:$0x0] =	sbarrier.arrive $0xFFFF  }
0x22: {  	[tilespmem:s18], [sflag:$0x1] =	stream.strided.gather [hbm4b:s6+s16], $0x2800, s17, s16, $0x38;
	[tilespmem:$0x1A000] =	vst v63  }
0x23: {  	_ = 	snop  }
0x24: {  	[tilespmem:s19], [sflag:$0x2] =	stream.strided.gather [hbm4b:s9+s16], $0x2800, s17, s16, $0x38;
	[tilespmem:$0x1A000] =	vst v63  }
0x25: {  	_ =	swait.ge [sflag:s20], $0x2800  }
0x26: {  	[sflag:s20] =	ssyncset.done $0x0  }
0x27: {  	[sflag:s20] =	ssyncadd.s32 $0xFFFFD800  }
0x28: {  	[spmem:s2] =	stream.indirect.scatter.add.f32 [tilespmem:s18], [sflag:$0x3], $0x80, s3, s21, $0xb8;
	[tilespmem:$0x1A000] =	vst v63  }
0x29: {  	_ =	swait.ge [sflag:s22], $0x2800  }
0x2a: {  	[sflag:s22] =	ssyncset.done $0x0  }
0x2b: {  	[sflag:s22] =	ssyncadd.s32 $0xFFFFD800  }
0x2c: {  	[tilespmem:s18], [sflag:$0x1] =	stream.strided.gather [hbm4b:s10+s16], $0x2800, s17, s16, $0x38;
	[tilespmem:$0x1A000] =	vst v63  }
0x2d: {  	_ =	swait.ge [sflag:s23], $0x2800  }
0x2e: {  	[sflag:s23] =	ssyncset.done $0x0  }
0x2f: {  	[sflag:s23] =	ssyncadd.s32 $0xFFFFD800  }
0x30: {  	[spmem:s2] =	stream.indirect.scatter.add.f32 [tilespmem:s19], [sflag:$0x4], $0x80, s21, s21, $0xb8;
	[tilespmem:$0x1A000] =	vst v63  }
0x31: {  	_ =	swait.ge [sflag:s24], $0x2800  }
0x32: {  	[sflag:s24] =	ssyncset.done $0x0  }
0x33: {  	s28 =	sadd.s32 $0x0, s11;
	[sflag:s24] =	ssyncadd.s32 $0xFFFFD800  }
0x34: {  	[tilespmem:s19], [sflag:$0x2] =	stream.strided.gather [hbm4b:s28+s16], $0x2800, s17, s16, $0x38;
	[tilespmem:$0x1A000] =	vst v63  }
0x35: {  	_ =	swait.ge [sflag:s20], $0x2800  }
0x36: {  	[sflag:s20] =	ssyncset.done $0x0  }
0x37: {  	s28 =	simm.s32 $0xA0;
	[sflag:s20] =	ssyncadd.s32 $0xFFFFD800  }
0x38: {  	[spmem:s2] =	stream.indirect.scatter.add.f32 [tilespmem:s18], [sflag:$0x3], $0x80, s28, s21, $0xb8;
	[tilespmem:$0x1A000] =	vst v63  }
0x39: {  	_ =	swait.ge [sflag:s22], $0x2800  }
0x3a: {  	[sflag:s22] =	ssyncset.done $0x0  }
0x3b: {  	s28 =	sadd.s32 $0x0, s12;
	[sflag:s22] =	ssyncadd.s32 $0xFFFFD800  }
0x3c: {  	[tilespmem:s18], [sflag:$0x1] =	stream.strided.gather [hbm4b:s28+s16], $0x2800, s17, s16, $0x38;
	[tilespmem:$0x1A000] =	vst v63  }
0x3d: {  	_ =	swait.ge [sflag:s23], $0x2800  }
0x3e: {  	s30 =	simm.s32 $0xF0;
	[sflag:s23] =	ssyncset.done $0x0  }
0x3f: {  	s29 =	simm.s32 $0x140;
	s28 =	simm.s32 $0x1400;
	[sflag:s23] =	ssyncadd.s32 $0xFFFFD800  }
.LBB2_2:
0x40: {  	[spmem:s2] =	stream.indirect.scatter.add.f32 [tilespmem:s19], [sflag:$0x4], $0x80, s30, s21, $0xb8;
	[tilespmem:$0x1A000] =	vst v63  }
0x41: {  	s30 =	smov.u32 s28  }
0x42: {  	p1 =	sne.s32 s28, $0x2BC00;
	s28 =	sadd.s32 $0x1400, s28;
	_ =	swait.ge [sflag:s24], $0x2800  }
0x43: {  	[sflag:s24] =	ssyncset.done $0x0  }
0x44: {  	s31 =	sadd.s32 s30, s11;
	[sflag:s24] =	ssyncadd.s32 $0xFFFFD800  }
0x45: {  	[tilespmem:s19], [sflag:$0x2] =	stream.strided.gather [hbm4b:s31+s16], $0x2800, s17, s16, $0x38;
	[tilespmem:$0x1A000] =	vst v63  }
0x46: {  	_ =	swait.ge [sflag:s20], $0x2800  }
0x47: {  	[sflag:s20] =	ssyncset.done $0x0  }
0x48: {  	[sflag:s20] =	ssyncadd.s32 $0xFFFFD800  }
0x49: {  	[spmem:s2] =	stream.indirect.scatter.add.f32 [tilespmem:s18], [sflag:$0x3], $0x80, s29, s21, $0xb8;
	[tilespmem:$0x1A000] =	vst v63  }
0x4a: {  	_ =	swait.ge [sflag:s22], $0x2800  }
0x4b: {  	[sflag:s22] =	ssyncset.done $0x0  }
.Ltmp0:
0x4c: {  	s30 =	sadd.s32 s30, s12;
	[sflag:s22] =	ssyncadd.s32 $0xFFFFD800;
	(pc) =	sbr.rel @p1 .LBB2_2-.Ltmp0, $4  }
0x4d: {  	[tilespmem:s18], [sflag:$0x1] =	stream.strided.gather [hbm4b:s30+s16], $0x2800, s17, s16, $0x38;
	[tilespmem:$0x1A000] =	vst v63  }
0x4e: {  	_ =	swait.ge [sflag:s23], $0x2800  }
0x4f: {  	[sflag:s23] =	ssyncset.done $0x0  }
0x50: {  	s30 =	sadd.s32 $0x50, s29;
	s29 =	sadd.s32 $0xA0, s29;
	[sflag:s23] =	ssyncadd.s32 $0xFFFFD800  }
0x51: {  	[spmem:s2] =	stream.indirect.scatter.add.f32 [tilespmem:s19], [sflag:$0x4], $0x80, s30, s21, $0xb8;
	[tilespmem:$0x1A000] =	vst v63  }
0x52: {  	_ =	swait.ge [sflag:s24], $0x2800  }
0x53: {  	[sflag:s24] =	ssyncset.done $0x0  }
0x54: {  	[sflag:s24] =	ssyncadd.s32 $0xFFFFD800  }
0x55: {  	_ =	swait.ge [sflag:s20], $0x2800  }
0x56: {  	[sflag:s20] =	ssyncset.done $0x0  }
0x57: {  	[sflag:s20] =	ssyncadd.s32 $0xFFFFD800  }
0x58: {  	[spmem:s2] =	stream.indirect.scatter.add.f32 [tilespmem:s18], [sflag:$0x3], $0x80, s25, s21, $0xb8;
	[tilespmem:$0x1A000] =	vst v63  }
0x59: {  	_ =	swait.ge [sflag:s22], $0x2800  }
0x5a: {  	s28 =	simm.s32 @!p0 $0x8;
	[sflag:s22] =	ssyncset.done $0x0  }
0x5b: {  	s29 =	simm.s32 @!p0 $0x100;
	s26 =	sadd.s32 $0x1, s26;
	[sflag:s22] =	ssyncadd.s32 $0xFFFFD800  }
0x5c: {  	s30 =	simm.s32 @!p0 $0x80;
	p1 =	sne.s32 s26, s8;
	[bflag:$0x0] =	sbarrier.arrive $0xFFFF  }
0x5d: {  	[hbm:s7@s29], [sflag:s13] =	dma.strided @!p0 [spmem:s14@s30], $0x3E80, s28, $0x10   }
.Ltmp1:
0x5e: {  	_ = 	snop;
	(pc) =	sbr.rel @p1 .LBB2_1-.Ltmp1, $4  }
0x5f: {  	s28 =	simm.s32 @!p0 $0x5  }
0x60: {  	_ =	swait.ge @!p0 [sflag:s28], $0x3E80  }
0x61: {  	[sflag:s28] =	ssyncset.done @!p0 $0x0  }
0x62: {  	[sflag:s28] =	ssyncadd.s32 @!p0 $0xFFFFC180  }
0x63: {  	_ =	sfence.sel $0x180000  }
0x64: {  	[bflag:$0x0] =	sbarrier.arrive $0xFFFF  }
0x65: {  	p0 =	sne.s32 s1, $0x0;
	_ =	strace $0x9000004A  }
0x66: {  	s0 =	sadd.s32 @!p0 $0x100000, s0;
	[bflag:$0x2] =	sbarrier.arrive $0xFFFF  }
0x67: {  	[sflag:s0] =	ssyncadd.tile.s32 @!p0 $0x1;
	_ =	shalt  }
.Lfunc_end2:
_tile_overlayer_lowered:
.L_overlay_start_2:
0x68: {  	(tag) =	ssettag $0x2  }
0x69: {  	s0 =	rddreg [dreg:$0x0];
	s2 =	stileid.u32  }
0x6a: {  	s1 =	rddreg [dreg:$0x1];
	p0 =	sne.s32 s2, $0x0  }
0x6b: {  	s3 =	rddreg [dreg:$0x2];
	[bflag:$0x3] =	sbarrier.arrive $0xFFFF;
	s2 =	simm.s32 @!p0 $0x1C05  }
0x6c: {  	[timem:s3], [sflag:s2] =	dma.local @!p0 [hbm:s0], s1  }
0x6d: {  	s0 =	simm.s32 @!p0 $0x5  }
0x6e: {  	_ =	swait.ge @!p0 [sflag:s0], s1  }
0x6f: {  	s1 =	ssub.s32 @!p0 $0x0, s1;
	[sflag:s0] =	ssyncset.done @!p0 $0x0  }
0x70: {  	[sflag:s0] =	ssyncadd.s32 @!p0 s1  }
0x71: {  	[bflag:$0x3] =	sbarrier.arrive $0xFFFF  }
0x72: {  	_ =	shalt  }

// kernel: kernel.21.cloned.1.call-start
scs
__scs_entry_jumppad:
0x0: {  	(pc) =	sbr.rel $0x88, $3  }
0x1: {  	(tag) =	ssettag $0x0;
	lr =	simm.s32 $0x1  }
0x2: {  	[smem:$0x3F97] =	sst lr;
	_ =	strace $0xD0000000  }
0x3: {  	_ = 	snop  }
0x4: {  	_ = 	snop  }
0x5: {  	_ = 	snop  }
0x6: {  	_ = 	snop  }
0x7: {  	_ = 	snop  }
__scs_overlays_trampoline_lowered:
0x8: {  	[smem:$0x3FA6] =	sst s0  }
0x9: {  	[smem:$0x3FA7] =	sst s1  }
0xa: {  	[smem:$0x3FA8] =	sst s2  }
0xb: {  	[smem:$0x3FA9] =	sst s3  }
0xc: {  	[smem:$0x3FAA] =	sst s4  }
0xd: {  	[smem:$0x3FAB] =	sst s5  }
0xe: {  	[smem:$0x3FAC] =	sst s6  }
0xf: {  	[smem:$0x3FAD] =	sst s7  }
0x10: {  	[smem:$0x3FAE] =	sst s8  }
0x11: {  	[smem:$0x3FAF] =	sst s9;
	s0 =	simm.s32 @!p0 $0x0  }
0x12: {  	s1 =	sld [smem:$0x3F95];
	s0 =	simm.s32 @p0 $0x1  }
0x13: {  	[smem:$0x3FB0] =	sst s0;
	s0 =	simm.s32 @!p1 $0x0  }
0x14: {  	s2 =	sld [smem:$0x3F94];
	s0 =	simm.s32 @p1 $0x1  }
0x15: {  	[smem:$0x3FB1] =	sst s0;
	s0 =	simm.s32 @!p2 $0x0  }
0x16: {  	s3 =	sld [smem:$0x3FDB];
	s0 =	simm.s32 @p2 $0x1  }
0x17: {  	s4 =	simm.s32 $0x1BF5;
	[smem:$0x3FB3] =	sst s0  }
0x18: {  	s0 =	sld [smem:$0x3F96];
	_ =	swait.ge [sflag:s4], $0x0  }
0x19: {  	s7 =	sld [smem:$0x3F97]  }
0x1a: {  	s8 =	sadd.s32 $0xFFFFE003, lr  }
0x1b: {  	s9 =	sadd.s32 $0xFFFFFEF7, lr;
	s5 =	simm.s32 $0xFFFFFFFF;
	p2 =	slt.u32 s8, $0xFFFFF086  }
0x1c: {  	p1 =	slt.u32 s9, $0xF7A;
	s5 =	simm.s32 @!p2 $0x0  }
0x1d: {  	s5 =	simm.s32 @p1 $0x1;
	p0 =	seq.s32 s7, s2  }
0x1e: {  	s7 =	smul.u32 @!p0 $0xF7A, s2;
	p2 =	seq.s32 @!p0 s5, $0x0  }
0x1f: {  	s9 =	smul.u32 $0xF7A, s1;
	s8 =	simm.s32 @!p0 $0x1BF5;
	p2 =	por !p2, p0  }
0x20: {  	[sflag:s8] =	ssyncset.s32 @!p0 $0xFFFFF086;
	s6 =	sadd.s32 @!p0 s3, s7;
	s7 =	simm.s32 @!p0 $0x108  }
0x21: {  	s3 =	sadd.s32 s3, s9;
	s6 =	sadd.s32 @!p0 $0x88, s6;
	s7 =	simm.s32 @p2 $0x1082  }
0x22: {  	[simem:s7], [sflag:s8] =	dma.local @!p0 [hbm:s6], $0xF7A  }
0x23: {  	s9 =	sor.u32 $0xD0000000, s2;
	s6 =	simm.s32 $0x108;
	_ =	swait.ge @!p0 [sflag:s8], $0x0  }
0x24: {  	s3 =	sadd.s32 $0x88, s3;
	s6 =	simm.s32 @!p1 $0x1082;
	[sflag:s4] =	ssyncset.s32 $0xFFFFF086  }
0x25: {  	[simem:s6], [sflag:s4] =	dma.local [hbm:s3], $0xF7A  }
0x26: {  	[smem:$0x3F97] =	sst s1;
	(tag) =	ssettag s2;
	_ =	strace s9  }
0x27: {  	s1 =	sld [smem:$0x3FA7]  }
0x28: {  	s2 =	sld [smem:$0x3FA8]  }
0x29: {  	s4 =	sld [smem:$0x3FAA]  }
0x2a: {  	p0 =	seq.s32 s5, $0x0;
	s5 =	sld [smem:$0x3FAB]  }
0x2b: {  	s6 =	sld [smem:$0x3FAC]  }
0x2c: {  	s7 =	sld [smem:$0x3FAD]  }
0x2d: {  	s3 =	simm.s32 $0x108;
	s8 =	sld [smem:$0x3FAE]  }
0x2e: {  	s3 =	simm.s32 @!p0 $0x1082;
	s9 =	sld [smem:$0x3FAF]  }
0x2f: {  	lr =	sadd.s32 s0, s3;
	s0 =	sld [smem:$0x3FA6]  }
0x30: {  	s3 =	sld [smem:$0x3FA9]  }
0x31: {  	[smem:$0x3FB2] =	sst s10  }
0x32: {  	s10 =	sld [smem:$0x3FB0];
	_ =	sdelay $0x3  }
0x33: {  	p0 =	seq.s32 s10, $0x1;
	s10 =	sld [smem:$0x3FB2];
	_ =	sdelay $0x3  }
0x34: {  	[smem:$0x3FB2] =	sst s10  }
0x35: {  	s10 =	sld [smem:$0x3FB1];
	_ =	sdelay $0x3  }
0x36: {  	p1 =	seq.s32 s10, $0x1;
	s10 =	sld [smem:$0x3FB2];
	_ =	sdelay $0x3  }
0x37: {  	[smem:$0x3FB2] =	sst s10  }
0x38: {  	s10 =	sld [smem:$0x3FB3]  }
0x39: {  	_ = 	snop;
	(pc) =	sbr.ind lr, $3  }
0x3a: {  	_ = 	snop  }
0x3b: {  	_ = 	snop  }
0x3c: {  	p2 =	seq.s32 s10, $0x1;
	s10 =	sld [smem:$0x3FB2]  }
0x3d: {  	_ =	shalt  }
0x3e: {  	_ =	shalt  }
0x3f: {  	_ =	shalt  }
0x40: {  	_ =	shalt  }
0x41: {  	_ =	shalt  }
0x42: {  	_ =	shalt  }
0x43: {  	_ =	shalt  }
0x44: {  	_ =	shalt  }
0x45: {  	_ =	shalt  }
0x46: {  	_ =	shalt  }
0x47: {  	_ =	shalt  }
0x48: {  	_ =	shalt  }
0x49: {  	_ =	shalt  }
0x4a: {  	_ =	shalt  }
0x4b: {  	_ =	shalt  }
0x4c: {  	_ =	shalt  }
0x4d: {  	_ =	shalt  }
0x4e: {  	_ =	shalt  }
0x4f: {  	_ =	shalt  }
0x50: {  	_ =	shalt  }
0x51: {  	_ =	shalt  }
0x52: {  	_ =	shalt  }
0x53: {  	_ =	shalt  }
0x54: {  	_ =	shalt  }
0x55: {  	_ =	shalt  }
0x56: {  	_ =	shalt  }
0x57: {  	_ =	shalt  }
0x58: {  	_ =	shalt  }
0x59: {  	_ =	shalt  }
0x5a: {  	_ =	shalt  }
0x5b: {  	_ =	shalt  }
0x5c: {  	_ =	shalt  }
0x5d: {  	_ =	shalt  }
0x5e: {  	_ =	shalt  }
0x5f: {  	_ =	shalt  }
0x60: {  	_ =	shalt  }
0x61: {  	_ =	shalt  }
0x62: {  	_ =	shalt  }
0x63: {  	_ =	shalt  }
0x64: {  	_ =	shalt  }
0x65: {  	_ =	shalt  }
0x66: {  	_ =	shalt  }
0x67: {  	_ =	shalt  }
0x68: {  	_ =	shalt  }
0x69: {  	_ =	shalt  }
0x6a: {  	_ =	shalt  }
0x6b: {  	_ =	shalt  }
0x6c: {  	_ =	shalt  }
0x6d: {  	_ =	shalt  }
0x6e: {  	_ =	shalt  }
0x6f: {  	_ =	shalt  }
0x70: {  	_ =	shalt  }
0x71: {  	_ =	shalt  }
0x72: {  	_ =	shalt  }
0x73: {  	_ =	shalt  }
0x74: {  	_ =	shalt  }
0x75: {  	_ =	shalt  }
0x76: {  	_ =	shalt  }
0x77: {  	_ =	shalt  }
0x78: {  	_ =	shalt  }
0x79: {  	_ =	shalt  }
0x7a: {  	_ =	shalt  }
0x7b: {  	_ =	shalt  }
0x7c: {  	_ =	shalt  }
0x7d: {  	_ =	shalt  }
0x7e: {  	_ =	shalt  }
0x7f: {  	_ =	shalt  }
0x80: {  	_ =	shalt  }
0x81: {  	_ =	shalt  }
0x82: {  	_ =	shalt  }
0x83: {  	_ =	shalt  }
0x84: {  	_ =	shalt  }
0x85: {  	_ =	shalt  }
0x86: {  	_ =	shalt  }
0x87: {  	_ =	shalt  }
.Lfunc_end0:
.L_simem_size_0:
called_computation.2_lowered:
.L_overlay_start_0:
0x88: {  	s2 =	sld [smem:$0x3FD9]  }
0x89: {  	s3 =	sld [smem:$0x3FFE];
	_ =	sdelay $0x1  }
0x8a: {  	s1 =	srdreg.scid  }
0x8b: {  	s0 =	sand.u32 $0x1, s1  }
0x8c: {  	s14 =	sshll.u32 s0, $0xA;
	s2 =	sadd.s32 s3, s2  }
0x8d: {  	s2 =	sadd.s32 s2, s14  }
0x8e: {  	[smem:$0x3FBE] =	sst s2  }
0x8f: {  	_ = 	snop  }
0x90: {  	s2 =	sld [smem:$0x3FD0];
	_ =	sdelay $0x2  }
0x91: {  	s15 =	simm.s32 $0xA;
	s4 =	simm.s32 $0x10  }
0x92: {  	[smem:s4], [sflag:s15] =	dma.local [hbm:s2], $0x1  }
0x93: {  	_ =	swait.eq [sflag:s15], $0x1  }
0x94: {  	[sflag:s15] =	ssyncset.done $0x0  }
0x95: {  	[sflag:s15] =	ssyncadd.s32 $0xFFFFFFFF  }
0x96: {  	s16 =	sld [smem:$0x11];
	(tm) =	ssettm $0x1  }
0x97: {  	s17 =	sld [smem:$0x3FFB];
	_ =	sdelay $0x3  }
0x98: {  	_ =	strace s17  }
0x99: {  	s3 =	sld [smem:$0x3FFC];
	_ =	sdelay $0x3  }
0x9a: {  	_ =	strace s3  }
0x9b: {  	s3 =	sld [smem:$0x3FFD];
	_ =	sdelay $0x3  }
0x9c: {  	_ =	strace s3  }
0x9d: {  	_ =	strace $0x8FFFFFFF  }
0x9e: {  	s18 =	sld [smem:$0x3FDB];
	_ =	sdelay $0x1  }
0x9f: {  	s19 =	simm.s32 $_scs_section_size  }
0xa0: {  	s5 =	simm.s32 $_size__tile_overlayer_lowered;
	s6 =	simm.s32 $_tile_overlayer_lowered  }
0xa1: {  	s22 =	simm.s32 $0x1BFF;
	s21 =	sshll.u32 s6, $0x1;
	s3 =	sadd.s32 s19, s18  }
0xa2: {  	s7 =	simm.s32 $0x0;
	s20 =	sshll.u32 s5, $0x1;
	s5 =	sadd.s32 s21, s3  }
0xa3: {  	[timem:s7], [sflag:s22] =	dma.local [hbm:s5], s20  }
0xa4: {  	_ =	swait.ge [sflag:s22], s20  }
0xa5: {  	s4 =	ssub.s32 $0x0, s20;
	[sflag:s22] =	ssyncset.done $0x0  }
0xa6: {  	[sflag:s22] =	ssyncadd.s32 s4;
	_ =	sdelay $0x1  }
0xa7: {  	s23 =	simm.s32 $0x1B8B  }
0xa8: {  	_ =	swait.ge [sflag:s23], $0x1  }
0xa9: {  	[sflag:s23] =	ssyncset.done $0x0  }
0xaa: {  	s25 =	simm.s32 $0x1B8E;
	s24 =	sld [smem:$0x3FFE];
	[sflag:s23] =	ssyncadd.s32 $0xFFFFFFFF  }
0xab: {  	s26 =	simm.s32 $execute0_lowered;
	[smem:$0x3FD2] =	sst s25  }
0xac: {  	s5 =	sshll.u32 s26, $0x1;
	_ =	strace $0x8000004C;
	[dreg:$0x1] =	wrdreg $0xFFFFFFFF  }
0xad: {  	s28 =	simm.s32 $_size_execute0_lowered;
	s3 =	sadd.s32 s3, s5;
	[dreg:$0x0] =	wrdreg $0x0  }
0xae: {  	s5 =	sshll.u32 s28, $0x1;
	[dreg:$0x2] =	wrdreg s3  }
0xaf: {  	[dreg:$0x3] =	wrdreg s5  }
0xb0: {  	[dreg:$0x4] =	wrdreg $0xC0  }
0xb1: {  	_ =	task [dreg:s7], $0x5FFFF  }
0xb2: {  	[dreg:$0x1] =	wrdreg $0xFFFFFFFF  }
0xb3: {  	[dreg:$0x0] =	wrdreg $0x60  }
0xb4: {  	[dreg:$0x2] =	wrdreg s24  }
0xb5: {  	[dreg:$0x3] =	wrdreg s16  }
0xb6: {  	[dreg:$0x4] =	wrdreg $0x87800  }
0xb7: {  	[dreg:$0x5] =	wrdreg $0x9  }
0xb8: {  	_ =	task.clear_ibuf [dreg:s7], $0x6FFFF;
	_ =	strace $0x9000004C  }
0xb9: {  	s29 =	simm.s32 $0x9;
	_ =	strace $0x8000004E  }
0xba: {  	_ =	swait.ge [sflag:s29], $0x1  }
0xbb: {  	[sflag:s29] =	ssyncadd.s32 $0xFFFFFFFF  }
0xbc: {  	_ =	strace $0x9000004E  }
0xbd: {  	_ =	sfence  }
0xbe: {  	s30 =	sld [smem:$0x0];
	_ =	sdelay $0x2  }
0xbf: {  	s31 =	sshll.u32 s1, $0xD;
	s1 =	sshrl.u32 s1, $0x2  }
0xc0: {  	s3 =	sand.u32 $0x4000, s31;
	s1 =	sadd.s32 s1, s30  }
0xc1: {  	s0 =	sor.u32 s3, s0;
	s1 =	sshll.u32 s1, $0x11  }
0xc2: {  	s0 =	sor.u32 s1, s0  }
0xc3: {  	s0 =	sadd.s32 $0x8F2B, s0  }
0xc4: {  	[sflag:s0] =	ssyncadd.remote.s32 $0x1  }
0xc5: {  	_ =	sfence.sel $0xFFFF  }
0xc6: {  	[dreg:$0x0] =	wrdreg $0xFFFFFFFF;
	(pc) =	sbr.abs _section_cstart, $3  }
0xc7: {  	[dreg:$0x1] =	wrdreg $0xFFFFFFFF  }
0xc8: {  	_ =	task.clear_ibuf [dreg:s7], $0x2FFFF;
	_ =	strace $0x9FFFFFFF  }
0xc9: {  	(tm) =	ssettm $0x7FFFFFFF  }
tec
execute0_lowered:
.L_overlay_start_1:
0x0: {  	(tag) =	ssettag $0x1  }
0x1: {  	s0 =	rddreg [dreg:$0x0];
	s19 =	stileid.u32  }
0x2: {  	s1 =	rddreg [dreg:$0x1];
	s4 =	smul.u32 $0x2710, s19  }
0x3: {  	s2 =	rddreg [dreg:$0x2];
	s3 =	simm.s32 $0x0;
	s10 =	smul.u32 $0x7D000, s19  }
0x4: {  	s5 =	srdreg.scid;
	s28 =	simm.s32 $0x5F80;
	s24 =	smul.u32 $0x3E800, s19  }
0x5: {  	s29 =	simm.s32 $0x1;
	s30 =	simm.s32 $0x50;
	s11 =	smul.u32 $0xFA0, s19  }
0x6: {  	s31 =	simm.s32 $0x3;
	[smem:$0x7FF] =	sst s3;
	s25 =	smul.u32 $0xFA000, s19  }
0x7: {  	s5 =	sand.u32 $0x1, s5;
	s6 =	sadd.s32 $0xF33200, s0;
	s13 =	smul.u32 $0x271000, s19  }
0x8: {  	p0 =	sgt.u32 s19, $0x9;
	_ =	strace $0x8000004D;
	s7 =	ssub.s32 $0x2, s5  }
0x9: {  	s5 =	sshll.u32 s5, $0xA;
	s4 =	sshrl.u32 s4, $0x3;
	s9 =	sshrl.u32 s7, $0x1  }
0xa: {  	s10 =	sshrl.u32 s10, $0x2;
	s12 =	sshrl.u32 s11, $0x3;
	s26 =	sor.u32 s5, s25  }
0xb: {  	s15 =	sshll.u32 s11, $0x8;
	s8 =	sadd.s32 s4, s0;
	s4 =	sadd.s32 $0xC200, s0  }
0xc: {  	s7 =	ssub.s32 s7, s9;
	s9 =	sor.u32 s5, s24;
	s21 =	sadd.s32 s10, s2  }
0xd: {  	s0 =	sadd.s32 s0, s12;
	s12 =	sshrl.u32 s26, $0x3;
	s10 =	sadd.s32 $0x5000, s26  }
0xe: {  	s23 =	sadd.s32 $0xF5000, s26;
	s24 =	sadd.s32 $0x14000, s26;
	s0 =	sadd.s32 $0xA0E0, s0  }
0xf: {  	s9 =	sshrl.u32 s9, $0x3;
	s8 =	sadd.s32 $0x2200, s8;
	[dreg:$0x5] =	wrdreg s0  }
0x10: {  	s16 =	sshrl.u32 s10, $0x3;
	s7 =	smax.u32 s7, $0x1;
	[dreg:$0x6] =	wrdreg s8  }
0x11: {  	s21 =	sshrl.u32 @!p0 s21, $0x3;
	s1 =	sadd.s32 s1, s9;
	[dreg:$0x9] =	wrdreg s7  }
0x12: {  	s9 =	sor.u32 s5, s13;
	s0 =	sadd.s32 s6, s12;
	[dreg:$0x4] =	wrdreg s1  }
0x13: {  	s5 =	sor.u32 s5, s15;
	s11 =	sadd.s32 s6, s16;
	[dreg:$0x7] =	wrdreg s0  }
0x14: {  	s14 =	sadd.s32 $0x26C000, s9;
	s17 =	sadd.s32 $0xA000, s5;
	s18 =	sshrl.u32 s9, $0x3  }
0x15: {  	s20 =	sadd.s32 $0x5000, s9;
	s5 =	sshrl.u32 s24, $0x3;
	s1 =	sadd.s32 $0xF000, s26  }
0x16: {  	s26 =	sadd.s32 $0xF000, s9;
	s24 =	simm.s32 $0x400;
	s0 =	sshrl.u32 s14, $0x3  }
0x17: {  	s13 =	sadd.s32 s4, s18;
	s22 =	sshrl.u32 s20, $0x3;
	s16 =	sadd.s32 s5, s6  }
0x18: {  	s25 =	sshrl.u32 s1, $0x3;
	s18 =	sadd.s32 $0xA000, s9;
	s1 =	sshll.u32 @!p0 s19, $0x6  }
0x19: {  	s5 =	simm.s32 $0x0;
	s0 =	sadd.s32 s4, s0;
	s14 =	sadd.s32 s4, s22  }
0x1a: {  	s20 =	sor.u32 @!p0 $0x1C05, s1;
	s22 =	simm.s32 $0x5;
	s1 =	simm.s32 $0x4  }
0x1b: {  	[dreg:$0x8] =	wrdreg s0;
	s0 =	sshrl.u32 s17, $0x3;
	s17 =	sadd.s32 s25, s6  }
0x1c: {  	s25 =	simm.s32 $0x800;
	s12 =	sadd.s32 s6, s0;
	s0 =	sshrl.u32 s23, $0x3  }
0x1d: {  	s23 =	simm.s32 $0x1000;
	s15 =	sadd.s32 s6, s0;
	s0 =	sshrl.u32 s26, $0x3  }
0x1e: {  	s26 =	simm.s32 $0x3780;
	s19 =	sadd.s32 s0, s4;
	s0 =	simm.s32 $0x2  }
.LBB2_1:
0x1f: {  	s6 =	simm.s32 @!p0 $0x8  }
0x20: {  	s7 =	simm.s32 @!p0 $0x80;
	s8 =	simm.s32 @!p0 $0x100;
	s9 =	rddreg [dreg:$0x4]  }
0x21: {  	[spmem:s21@s7], [sflag:s20] =	dma.strided @!p0 [hbm:s9@s8], $0x3E80, s6, $0x10   }
0x22: {  	s6 =	simm.s32 @!p0 $0x5  }
0x23: {  	_ =	swait.ge @!p0 [sflag:s6], $0x3E80  }
0x24: {  	[sflag:s6] =	ssyncset.done @!p0 $0x0  }
0x25: {  	s9 =	rddreg [dreg:$0x5];
	[sflag:s6] =	ssyncadd.s32 @!p0 $0xFFFFC180  }
0x26: {  	[tilespmem:s3], [sflag:$0x5] =	stream.linear.gather [hbm4b:s9+s3], $0xFA0, $0x38;
	[tilespmem:$0x1C000] =	vst v63  }
0x27: {  	_ =	swait.ge [sflag:s22], $0xFA0  }
0x28: {  	[sflag:s22] =	ssyncset.done $0x0  }
0x29: {  	s10 =	rddreg [dreg:$0x6];
	[sflag:s22] =	ssyncadd.s32 $0xFFFFF060  }
0x2a: {  	[tilespmem:s23], [sflag:$0x5] =	stream.linear.gather [hbm4b:s10+s3], $0x2710, $0x38;
	[tilespmem:$0x1C000] =	vst v63  }
0x2b: {  	_ =	swait.ge [sflag:s22], $0x2710  }
0x2c: {  	[sflag:s22] =	ssyncset.done $0x0  }
0x2d: {  	[sflag:s22] =	ssyncadd.s32 $0xFFFFD8F0  }
0x2e: {  	[bflag:$0x0] =	sbarrier.arrive $0xFFFF  }
0x2f: {  	s7 =	rddreg [dreg:$0x7]  }
0x30: {  	[tilespmem:s26], [sflag:$0x1] =	stream.strided.gather [hbm4b:s7+s24], $0x2800, s25, s24, $0x38;
	[tilespmem:$0x1C000] =	vst v63  }
0x31: {  	_ = 	snop  }
0x32: {  	[tilespmem:s28], [sflag:$0x2] =	stream.strided.gather [hbm4b:s11+s24], $0x2800, s25, s24, $0x38;
	[tilespmem:$0x1C000] =	vst v63  }
0x33: {  	_ =	swait.ge [sflag:s29], $0x2800  }
0x34: {  	[sflag:s29] =	ssyncset.done $0x0  }
0x35: {  	[sflag:s29] =	ssyncadd.s32 $0xFFFFD800  }
0x36: {  	[spmem:s2] =	stream.indirect.scatter.add.f32 [tilespmem:s26], [sflag:$0x3], $0x80, s3, s30, $0xb8;
	[tilespmem:$0x1C000] =	vst v63  }
0x37: {  	_ =	swait.ge [sflag:s31], $0x2800  }
0x38: {  	[sflag:s31] =	ssyncset.done $0x0  }
0x39: {  	[sflag:s31] =	ssyncadd.s32 $0xFFFFD800  }
0x3a: {  	[tilespmem:s26], [sflag:$0x1] =	stream.strided.gather [hbm4b:s12+s24], $0x2800, s25, s24, $0x38;
	[tilespmem:$0x1C000] =	vst v63  }
0x3b: {  	_ =	swait.ge [sflag:s0], $0x2800  }
0x3c: {  	[sflag:s0] =	ssyncset.done $0x0  }
0x3d: {  	[sflag:s0] =	ssyncadd.s32 $0xFFFFD800  }
0x3e: {  	[spmem:s2] =	stream.indirect.scatter.add.f32 [tilespmem:s28], [sflag:$0x4], $0x80, s30, s30, $0xb8;
	[tilespmem:$0x1C000] =	vst v63  }
0x3f: {  	_ =	swait.ge [sflag:s1], $0x2800  }
0x40: {  	[sflag:s1] =	ssyncset.done $0x0  }
0x41: {  	s8 =	sadd.s32 $0x0, s17;
	[sflag:s1] =	ssyncadd.s32 $0xFFFFD800  }
0x42: {  	[tilespmem:s28], [sflag:$0x2] =	stream.strided.gather [hbm4b:s8+s24], $0x2800, s25, s24, $0x38;
	[tilespmem:$0x1C000] =	vst v63  }
0x43: {  	_ =	swait.ge [sflag:s29], $0x2800  }
0x44: {  	[sflag:s29] =	ssyncset.done $0x0  }
0x45: {  	s9 =	simm.s32 $0xA0;
	[sflag:s29] =	ssyncadd.s32 $0xFFFFD800  }
0x46: {  	[spmem:s2] =	stream.indirect.scatter.add.f32 [tilespmem:s26], [sflag:$0x3], $0x80, s9, s30, $0xb8;
	[tilespmem:$0x1C000] =	vst v63  }
0x47: {  	_ =	swait.ge [sflag:s31], $0x2800  }
0x48: {  	[sflag:s31] =	ssyncset.done $0x0  }
0x49: {  	s10 =	sadd.s32 $0x0, s16;
	[sflag:s31] =	ssyncadd.s32 $0xFFFFD800  }
0x4a: {  	[tilespmem:s26], [sflag:$0x1] =	stream.strided.gather [hbm4b:s10+s24], $0x2800, s25, s24, $0x38;
	[tilespmem:$0x1C000] =	vst v63  }
0x4b: {  	_ =	swait.ge [sflag:s0], $0x2800  }
0x4c: {  	s6 =	simm.s32 $0x140;
	[sflag:s0] =	ssyncset.done $0x0  }
0x4d: {  	s7 =	simm.s32 $0x1400;
	s8 =	simm.s32 $0xF0;
	[sflag:s0] =	ssyncadd.s32 $0xFFFFD800  }
.LBB2_2:
0x4e: {  	[spmem:s2] =	stream.indirect.scatter.add.f32 [tilespmem:s28], [sflag:$0x4], $0x80, s8, s30, $0xb8;
	[tilespmem:$0x1C000] =	vst v63  }
0x4f: {  	s8 =	smov.u32 s7  }
0x50: {  	p1 =	sne.s32 s7, $0x1B800;
	s7 =	sadd.s32 $0x1400, s7;
	_ =	swait.ge [sflag:s1], $0x2800  }
0x51: {  	[sflag:s1] =	ssyncset.done $0x0  }
0x52: {  	s9 =	sadd.s32 s8, s17;
	[sflag:s1] =	ssyncadd.s32 $0xFFFFD800  }
0x53: {  	[tilespmem:s28], [sflag:$0x2] =	stream.strided.gather [hbm4b:s9+s24], $0x2800, s25, s24, $0x38;
	[tilespmem:$0x1C000] =	vst v63  }
0x54: {  	_ =	swait.ge [sflag:s29], $0x2800  }
0x55: {  	[sflag:s29] =	ssyncset.done $0x0  }
0x56: {  	[sflag:s29] =	ssyncadd.s32 $0xFFFFD800  }
0x57: {  	[spmem:s2] =	stream.indirect.scatter.add.f32 [tilespmem:s26], [sflag:$0x3], $0x80, s6, s30, $0xb8;
	[tilespmem:$0x1C000] =	vst v63  }
0x58: {  	_ =	swait.ge [sflag:s31], $0x2800  }
0x59: {  	[sflag:s31] =	ssyncset.done $0x0  }
.Ltmp0:
0x5a: {  	s8 =	sadd.s32 s8, s16;
	[sflag:s31] =	ssyncadd.s32 $0xFFFFD800;
	(pc) =	sbr.rel @p1 .LBB2_2-.Ltmp0, $4  }
0x5b: {  	[tilespmem:s26], [sflag:$0x1] =	stream.strided.gather [hbm4b:s8+s24], $0x2800, s25, s24, $0x38;
	[tilespmem:$0x1C000] =	vst v63  }
0x5c: {  	_ =	swait.ge [sflag:s0], $0x2800  }
0x5d: {  	[sflag:s0] =	ssyncset.done $0x0  }
0x5e: {  	s8 =	sadd.s32 $0x50, s6;
	s6 =	sadd.s32 $0xA0, s6;
	[sflag:s0] =	ssyncadd.s32 $0xFFFFD800  }
0x5f: {  	[spmem:s2] =	stream.indirect.scatter.add.f32 [tilespmem:s28], [sflag:$0x4], $0x80, s8, s30, $0xb8;
	[tilespmem:$0x1C000] =	vst v63  }
0x60: {  	_ =	swait.ge [sflag:s1], $0x2800  }
0x61: {  	[sflag:s1] =	ssyncset.done $0x0  }
0x62: {  	[sflag:s1] =	ssyncadd.s32 $0xFFFFD800  }
0x63: {  	[tilespmem:s28], [sflag:$0x2] =	stream.strided.gather [hbm4b:s15+s24], $0x2800, s25, s24, $0x38;
	[tilespmem:$0x1C000] =	vst v63  }
0x64: {  	_ =	swait.ge [sflag:s29], $0x2800  }
0x65: {  	[sflag:s29] =	ssyncset.done $0x0  }
0x66: {  	[sflag:s29] =	ssyncadd.s32 $0xFFFFD800  }
0x67: {  	[spmem:s2] =	stream.indirect.scatter.add.f32 [tilespmem:s26], [sflag:$0x3], $0x80, s6, s30, $0xb8;
	[tilespmem:$0x1C000] =	vst v63  }
0x68: {  	_ =	swait.ge [sflag:s31], $0x2800  }
0x69: {  	[sflag:s31] =	ssyncset.done $0x0  }
0x6a: {  	[sflag:s31] =	ssyncadd.s32 $0xFFFFD800  }
0x6b: {  	_ =	swait.ge [sflag:s0], $0x2800  }
0x6c: {  	[sflag:s0] =	ssyncset.done $0x0  }
0x6d: {  	s9 =	simm.s32 $0xF50;
	[sflag:s0] =	ssyncadd.s32 $0xFFFFD800  }
0x6e: {  	[spmem:s2] =	stream.indirect.scatter.add.f32 [tilespmem:s28], [sflag:$0x4], $0x80, s9, s30, $0xb8;
	[tilespmem:$0x1C000] =	vst v63  }
0x6f: {  	_ =	swait.ge [sflag:s1], $0x2800  }
0x70: {  	[sflag:s1] =	ssyncset.done $0x0  }
0x71: {  	[sflag:s1] =	ssyncadd.s32 $0xFFFFD800  }
0x72: {  	[bflag:$0x0] =	sbarrier.arrive $0xFFFF  }
0x73: {  	[tilespmem:s26], [sflag:$0x1] =	stream.indirect.gather [spmem:s2], $0x80, s23, s30, $0xb8;
	[tilespmem:$0x1C000] =	vst v63  }
0x74: {  	s10 =	simm.s32 $0x1050  }
0x75: {  	[tilespmem:s28], [sflag:$0x2] =	stream.indirect.gather [spmem:s2], $0x80, s10, s30, $0xb8;
	[tilespmem:$0x1C000] =	vst v63  }
0x76: {  	_ =	swait.ge [sflag:s29], $0x2800  }
0x77: {  	[sflag:s29] =	ssyncset.done $0x0  }
0x78: {  	[sflag:s29] =	ssyncadd.s32 $0xFFFFD800  }
0x79: {  	[hbm4b:s13+s24] =	stream.strided.scatter [tilespmem:s26], [sflag:$0x3], $0x2800, s25, s24, $0x38;
	[tilespmem:$0x1C000] =	vst v63  }
0x7a: {  	_ =	swait.ge [sflag:s31], $0x2800  }
0x7b: {  	[sflag:s31] =	ssyncset.done $0x0  }
0x7c: {  	s7 =	simm.s32 $0x10A0;
	[sflag:s31] =	ssyncadd.s32 $0xFFFFD800  }
0x7d: {  	[tilespmem:s26], [sflag:$0x1] =	stream.indirect.gather [spmem:s2], $0x80, s7, s30, $0xb8;
	[tilespmem:$0x1C000] =	vst v63  }
0x7e: {  	_ =	swait.ge [sflag:s0], $0x2800  }
0x7f: {  	[sflag:s0] =	ssyncset.done $0x0  }
0x80: {  	[sflag:s0] =	ssyncadd.s32 $0xFFFFD800  }
0x81: {  	[hbm4b:s14+s24] =	stream.strided.scatter [tilespmem:s28], [sflag:$0x4], $0x2800, s25, s24, $0x38;
	[tilespmem:$0x1C000] =	vst v63  }
0x82: {  	_ =	swait.ge [sflag:s1], $0x2800  }
0x83: {  	[sflag:s1] =	ssyncset.done $0x0  }
0x84: {  	s8 =	simm.s32 $0x10F0;
	[sflag:s1] =	ssyncadd.s32 $0xFFFFD800  }
0x85: {  	[tilespmem:s28], [sflag:$0x2] =	stream.indirect.gather [spmem:s2], $0x80, s8, s30, $0xb8;
	[tilespmem:$0x1C000] =	vst v63  }
0x86: {  	_ =	swait.ge [sflag:s29], $0x2800  }
0x87: {  	s9 =	sshrl.u32 s18, $0x3;
	[sflag:s29] =	ssyncset.done $0x0  }
0x88: {  	s6 =	sadd.s32 s4, s9;
	[sflag:s29] =	ssyncadd.s32 $0xFFFFD800  }
0x89: {  	[hbm4b:s6+s24] =	stream.strided.scatter [tilespmem:s26], [sflag:$0x3], $0x2800, s25, s24, $0x38;
	[tilespmem:$0x1C000] =	vst v63  }
0x8a: {  	_ =	swait.ge [sflag:s31], $0x2800  }
0x8b: {  	[sflag:s31] =	ssyncset.done $0x0  }
0x8c: {  	s10 =	simm.s32 $0x1140;
	[sflag:s31] =	ssyncadd.s32 $0xFFFFD800  }
0x8d: {  	[tilespmem:s26], [sflag:$0x1] =	stream.indirect.gather [spmem:s2], $0x80, s10, s30, $0xb8;
	[tilespmem:$0x1C000] =	vst v63  }
0x8e: {  	_ =	swait.ge [sflag:s0], $0x2800  }
0x8f: {  	s9 =	sadd.s32 $0x0, s19;
	s7 =	simm.s32 $0x1190;
	[sflag:s0] =	ssyncset.done $0x0  }
0x90: {  	s8 =	sadd.s32 $0xA000, s18;
	s6 =	simm.s32 $0x1400;
	[sflag:s0] =	ssyncadd.s32 $0xFFFFD800  }
.LBB2_4:
0x91: {  	[hbm4b:s9+s24] =	stream.strided.scatter [tilespmem:s28], [sflag:$0x4], $0x2800, s25, s24, $0x38;
	[tilespmem:$0x1C000] =	vst v63  }
0x92: {  	s9 =	smov.u32 s6  }
0x93: {  	p1 =	sne.s32 s6, $0x4B000;
	s6 =	sadd.s32 $0x1400, s6;
	_ =	swait.ge [sflag:s1], $0x2800  }
0x94: {  	[sflag:s1] =	ssyncset.done $0x0  }
0x95: {  	[sflag:s1] =	ssyncadd.s32 $0xFFFFD800  }
0x96: {  	[tilespmem:s28], [sflag:$0x2] =	stream.indirect.gather [spmem:s2], $0x80, s7, s30, $0xb8;
	[tilespmem:$0x1C000] =	vst v63  }
0x97: {  	_ =	swait.ge [sflag:s29], $0x2800  }
0x98: {  	s10 =	sshrl.u32 s8, $0x3;
	[sflag:s29] =	ssyncset.done $0x0  }
0x99: {  	s10 =	sadd.s32 s4, s10;
	[sflag:s29] =	ssyncadd.s32 $0xFFFFD800  }
0x9a: {  	[hbm4b:s10+s24] =	stream.strided.scatter [tilespmem:s26], [sflag:$0x3], $0x2800, s25, s24, $0x38;
	[tilespmem:$0x1C000] =	vst v63  }
0x9b: {  	_ =	swait.ge [sflag:s31], $0x2800  }
0x9c: {  	[sflag:s31] =	ssyncset.done $0x0  }
.Ltmp1:
0x9d: {  	s10 =	sadd.s32 $0x50, s7;
	[sflag:s31] =	ssyncadd.s32 $0xFFFFD800;
	(pc) =	sbr.rel @p1 .LBB2_4-.Ltmp1, $4  }
0x9e: {  	[tilespmem:s26], [sflag:$0x1] =	stream.indirect.gather [spmem:s2], $0x80, s10, s30, $0xb8;
	[tilespmem:$0x1C000] =	vst v63  }
0x9f: {  	_ =	swait.ge [sflag:s0], $0x2800  }
0xa0: {  	s7 =	sadd.s32 $0xA0, s7;
	[sflag:s0] =	ssyncset.done $0x0  }
0xa1: {  	s8 =	sadd.s32 $0xA000, s8;
	s9 =	sadd.s32 s9, s19;
	[sflag:s0] =	ssyncadd.s32 $0xFFFFD800  }
0xa2: {  	[hbm4b:s9+s24] =	stream.strided.scatter [tilespmem:s28], [sflag:$0x4], $0x2800, s25, s24, $0x38;
	[tilespmem:$0x1C000] =	vst v63  }
0xa3: {  	_ =	swait.ge [sflag:s1], $0x2800  }
0xa4: {  	[sflag:s1] =	ssyncset.done $0x0  }
0xa5: {  	[sflag:s1] =	ssyncadd.s32 $0xFFFFD800  }
0xa6: {  	_ =	swait.ge [sflag:s29], $0x2800  }
0xa7: {  	[sflag:s29] =	ssyncset.done $0x0  }
0xa8: {  	s6 =	rddreg [dreg:$0x8];
	[sflag:s29] =	ssyncadd.s32 $0xFFFFD800  }
0xa9: {  	[hbm4b:s6+s24] =	stream.strided.scatter [tilespmem:s26], [sflag:$0x3], $0x2800, s25, s24, $0x38;
	[tilespmem:$0x1C000] =	vst v63  }
0xaa: {  	_ =	swait.ge [sflag:s31], $0x2800  }
0xab: {  	s5 =	sadd.s32 $0x1, s5;
	s10 =	rddreg [dreg:$0x9]  }
0xac: {  	p1 =	sne.s32 s5, s10  }
.Ltmp2:
0xad: {  	_ = 	snop;
	(pc) =	sbr.rel @p1 .LBB2_1-.Ltmp2, $3  }
0xae: {  	_ =	sdelay $0x1  }
0xaf: {  	[sflag:s31] =	ssyncset.done $0x0  }
0xb0: {  	[sflag:s31] =	ssyncadd.s32 $0xFFFFD800  }
0xb1: {  	_ =	sfence.sel $0x180000  }
0xb2: {  	[bflag:$0x0] =	sbarrier.arrive $0xFFFF  }
0xb3: {  	_ =	strace $0x9000004D  }
0xb4: {  	s0 =	stileid.u32;
	[bflag:$0x2] =	sbarrier.arrive $0xFFFF  }
0xb5: {  	p0 =	sne.s32 s0, $0x0;
	s0 =	rddreg [dreg:$0x3]  }
0xb6: {  	s0 =	sadd.s32 @!p0 $0x100000, s0  }
0xb7: {  	[sflag:s0] =	ssyncadd.tile.s32 @!p0 $0x1;
	_ =	shalt  }
.Lfunc_end2:
_tile_overlayer_lowered:
.L_overlay_start_2:
0xb8: {  	(tag) =	ssettag $0x2  }
0xb9: {  	s0 =	rddreg [dreg:$0x0];
	s2 =	stileid.u32  }
0xba: {  	s1 =	rddreg [dreg:$0x1];
	p0 =	sne.s32 s2, $0x0  }
0xbb: {  	s3 =	rddreg [dreg:$0x2];
	[bflag:$0x3] =	sbarrier.arrive $0xFFFF;
	s2 =	simm.s32 @!p0 $0x1C05  }
0xbc: {  	[timem:s3], [sflag:s2] =	dma.local @!p0 [hbm:s0], s1  }
0xbd: {  	s0 =	simm.s32 @!p0 $0x5  }
0xbe: {  	_ =	swait.ge @!p0 [sflag:s0], s1  }
0xbf: {  	s1 =	ssub.s32 @!p0 $0x0, s1;
	[sflag:s0] =	ssyncset.done @!p0 $0x0  }
0xc0: {  	[sflag:s0] =	ssyncadd.s32 @!p0 s1  }
0xc1: {  	[bflag:$0x3] =	sbarrier.arrive $0xFFFF  }
0xc2: {  	_ =	shalt  }

// kernel: kernel.24.cloned.1.call-start
scs
__scs_entry_jumppad:
0x0: {  	(pc) =	sbr.rel $0x88, $3  }
0x1: {  	(tag) =	ssettag $0x0;
	lr =	simm.s32 $0x1  }
0x2: {  	[smem:$0x3F97] =	sst lr;
	_ =	strace $0xD0000000  }
0x3: {  	_ = 	snop  }
0x4: {  	_ = 	snop  }
0x5: {  	_ = 	snop  }
0x6: {  	_ = 	snop  }
0x7: {  	_ = 	snop  }
__scs_overlays_trampoline_lowered:
0x8: {  	[smem:$0x3FA6] =	sst s0  }
0x9: {  	[smem:$0x3FA7] =	sst s1  }
0xa: {  	[smem:$0x3FA8] =	sst s2  }
0xb: {  	[smem:$0x3FA9] =	sst s3  }
0xc: {  	[smem:$0x3FAA] =	sst s4  }
0xd: {  	[smem:$0x3FAB] =	sst s5  }
0xe: {  	[smem:$0x3FAC] =	sst s6  }
0xf: {  	[smem:$0x3FAD] =	sst s7  }
0x10: {  	[smem:$0x3FAE] =	sst s8  }
0x11: {  	[smem:$0x3FAF] =	sst s9;
	s0 =	simm.s32 @!p0 $0x0  }
0x12: {  	s1 =	sld [smem:$0x3F95];
	s0 =	simm.s32 @p0 $0x1  }
0x13: {  	[smem:$0x3FB0] =	sst s0;
	s0 =	simm.s32 @!p1 $0x0  }
0x14: {  	s2 =	sld [smem:$0x3F94];
	s0 =	simm.s32 @p1 $0x1  }
0x15: {  	[smem:$0x3FB1] =	sst s0;
	s0 =	simm.s32 @!p2 $0x0  }
0x16: {  	s3 =	sld [smem:$0x3FDB];
	s0 =	simm.s32 @p2 $0x1  }
0x17: {  	s4 =	simm.s32 $0x1BF5;
	[smem:$0x3FB3] =	sst s0  }
0x18: {  	s0 =	sld [smem:$0x3F96];
	_ =	swait.ge [sflag:s4], $0x0  }
0x19: {  	s7 =	sld [smem:$0x3F97]  }
0x1a: {  	s8 =	sadd.s32 $0xFFFFE003, lr  }
0x1b: {  	s9 =	sadd.s32 $0xFFFFFEF7, lr;
	s5 =	simm.s32 $0xFFFFFFFF;
	p2 =	slt.u32 s8, $0xFFFFF086  }
0x1c: {  	p1 =	slt.u32 s9, $0xF7A;
	s5 =	simm.s32 @!p2 $0x0  }
0x1d: {  	s5 =	simm.s32 @p1 $0x1;
	p0 =	seq.s32 s7, s2  }
0x1e: {  	s7 =	smul.u32 @!p0 $0xF7A, s2;
	p2 =	seq.s32 @!p0 s5, $0x0  }
0x1f: {  	s9 =	smul.u32 $0xF7A, s1;
	s8 =	simm.s32 @!p0 $0x1BF5;
	p2 =	por !p2, p0  }
0x20: {  	[sflag:s8] =	ssyncset.s32 @!p0 $0xFFFFF086;
	s6 =	sadd.s32 @!p0 s3, s7;
	s7 =	simm.s32 @!p0 $0x108  }
0x21: {  	s3 =	sadd.s32 s3, s9;
	s6 =	sadd.s32 @!p0 $0x88, s6;
	s7 =	simm.s32 @p2 $0x1082  }
0x22: {  	[simem:s7], [sflag:s8] =	dma.local @!p0 [hbm:s6], $0xF7A  }
0x23: {  	s9 =	sor.u32 $0xD0000000, s2;
	s6 =	simm.s32 $0x108;
	_ =	swait.ge @!p0 [sflag:s8], $0x0  }
0x24: {  	s3 =	sadd.s32 $0x88, s3;
	s6 =	simm.s32 @!p1 $0x1082;
	[sflag:s4] =	ssyncset.s32 $0xFFFFF086  }
0x25: {  	[simem:s6], [sflag:s4] =	dma.local [hbm:s3], $0xF7A  }
0x26: {  	[smem:$0x3F97] =	sst s1;
	(tag) =	ssettag s2;
	_ =	strace s9  }
0x27: {  	s1 =	sld [smem:$0x3FA7]  }
0x28: {  	s2 =	sld [smem:$0x3FA8]  }
0x29: {  	s4 =	sld [smem:$0x3FAA]  }
0x2a: {  	p0 =	seq.s32 s5, $0x0;
	s5 =	sld [smem:$0x3FAB]  }
0x2b: {  	s6 =	sld [smem:$0x3FAC]  }
0x2c: {  	s7 =	sld [smem:$0x3FAD]  }
0x2d: {  	s3 =	simm.s32 $0x108;
	s8 =	sld [smem:$0x3FAE]  }
0x2e: {  	s3 =	simm.s32 @!p0 $0x1082;
	s9 =	sld [smem:$0x3FAF]  }
0x2f: {  	lr =	sadd.s32 s0, s3;
	s0 =	sld [smem:$0x3FA6]  }
0x30: {  	s3 =	sld [smem:$0x3FA9]  }
0x31: {  	[smem:$0x3FB2] =	sst s10  }
0x32: {  	s10 =	sld [smem:$0x3FB0];
	_ =	sdelay $0x3  }
0x33: {  	p0 =	seq.s32 s10, $0x1;
	s10 =	sld [smem:$0x3FB2];
	_ =	sdelay $0x3  }
0x34: {  	[smem:$0x3FB2] =	sst s10  }
0x35: {  	s10 =	sld [smem:$0x3FB1];
	_ =	sdelay $0x3  }
0x36: {  	p1 =	seq.s32 s10, $0x1;
	s10 =	sld [smem:$0x3FB2];
	_ =	sdelay $0x3  }
0x37: {  	[smem:$0x3FB2] =	sst s10  }
0x38: {  	s10 =	sld [smem:$0x3FB3]  }
0x39: {  	_ = 	snop;
	(pc) =	sbr.ind lr, $3  }
0x3a: {  	_ = 	snop  }
0x3b: {  	_ = 	snop  }
0x3c: {  	p2 =	seq.s32 s10, $0x1;
	s10 =	sld [smem:$0x3FB2]  }
0x3d: {  	_ =	shalt  }
0x3e: {  	_ =	shalt  }
0x3f: {  	_ =	shalt  }
0x40: {  	_ =	shalt  }
0x41: {  	_ =	shalt  }
0x42: {  	_ =	shalt  }
0x43: {  	_ =	shalt  }
0x44: {  	_ =	shalt  }
0x45: {  	_ =	shalt  }
0x46: {  	_ =	shalt  }
0x47: {  	_ =	shalt  }
0x48: {  	_ =	shalt  }
0x49: {  	_ =	shalt  }
0x4a: {  	_ =	shalt  }
0x4b: {  	_ =	shalt  }
0x4c: {  	_ =	shalt  }
0x4d: {  	_ =	shalt  }
0x4e: {  	_ =	shalt  }
0x4f: {  	_ =	shalt  }
0x50: {  	_ =	shalt  }
0x51: {  	_ =	shalt  }
0x52: {  	_ =	shalt  }
0x53: {  	_ =	shalt  }
0x54: {  	_ =	shalt  }
0x55: {  	_ =	shalt  }
0x56: {  	_ =	shalt  }
0x57: {  	_ =	shalt  }
0x58: {  	_ =	shalt  }
0x59: {  	_ =	shalt  }
0x5a: {  	_ =	shalt  }
0x5b: {  	_ =	shalt  }
0x5c: {  	_ =	shalt  }
0x5d: {  	_ =	shalt  }
0x5e: {  	_ =	shalt  }
0x5f: {  	_ =	shalt  }
0x60: {  	_ =	shalt  }
0x61: {  	_ =	shalt  }
0x62: {  	_ =	shalt  }
0x63: {  	_ =	shalt  }
0x64: {  	_ =	shalt  }
0x65: {  	_ =	shalt  }
0x66: {  	_ =	shalt  }
0x67: {  	_ =	shalt  }
0x68: {  	_ =	shalt  }
0x69: {  	_ =	shalt  }
0x6a: {  	_ =	shalt  }
0x6b: {  	_ =	shalt  }
0x6c: {  	_ =	shalt  }
0x6d: {  	_ =	shalt  }
0x6e: {  	_ =	shalt  }
0x6f: {  	_ =	shalt  }
0x70: {  	_ =	shalt  }
0x71: {  	_ =	shalt  }
0x72: {  	_ =	shalt  }
0x73: {  	_ =	shalt  }
0x74: {  	_ =	shalt  }
0x75: {  	_ =	shalt  }
0x76: {  	_ =	shalt  }
0x77: {  	_ =	shalt  }
0x78: {  	_ =	shalt  }
0x79: {  	_ =	shalt  }
0x7a: {  	_ =	shalt  }
0x7b: {  	_ =	shalt  }
0x7c: {  	_ =	shalt  }
0x7d: {  	_ =	shalt  }
0x7e: {  	_ =	shalt  }
0x7f: {  	_ =	shalt  }
0x80: {  	_ =	shalt  }
0x81: {  	_ =	shalt  }
0x82: {  	_ =	shalt  }
0x83: {  	_ =	shalt  }
0x84: {  	_ =	shalt  }
0x85: {  	_ =	shalt  }
0x86: {  	_ =	shalt  }
0x87: {  	_ =	shalt  }
.Lfunc_end0:
.L_simem_size_0:
called_computation.3_lowered:
.L_overlay_start_0:
0x88: {  	s2 =	sld [smem:$0x3FD9]  }
0x89: {  	s3 =	sld [smem:$0x3FFE];
	_ =	sdelay $0x1  }
0x8a: {  	s1 =	srdreg.scid  }
0x8b: {  	s0 =	sand.u32 $0x1, s1  }
0x8c: {  	s16 =	sshll.u32 s0, $0xA;
	s2 =	sadd.s32 s3, s2  }
0x8d: {  	s2 =	sadd.s32 s2, s16  }
0x8e: {  	[smem:$0x3FBE] =	sst s2  }
0x8f: {  	_ = 	snop  }
0x90: {  	(tm) =	ssettm $0x1  }
0x91: {  	s17 =	sld [smem:$0x3FFB];
	_ =	sdelay $0x3  }
0x92: {  	_ =	strace s17  }
0x93: {  	s2 =	sld [smem:$0x3FFC];
	_ =	sdelay $0x3  }
0x94: {  	_ =	strace s2  }
0x95: {  	s2 =	sld [smem:$0x3FFD];
	_ =	sdelay $0x3  }
0x96: {  	_ =	strace s2  }
0x97: {  	_ =	strace $0x8FFFFFFF  }
0x98: {  	s18 =	sld [smem:$0x3FDB];
	_ =	sdelay $0x1  }
0x99: {  	s19 =	simm.s32 $_scs_section_size  }
0x9a: {  	s4 =	simm.s32 $_size__tile_overlayer_lowered;
	s5 =	simm.s32 $_tile_overlayer_lowered  }
0x9b: {  	s22 =	simm.s32 $0x1BFF;
	s21 =	sshll.u32 s5, $0x1;
	s2 =	sadd.s32 s19, s18  }
0x9c: {  	s6 =	simm.s32 $0x0;
	s20 =	sshll.u32 s4, $0x1;
	s4 =	sadd.s32 s21, s2  }
0x9d: {  	[timem:s6], [sflag:s22] =	dma.local [hbm:s4], s20  }
0x9e: {  	_ =	swait.ge [sflag:s22], s20  }
0x9f: {  	s3 =	ssub.s32 $0x0, s20;
	[sflag:s22] =	ssyncset.done $0x0  }
0xa0: {  	[sflag:s22] =	ssyncadd.s32 s3;
	_ =	sdelay $0x1  }
0xa1: {  	s23 =	simm.s32 $0x1B8B  }
0xa2: {  	_ =	swait.ge [sflag:s23], $0x1  }
0xa3: {  	[sflag:s23] =	ssyncset.done $0x0  }
0xa4: {  	s25 =	simm.s32 $0x1B8E;
	s24 =	sld [smem:$0x3FFE];
	[sflag:s23] =	ssyncadd.s32 $0xFFFFFFFF  }
0xa5: {  	s26 =	simm.s32 $execute0_lowered;
	[smem:$0x3FD2] =	sst s25  }
0xa6: {  	s4 =	sshll.u32 s26, $0x1;
	_ =	strace $0x8000004F;
	[dreg:$0x1] =	wrdreg $0xFFFFFFFF  }
0xa7: {  	s28 =	simm.s32 $_size_execute0_lowered;
	s2 =	sadd.s32 s2, s4;
	[dreg:$0x0] =	wrdreg $0x0  }
0xa8: {  	s4 =	sshll.u32 s28, $0x1;
	[dreg:$0x2] =	wrdreg s2  }
0xa9: {  	[dreg:$0x3] =	wrdreg s4  }
0xaa: {  	[dreg:$0x4] =	wrdreg $0xC0  }
0xab: {  	_ =	task [dreg:s6], $0x5FFFF  }
0xac: {  	[dreg:$0x1] =	wrdreg $0xFFFFFFFF  }
0xad: {  	[dreg:$0x0] =	wrdreg $0x60  }
0xae: {  	[dreg:$0x2] =	wrdreg s24  }
0xaf: {  	[dreg:$0x3] =	wrdreg $0x67800  }
0xb0: {  	[dreg:$0x4] =	wrdreg $0x9  }
0xb1: {  	_ =	task.clear_ibuf [dreg:s6], $0x5FFFF;
	_ =	strace $0x9000004F  }
0xb2: {  	s29 =	simm.s32 $0x9;
	_ =	strace $0x80000051  }
0xb3: {  	_ =	swait.ge [sflag:s29], $0x1  }
0xb4: {  	[sflag:s29] =	ssyncadd.s32 $0xFFFFFFFF  }
0xb5: {  	_ =	strace $0x90000051  }
0xb6: {  	_ =	sfence  }
0xb7: {  	s30 =	sld [smem:$0x0];
	_ =	sdelay $0x2  }
0xb8: {  	s31 =	sshll.u32 s1, $0xD;
	s1 =	sshrl.u32 s1, $0x2  }
0xb9: {  	s3 =	sand.u32 $0x4000, s31;
	s1 =	sadd.s32 s1, s30  }
0xba: {  	s0 =	sor.u32 s3, s0;
	s1 =	sshll.u32 s1, $0x11  }
0xbb: {  	s0 =	sor.u32 s1, s0  }
0xbc: {  	s0 =	sadd.s32 $0x8F2B, s0  }
0xbd: {  	[sflag:s0] =	ssyncadd.remote.s32 $0x1  }
0xbe: {  	_ =	sfence.sel $0xFFFF  }
0xbf: {  	[dreg:$0x0] =	wrdreg $0xFFFFFFFF;
	(pc) =	sbr.abs _section_cstart, $3  }
0xc0: {  	[dreg:$0x1] =	wrdreg $0xFFFFFFFF  }
0xc1: {  	_ =	task.clear_ibuf [dreg:s6], $0x2FFFF;
	_ =	strace $0x9FFFFFFF  }
0xc2: {  	(tm) =	ssettm $0x7FFFFFFF  }
0xc3: {  	_ =	shalt  }
tec
execute0_lowered:
.L_overlay_start_1:
0x0: {  	(tag) =	ssettag $0x1  }
0x1: {  	s5 =	rddreg [dreg:$0x0]  }
0x2: {  	s2 =	rddreg [dreg:$0x1]  }
0x3: {  	s0 =	rddreg [dreg:$0x2];
	s3 =	simm.s32 $0x0;
	s1 =	stileid.u32  }
0x4: {  	s4 =	srdreg.scid;
	s16 =	simm.s32 $0x400;
	s17 =	simm.s32 $0x800  }
0x5: {  	s18 =	simm.s32 $0x1780;
	s19 =	simm.s32 $0x3F80;
	s20 =	simm.s32 $0x1  }
0x6: {  	s21 =	simm.s32 $0x50;
	s22 =	simm.s32 $0x3;
	s6 =	smul.u32 $0x1770, s1  }
0x7: {  	s23 =	simm.s32 $0x2;
	[smem:$0x7FF] =	sst s3;
	s7 =	smul.u32 $0x3E800, s1  }
0x8: {  	s4 =	sand.u32 $0x1, s4;
	s12 =	sadd.s32 $0x4F2200, s5;
	s10 =	smul.u32 $0x7D000, s1  }
0x9: {  	s13 =	smul.u32 $0x177000, s1;
	p0 =	sgt.u32 s1, $0x9;
	_ =	strace $0x80000050  }
0xa: {  	s9 =	sshll.u32 s4, $0xA;
	s11 =	ssub.s32 $0x2, s4;
	s4 =	sadd.s32 $0x4EE200, s5  }
0xb: {  	s8 =	sshrl.u32 s6, $0x3;
	s7 =	sor.u32 s9, s7;
	s24 =	sshrl.u32 s11, $0x1  }
0xc: {  	s25 =	sshrl.u32 s10, $0x2;
	s13 =	sor.u32 s9, s13;
	s15 =	sshll.u32 s6, $0x8  }
0xd: {  	s8 =	sadd.s32 s8, s5;
	s7 =	sshrl.u32 s7, $0x3;
	s11 =	ssub.s32 s11, s24  }
0xe: {  	s14 =	sadd.s32 s25, s2;
	s26 =	sshrl.u32 s13, $0x3;
	s28 =	sor.u32 s9, s15  }
0xf: {  	s29 =	sadd.s32 $0x5000, s13;
	s31 =	sadd.s32 $0xF000, s13;
	s13 =	sadd.s32 $0x14000, s13  }
0x10: {  	s15 =	sshll.u32 @!p0 s1, $0x6;
	s24 =	simm.s32 $0x4;
	s25 =	simm.s32 $0x1720  }
0x11: {  	s7 =	sadd.s32 s7, s5;
	s5 =	sadd.s32 $0x7200, s8;
	s6 =	sadd.s32 s12, s26  }
0x12: {  	s30 =	sadd.s32 $0xA000, s28;
	s8 =	smax.u32 s11, $0x1;
	s9 =	sshrl.u32 s29, $0x3  }
0x13: {  	s11 =	sshrl.u32 s31, $0x3;
	s13 =	sshrl.u32 s13, $0x3;
	s14 =	sshrl.u32 @!p0 s14, $0x3  }
0x14: {  	s26 =	simm.s32 $0x0;
	s7 =	sadd.s32 $0x7E0200, s7;
	s10 =	sshrl.u32 s30, $0x3  }
0x15: {  	s9 =	sadd.s32 s12, s9;
	s11 =	sadd.s32 s11, s12;
	s10 =	sadd.s32 s12, s10  }
0x16: {  	s12 =	sadd.s32 s13, s12;
	s13 =	sor.u32 @!p0 $0x1C05, s15;
	s15 =	simm.s32 $0x5  }
.LBB2_1:
0x17: {  	[spmem:s14], [sflag:s13] =	dma.local @!p0 [hbm:s4], $0x3E80  }
0x18: {  	s28 =	simm.s32 @!p0 $0x5  }
0x19: {  	_ =	swait.ge @!p0 [sflag:s28], $0x3E80  }
0x1a: {  	[sflag:s28] =	ssyncset.done @!p0 $0x0  }
0x1b: {  	[sflag:s28] =	ssyncadd.s32 @!p0 $0xFFFFC180  }
0x1c: {  	[tilespmem:s3], [sflag:$0x5] =	stream.linear.gather [hbm4b:s5+s3], $0x1770, $0x38;
	[tilespmem:$0x1A000] =	vst v63  }
0x1d: {  	_ =	swait.ge [sflag:s15], $0x1770  }
0x1e: {  	[sflag:s15] =	ssyncset.done $0x0  }
0x1f: {  	[sflag:s15] =	ssyncadd.s32 $0xFFFFE890  }
0x20: {  	[bflag:$0x0] =	sbarrier.arrive $0xFFFF  }
0x21: {  	[tilespmem:s18], [sflag:$0x1] =	stream.strided.gather [hbm4b:s6+s16], $0x2800, s17, s16, $0x38;
	[tilespmem:$0x1A000] =	vst v63  }
0x22: {  	_ = 	snop  }
0x23: {  	[tilespmem:s19], [sflag:$0x2] =	stream.strided.gather [hbm4b:s9+s16], $0x2800, s17, s16, $0x38;
	[tilespmem:$0x1A000] =	vst v63  }
0x24: {  	_ =	swait.ge [sflag:s20], $0x2800  }
0x25: {  	[sflag:s20] =	ssyncset.done $0x0  }
0x26: {  	[sflag:s20] =	ssyncadd.s32 $0xFFFFD800  }
0x27: {  	[spmem:s2] =	stream.indirect.scatter.add.f32 [tilespmem:s18], [sflag:$0x3], $0x80, s3, s21, $0xb8;
	[tilespmem:$0x1A000] =	vst v63  }
0x28: {  	_ =	swait.ge [sflag:s22], $0x2800  }
0x29: {  	[sflag:s22] =	ssyncset.done $0x0  }
0x2a: {  	[sflag:s22] =	ssyncadd.s32 $0xFFFFD800  }
0x2b: {  	[tilespmem:s18], [sflag:$0x1] =	stream.strided.gather [hbm4b:s10+s16], $0x2800, s17, s16, $0x38;
	[tilespmem:$0x1A000] =	vst v63  }
0x2c: {  	_ =	swait.ge [sflag:s23], $0x2800  }
0x2d: {  	[sflag:s23] =	ssyncset.done $0x0  }
0x2e: {  	[sflag:s23] =	ssyncadd.s32 $0xFFFFD800  }
0x2f: {  	[spmem:s2] =	stream.indirect.scatter.add.f32 [tilespmem:s19], [sflag:$0x4], $0x80, s21, s21, $0xb8;
	[tilespmem:$0x1A000] =	vst v63  }
0x30: {  	_ =	swait.ge [sflag:s24], $0x2800  }
0x31: {  	[sflag:s24] =	ssyncset.done $0x0  }
0x32: {  	s28 =	sadd.s32 $0x0, s11;
	[sflag:s24] =	ssyncadd.s32 $0xFFFFD800  }
0x33: {  	[tilespmem:s19], [sflag:$0x2] =	stream.strided.gather [hbm4b:s28+s16], $0x2800, s17, s16, $0x38;
	[tilespmem:$0x1A000] =	vst v63  }
0x34: {  	_ =	swait.ge [sflag:s20], $0x2800  }
0x35: {  	[sflag:s20] =	ssyncset.done $0x0  }
0x36: {  	s28 =	simm.s32 $0xA0;
	[sflag:s20] =	ssyncadd.s32 $0xFFFFD800  }
0x37: {  	[spmem:s2] =	stream.indirect.scatter.add.f32 [tilespmem:s18], [sflag:$0x3], $0x80, s28, s21, $0xb8;
	[tilespmem:$0x1A000] =	vst v63  }
0x38: {  	_ =	swait.ge [sflag:s22], $0x2800  }
0x39: {  	[sflag:s22] =	ssyncset.done $0x0  }
0x3a: {  	s28 =	sadd.s32 $0x0, s12;
	[sflag:s22] =	ssyncadd.s32 $0xFFFFD800  }
0x3b: {  	[tilespmem:s18], [sflag:$0x1] =	stream.strided.gather [hbm4b:s28+s16], $0x2800, s17, s16, $0x38;
	[tilespmem:$0x1A000] =	vst v63  }
0x3c: {  	_ =	swait.ge [sflag:s23], $0x2800  }
0x3d: {  	s30 =	simm.s32 $0xF0;
	[sflag:s23] =	ssyncset.done $0x0  }
0x3e: {  	s29 =	simm.s32 $0x140;
	s28 =	simm.s32 $0x1400;
	[sflag:s23] =	ssyncadd.s32 $0xFFFFD800  }
.LBB2_2:
0x3f: {  	[spmem:s2] =	stream.indirect.scatter.add.f32 [tilespmem:s19], [sflag:$0x4], $0x80, s30, s21, $0xb8;
	[tilespmem:$0x1A000] =	vst v63  }
0x40: {  	s30 =	smov.u32 s28  }
0x41: {  	p1 =	sne.s32 s28, $0x2BC00;
	s28 =	sadd.s32 $0x1400, s28;
	_ =	swait.ge [sflag:s24], $0x2800  }
0x42: {  	[sflag:s24] =	ssyncset.done $0x0  }
0x43: {  	s31 =	sadd.s32 s30, s11;
	[sflag:s24] =	ssyncadd.s32 $0xFFFFD800  }
0x44: {  	[tilespmem:s19], [sflag:$0x2] =	stream.strided.gather [hbm4b:s31+s16], $0x2800, s17, s16, $0x38;
	[tilespmem:$0x1A000] =	vst v63  }
0x45: {  	_ =	swait.ge [sflag:s20], $0x2800  }
0x46: {  	[sflag:s20] =	ssyncset.done $0x0  }
0x47: {  	[sflag:s20] =	ssyncadd.s32 $0xFFFFD800  }
0x48: {  	[spmem:s2] =	stream.indirect.scatter.add.f32 [tilespmem:s18], [sflag:$0x3], $0x80, s29, s21, $0xb8;
	[tilespmem:$0x1A000] =	vst v63  }
0x49: {  	_ =	swait.ge [sflag:s22], $0x2800  }
0x4a: {  	[sflag:s22] =	ssyncset.done $0x0  }
.Ltmp0:
0x4b: {  	s30 =	sadd.s32 s30, s12;
	[sflag:s22] =	ssyncadd.s32 $0xFFFFD800;
	(pc) =	sbr.rel @p1 .LBB2_2-.Ltmp0, $4  }
0x4c: {  	[tilespmem:s18], [sflag:$0x1] =	stream.strided.gather [hbm4b:s30+s16], $0x2800, s17, s16, $0x38;
	[tilespmem:$0x1A000] =	vst v63  }
0x4d: {  	_ =	swait.ge [sflag:s23], $0x2800  }
0x4e: {  	[sflag:s23] =	ssyncset.done $0x0  }
0x4f: {  	s30 =	sadd.s32 $0x50, s29;
	s29 =	sadd.s32 $0xA0, s29;
	[sflag:s23] =	ssyncadd.s32 $0xFFFFD800  }
0x50: {  	[spmem:s2] =	stream.indirect.scatter.add.f32 [tilespmem:s19], [sflag:$0x4], $0x80, s30, s21, $0xb8;
	[tilespmem:$0x1A000] =	vst v63  }
0x51: {  	_ =	swait.ge [sflag:s24], $0x2800  }
0x52: {  	[sflag:s24] =	ssyncset.done $0x0  }
0x53: {  	[sflag:s24] =	ssyncadd.s32 $0xFFFFD800  }
0x54: {  	_ =	swait.ge [sflag:s20], $0x2800  }
0x55: {  	[sflag:s20] =	ssyncset.done $0x0  }
0x56: {  	[sflag:s20] =	ssyncadd.s32 $0xFFFFD800  }
0x57: {  	[spmem:s2] =	stream.indirect.scatter.add.f32 [tilespmem:s18], [sflag:$0x3], $0x80, s25, s21, $0xb8;
	[tilespmem:$0x1A000] =	vst v63  }
0x58: {  	_ =	swait.ge [sflag:s22], $0x2800  }
0x59: {  	s28 =	simm.s32 @!p0 $0x8;
	[sflag:s22] =	ssyncset.done $0x0  }
0x5a: {  	s29 =	simm.s32 @!p0 $0x100;
	s26 =	sadd.s32 $0x1, s26;
	[sflag:s22] =	ssyncadd.s32 $0xFFFFD800  }
0x5b: {  	s30 =	simm.s32 @!p0 $0x80;
	p1 =	sne.s32 s26, s8;
	[bflag:$0x0] =	sbarrier.arrive $0xFFFF  }
0x5c: {  	[hbm:s7@s29], [sflag:s13] =	dma.strided @!p0 [spmem:s14@s30], $0x3E80, s28, $0x10   }
.Ltmp1:
0x5d: {  	_ = 	snop;
	(pc) =	sbr.rel @p1 .LBB2_1-.Ltmp1, $4  }
0x5e: {  	s28 =	simm.s32 @!p0 $0x5  }
0x5f: {  	_ =	swait.ge @!p0 [sflag:s28], $0x3E80  }
0x60: {  	[sflag:s28] =	ssyncset.done @!p0 $0x0  }
0x61: {  	[sflag:s28] =	ssyncadd.s32 @!p0 $0xFFFFC180  }
0x62: {  	_ =	sfence.sel $0x180000  }
0x63: {  	[bflag:$0x0] =	sbarrier.arrive $0xFFFF  }
0x64: {  	p0 =	sne.s32 s1, $0x0;
	_ =	strace $0x90000050  }
0x65: {  	s0 =	sadd.s32 @!p0 $0x100000, s0;
	[bflag:$0x2] =	sbarrier.arrive $0xFFFF  }
0x66: {  	[sflag:s0] =	ssyncadd.tile.s32 @!p0 $0x1;
	_ =	shalt  }
.Lfunc_end2:
_tile_overlayer_lowered:
.L_overlay_start_2:
0x67: {  	(tag) =	ssettag $0x2  }
0x68: {  	s0 =	rddreg [dreg:$0x0];
	s2 =	stileid.u32  }
0x69: {  	s1 =	rddreg [dreg:$0x1];
	p0 =	sne.s32 s2, $0x0  }
0x6a: {  	s3 =	rddreg [dreg:$0x2];
	[bflag:$0x3] =	sbarrier.arrive $0xFFFF;
	s2 =	simm.s32 @!p0 $0x1C05  }
0x6b: {  	[timem:s3], [sflag:s2] =	dma.local @!p0 [hbm:s0], s1  }
0x6c: {  	s0 =	simm.s32 @!p0 $0x5  }
0x6d: {  	_ =	swait.ge @!p0 [sflag:s0], s1  }
0x6e: {  	s1 =	ssub.s32 @!p0 $0x0, s1;
	[sflag:s0] =	ssyncset.done @!p0 $0x0  }
0x6f: {  	[sflag:s0] =	ssyncadd.s32 @!p0 s1  }
0x70: {  	[bflag:$0x3] =	sbarrier.arrive $0xFFFF  }
0x71: {  	_ =	shalt  }

// kernel: kernel.27.cloned.1.call-start
scs
__scs_entry_jumppad:
0x0: {  	(pc) =	sbr.rel $0x88, $3  }
0x1: {  	(tag) =	ssettag $0x0;
	lr =	simm.s32 $0x1  }
0x2: {  	[smem:$0x3F97] =	sst lr;
	_ =	strace $0xD0000000  }
0x3: {  	_ = 	snop  }
0x4: {  	_ = 	snop  }
0x5: {  	_ = 	snop  }
0x6: {  	_ = 	snop  }
0x7: {  	_ = 	snop  }
__scs_overlays_trampoline_lowered:
0x8: {  	[smem:$0x3FA6] =	sst s0  }
0x9: {  	[smem:$0x3FA7] =	sst s1  }
0xa: {  	[smem:$0x3FA8] =	sst s2  }
0xb: {  	[smem:$0x3FA9] =	sst s3  }
0xc: {  	[smem:$0x3FAA] =	sst s4  }
0xd: {  	[smem:$0x3FAB] =	sst s5  }
0xe: {  	[smem:$0x3FAC] =	sst s6  }
0xf: {  	[smem:$0x3FAD] =	sst s7  }
0x10: {  	[smem:$0x3FAE] =	sst s8  }
0x11: {  	[smem:$0x3FAF] =	sst s9;
	s0 =	simm.s32 @!p0 $0x0  }
0x12: {  	s1 =	sld [smem:$0x3F95];
	s0 =	simm.s32 @p0 $0x1  }
0x13: {  	[smem:$0x3FB0] =	sst s0;
	s0 =	simm.s32 @!p1 $0x0  }
0x14: {  	s2 =	sld [smem:$0x3F94];
	s0 =	simm.s32 @p1 $0x1  }
0x15: {  	[smem:$0x3FB1] =	sst s0;
	s0 =	simm.s32 @!p2 $0x0  }
0x16: {  	s3 =	sld [smem:$0x3FDB];
	s0 =	simm.s32 @p2 $0x1  }
0x17: {  	s4 =	simm.s32 $0x1BF5;
	[smem:$0x3FB3] =	sst s0  }
0x18: {  	s0 =	sld [smem:$0x3F96];
	_ =	swait.ge [sflag:s4], $0x0  }
0x19: {  	s7 =	sld [smem:$0x3F97]  }
0x1a: {  	s8 =	sadd.s32 $0xFFFFE003, lr  }
0x1b: {  	s9 =	sadd.s32 $0xFFFFFEF7, lr;
	s5 =	simm.s32 $0xFFFFFFFF;
	p2 =	slt.u32 s8, $0xFFFFF086  }
0x1c: {  	p1 =	slt.u32 s9, $0xF7A;
	s5 =	simm.s32 @!p2 $0x0  }
0x1d: {  	s5 =	simm.s32 @p1 $0x1;
	p0 =	seq.s32 s7, s2  }
0x1e: {  	s7 =	smul.u32 @!p0 $0xF7A, s2;
	p2 =	seq.s32 @!p0 s5, $0x0  }
0x1f: {  	s9 =	smul.u32 $0xF7A, s1;
	s8 =	simm.s32 @!p0 $0x1BF5;
	p2 =	por !p2, p0  }
0x20: {  	[sflag:s8] =	ssyncset.s32 @!p0 $0xFFFFF086;
	s6 =	sadd.s32 @!p0 s3, s7;
	s7 =	simm.s32 @!p0 $0x108  }
0x21: {  	s3 =	sadd.s32 s3, s9;
	s6 =	sadd.s32 @!p0 $0x88, s6;
	s7 =	simm.s32 @p2 $0x1082  }
0x22: {  	[simem:s7], [sflag:s8] =	dma.local @!p0 [hbm:s6], $0xF7A  }
0x23: {  	s9 =	sor.u32 $0xD0000000, s2;
	s6 =	simm.s32 $0x108;
	_ =	swait.ge @!p0 [sflag:s8], $0x0  }
0x24: {  	s3 =	sadd.s32 $0x88, s3;
	s6 =	simm.s32 @!p1 $0x1082;
	[sflag:s4] =	ssyncset.s32 $0xFFFFF086  }
0x25: {  	[simem:s6], [sflag:s4] =	dma.local [hbm:s3], $0xF7A  }
0x26: {  	[smem:$0x3F97] =	sst s1;
	(tag) =	ssettag s2;
	_ =	strace s9  }
0x27: {  	s1 =	sld [smem:$0x3FA7]  }
0x28: {  	s2 =	sld [smem:$0x3FA8]  }
0x29: {  	s4 =	sld [smem:$0x3FAA]  }
0x2a: {  	p0 =	seq.s32 s5, $0x0;
	s5 =	sld [smem:$0x3FAB]  }
0x2b: {  	s6 =	sld [smem:$0x3FAC]  }
0x2c: {  	s7 =	sld [smem:$0x3FAD]  }
0x2d: {  	s3 =	simm.s32 $0x108;
	s8 =	sld [smem:$0x3FAE]  }
0x2e: {  	s3 =	simm.s32 @!p0 $0x1082;
	s9 =	sld [smem:$0x3FAF]  }
0x2f: {  	lr =	sadd.s32 s0, s3;
	s0 =	sld [smem:$0x3FA6]  }
0x30: {  	s3 =	sld [smem:$0x3FA9]  }
0x31: {  	[smem:$0x3FB2] =	sst s10  }
0x32: {  	s10 =	sld [smem:$0x3FB0];
	_ =	sdelay $0x3  }
0x33: {  	p0 =	seq.s32 s10, $0x1;
	s10 =	sld [smem:$0x3FB2];
	_ =	sdelay $0x3  }
0x34: {  	[smem:$0x3FB2] =	sst s10  }
0x35: {  	s10 =	sld [smem:$0x3FB1];
	_ =	sdelay $0x3  }
0x36: {  	p1 =	seq.s32 s10, $0x1;
	s10 =	sld [smem:$0x3FB2];
	_ =	sdelay $0x3  }
0x37: {  	[smem:$0x3FB2] =	sst s10  }
0x38: {  	s10 =	sld [smem:$0x3FB3]  }
0x39: {  	_ = 	snop;
	(pc) =	sbr.ind lr, $3  }
0x3a: {  	_ = 	snop  }
0x3b: {  	_ = 	snop  }
0x3c: {  	p2 =	seq.s32 s10, $0x1;
	s10 =	sld [smem:$0x3FB2]  }
0x3d: {  	_ =	shalt  }
0x3e: {  	_ =	shalt  }
0x3f: {  	_ =	shalt  }
0x40: {  	_ =	shalt  }
0x41: {  	_ =	shalt  }
0x42: {  	_ =	shalt  }
0x43: {  	_ =	shalt  }
0x44: {  	_ =	shalt  }
0x45: {  	_ =	shalt  }
0x46: {  	_ =	shalt  }
0x47: {  	_ =	shalt  }
0x48: {  	_ =	shalt  }
0x49: {  	_ =	shalt  }
0x4a: {  	_ =	shalt  }
0x4b: {  	_ =	shalt  }
0x4c: {  	_ =	shalt  }
0x4d: {  	_ =	shalt  }
0x4e: {  	_ =	shalt  }
0x4f: {  	_ =	shalt  }
0x50: {  	_ =	shalt  }
0x51: {  	_ =	shalt  }
0x52: {  	_ =	shalt  }
0x53: {  	_ =	shalt  }
0x54: {  	_ =	shalt  }
0x55: {  	_ =	shalt  }
0x56: {  	_ =	shalt  }
0x57: {  	_ =	shalt  }
0x58: {  	_ =	shalt  }
0x59: {  	_ =	shalt  }
0x5a: {  	_ =	shalt  }
0x5b: {  	_ =	shalt  }
0x5c: {  	_ =	shalt  }
0x5d: {  	_ =	shalt  }
0x5e: {  	_ =	shalt  }
0x5f: {  	_ =	shalt  }
0x60: {  	_ =	shalt  }
0x61: {  	_ =	shalt  }
0x62: {  	_ =	shalt  }
0x63: {  	_ =	shalt  }
0x64: {  	_ =	shalt  }
0x65: {  	_ =	shalt  }
0x66: {  	_ =	shalt  }
0x67: {  	_ =	shalt  }
0x68: {  	_ =	shalt  }
0x69: {  	_ =	shalt  }
0x6a: {  	_ =	shalt  }
0x6b: {  	_ =	shalt  }
0x6c: {  	_ =	shalt  }
0x6d: {  	_ =	shalt  }
0x6e: {  	_ =	shalt  }
0x6f: {  	_ =	shalt  }
0x70: {  	_ =	shalt  }
0x71: {  	_ =	shalt  }
0x72: {  	_ =	shalt  }
0x73: {  	_ =	shalt  }
0x74: {  	_ =	shalt  }
0x75: {  	_ =	shalt  }
0x76: {  	_ =	shalt  }
0x77: {  	_ =	shalt  }
0x78: {  	_ =	shalt  }
0x79: {  	_ =	shalt  }
0x7a: {  	_ =	shalt  }
0x7b: {  	_ =	shalt  }
0x7c: {  	_ =	shalt  }
0x7d: {  	_ =	shalt  }
0x7e: {  	_ =	shalt  }
0x7f: {  	_ =	shalt  }
0x80: {  	_ =	shalt  }
0x81: {  	_ =	shalt  }
0x82: {  	_ =	shalt  }
0x83: {  	_ =	shalt  }
0x84: {  	_ =	shalt  }
0x85: {  	_ =	shalt  }
0x86: {  	_ =	shalt  }
0x87: {  	_ =	shalt  }
.Lfunc_end0:
.L_simem_size_0:
called_computation.4_lowered:
.L_overlay_start_0:
0x88: {  	s2 =	sld [smem:$0x3FD9]  }
0x89: {  	s3 =	sld [smem:$0x3FFE];
	_ =	sdelay $0x1  }
0x8a: {  	s1 =	srdreg.scid  }
0x8b: {  	s0 =	sand.u32 $0x1, s1  }
0x8c: {  	s14 =	sshll.u32 s0, $0xA;
	s2 =	sadd.s32 s3, s2  }
0x8d: {  	s2 =	sadd.s32 s2, s14  }
0x8e: {  	[smem:$0x3FBE] =	sst s2  }
0x8f: {  	_ = 	snop  }
0x90: {  	s2 =	sld [smem:$0x3FD0];
	_ =	sdelay $0x2  }
0x91: {  	s15 =	simm.s32 $0xA;
	s4 =	simm.s32 $0x10  }
0x92: {  	[smem:s4], [sflag:s15] =	dma.local [hbm:s2], $0x1  }
0x93: {  	_ =	swait.eq [sflag:s15], $0x1  }
0x94: {  	[sflag:s15] =	ssyncset.done $0x0  }
0x95: {  	[sflag:s15] =	ssyncadd.s32 $0xFFFFFFFF  }
0x96: {  	s16 =	sld [smem:$0x11];
	(tm) =	ssettm $0x1  }
0x97: {  	s17 =	sld [smem:$0x3FFB];
	_ =	sdelay $0x3  }
0x98: {  	_ =	strace s17  }
0x99: {  	s3 =	sld [smem:$0x3FFC];
	_ =	sdelay $0x3  }
0x9a: {  	_ =	strace s3  }
0x9b: {  	s3 =	sld [smem:$0x3FFD];
	_ =	sdelay $0x3  }
0x9c: {  	_ =	strace s3  }
0x9d: {  	_ =	strace $0x8FFFFFFF  }
0x9e: {  	s18 =	sld [smem:$0x3FDB];
	_ =	sdelay $0x1  }
0x9f: {  	s19 =	simm.s32 $_scs_section_size  }
0xa0: {  	s5 =	simm.s32 $_size__tile_overlayer_lowered;
	s6 =	simm.s32 $_tile_overlayer_lowered  }
0xa1: {  	s22 =	simm.s32 $0x1BFF;
	s21 =	sshll.u32 s6, $0x1;
	s3 =	sadd.s32 s19, s18  }
0xa2: {  	s7 =	simm.s32 $0x0;
	s20 =	sshll.u32 s5, $0x1;
	s5 =	sadd.s32 s21, s3  }
0xa3: {  	[timem:s7], [sflag:s22] =	dma.local [hbm:s5], s20  }
0xa4: {  	_ =	swait.ge [sflag:s22], s20  }
0xa5: {  	s4 =	ssub.s32 $0x0, s20;
	[sflag:s22] =	ssyncset.done $0x0  }
0xa6: {  	[sflag:s22] =	ssyncadd.s32 s4;
	_ =	sdelay $0x1  }
0xa7: {  	s23 =	simm.s32 $0x1B8B  }
0xa8: {  	_ =	swait.ge [sflag:s23], $0x1  }
0xa9: {  	[sflag:s23] =	ssyncset.done $0x0  }
0xaa: {  	s25 =	simm.s32 $0x1B8E;
	s24 =	sld [smem:$0x3FFE];
	[sflag:s23] =	ssyncadd.s32 $0xFFFFFFFF  }
0xab: {  	s26 =	simm.s32 $execute0_lowered;
	[smem:$0x3FD2] =	sst s25  }
0xac: {  	s5 =	sshll.u32 s26, $0x1;
	_ =	strace $0x80000052;
	[dreg:$0x1] =	wrdreg $0xFFFFFFFF  }
0xad: {  	s28 =	simm.s32 $_size_execute0_lowered;
	s3 =	sadd.s32 s3, s5;
	[dreg:$0x0] =	wrdreg $0x0  }
0xae: {  	s5 =	sshll.u32 s28, $0x1;
	[dreg:$0x2] =	wrdreg s3  }
0xaf: {  	[dreg:$0x3] =	wrdreg s5  }
0xb0: {  	[dreg:$0x4] =	wrdreg $0xC0  }
0xb1: {  	_ =	task [dreg:s7], $0x5FFFF  }
0xb2: {  	[dreg:$0x1] =	wrdreg $0xFFFFFFFF  }
0xb3: {  	[dreg:$0x0] =	wrdreg $0x60  }
0xb4: {  	[dreg:$0x2] =	wrdreg s24  }
0xb5: {  	[dreg:$0x3] =	wrdreg s16  }
0xb6: {  	[dreg:$0x4] =	wrdreg $0x60000  }
0xb7: {  	[dreg:$0x5] =	wrdreg $0x9  }
0xb8: {  	_ =	task.clear_ibuf [dreg:s7], $0x6FFFF;
	_ =	strace $0x90000052  }
0xb9: {  	s29 =	simm.s32 $0x9;
	_ =	strace $0x80000054  }
0xba: {  	_ =	swait.ge [sflag:s29], $0x1  }
0xbb: {  	[sflag:s29] =	ssyncadd.s32 $0xFFFFFFFF  }
0xbc: {  	_ =	strace $0x90000054  }
0xbd: {  	_ =	sfence  }
0xbe: {  	s30 =	sld [smem:$0x0];
	_ =	sdelay $0x2  }
0xbf: {  	s31 =	sshll.u32 s1, $0xD;
	s1 =	sshrl.u32 s1, $0x2  }
0xc0: {  	s3 =	sand.u32 $0x4000, s31;
	s1 =	sadd.s32 s1, s30  }
0xc1: {  	s0 =	sor.u32 s3, s0;
	s1 =	sshll.u32 s1, $0x11  }
0xc2: {  	s0 =	sor.u32 s1, s0  }
0xc3: {  	s0 =	sadd.s32 $0x8F2B, s0  }
0xc4: {  	[sflag:s0] =	ssyncadd.remote.s32 $0x1  }
0xc5: {  	_ =	sfence.sel $0xFFFF  }
0xc6: {  	[dreg:$0x0] =	wrdreg $0xFFFFFFFF;
	(pc) =	sbr.abs _section_cstart, $3  }
0xc7: {  	[dreg:$0x1] =	wrdreg $0xFFFFFFFF  }
0xc8: {  	_ =	task.clear_ibuf [dreg:s7], $0x2FFFF;
	_ =	strace $0x9FFFFFFF  }
0xc9: {  	(tm) =	ssettm $0x7FFFFFFF  }
tec
execute0_lowered:
.L_overlay_start_1:
0x0: {  	(tag) =	ssettag $0x1  }
0x1: {  	s4 =	rddreg [dreg:$0x0]  }
0x2: {  	s7 =	rddreg [dreg:$0x1]  }
0x3: {  	s2 =	rddreg [dreg:$0x2];
	s3 =	simm.s32 $0x0;
	s5 =	srdreg.scid  }
0x4: {  	s1 =	stileid.u32;
	s17 =	simm.s32 $0x400;
	s18 =	simm.s32 $0x800  }
0x5: {  	s19 =	simm.s32 $0x1000;
	s20 =	simm.s32 $0x3800;
	s6 =	smul.u32 $0x3E800, s1  }
0x6: {  	s28 =	simm.s32 $0x0;
	[smem:$0x7FF] =	sst s3;
	s8 =	smul.u32 $0x7D000, s1  }
0x7: {  	s5 =	sand.u32 $0x1, s5;
	s13 =	sadd.s32 $0xC45200, s4;
	s11 =	smul.u32 $0xFA0, s1  }
0x8: {  	s14 =	smul.u32 $0xFA000, s1;
	p0 =	sgt.u32 s1, $0x9;
	_ =	strace $0x80000053  }
0x9: {  	s9 =	sshll.u32 s5, $0xA;
	s5 =	ssub.s32 $0x2, s5;
	s16 =	sshll.u32 @!p0 s1, $0x6  }
0xa: {  	s6 =	sor.u32 s9, s6;
	s12 =	sshrl.u32 s5, $0x1;
	s21 =	sshrl.u32 s8, $0x2  }
0xb: {  	s22 =	sshrl.u32 s11, $0x3;
	s14 =	sor.u32 s9, s14;
	s11 =	sshll.u32 s11, $0x8  }
0xc: {  	s10 =	sshrl.u32 s6, $0x3;
	s12 =	ssub.s32 s5, s12;
	s15 =	sadd.s32 s21, s2  }
0xd: {  	s23 =	sadd.s32 s4, s22;
	s24 =	sshrl.u32 s14, $0x3;
	s25 =	sadd.s32 $0x5000, s14  }
0xe: {  	s9 =	sor.u32 s9, s11;
	s26 =	sadd.s32 $0xF5000, s14;
	s31 =	sadd.s32 $0x14000, s14  }
0xf: {  	s14 =	sadd.s32 $0xF000, s14;
	s21 =	simm.s32 $0x1;
	s22 =	simm.s32 $0x50  }
0x10: {  	s6 =	sadd.s32 s10, s4;
	s5 =	sadd.s32 $0xA0E0, s23;
	s7 =	sadd.s32 s7, s10  }
0x11: {  	s8 =	smax.u32 s12, $0x1;
	s10 =	sshrl.u32 s25, $0x3;
	s11 =	sadd.s32 $0xA000, s9  }
0x12: {  	s30 =	sshrl.u32 s26, $0x3;
	s12 =	sshrl.u32 s31, $0x3;
	s14 =	sshrl.u32 s14, $0x3  }
0x13: {  	s15 =	sshrl.u32 @!p0 s15, $0x3;
	s23 =	simm.s32 $0x3;
	s25 =	simm.s32 $0x4  }
0x14: {  	s26 =	simm.s32 $0xF50;
	s4 =	sadd.s32 $0x7E0200, s6;
	s6 =	sadd.s32 s13, s24  }
0x15: {  	s9 =	sadd.s32 s13, s10;
	s29 =	sshrl.u32 s11, $0x3;
	s11 =	sadd.s32 s13, s30  }
0x16: {  	s12 =	sadd.s32 s12, s13;
	s24 =	simm.s32 $0x2;
	s10 =	sadd.s32 s13, s29  }
0x17: {  	s13 =	sadd.s32 s14, s13;
	s14 =	sor.u32 @!p0 $0x1C05, s16;
	s16 =	simm.s32 $0x5  }
.LBB2_1:
0x18: {  	s29 =	simm.s32 @!p0 $0x8;
	s30 =	simm.s32 @!p0 $0x80;
	s31 =	simm.s32 @!p0 $0x100  }
0x19: {  	[spmem:s15@s30], [sflag:s14] =	dma.strided @!p0 [hbm:s4@s31], $0x3E80, s29, $0x10   }
0x1a: {  	s29 =	simm.s32 @!p0 $0x5  }
0x1b: {  	_ =	swait.ge @!p0 [sflag:s29], $0x3E80  }
0x1c: {  	[sflag:s29] =	ssyncset.done @!p0 $0x0  }
0x1d: {  	[sflag:s29] =	ssyncadd.s32 @!p0 $0xFFFFC180  }
0x1e: {  	[tilespmem:s3], [sflag:$0x5] =	stream.linear.gather [hbm4b:s5+s3], $0xFA0, $0x38;
	[tilespmem:$0x19880] =	vst v63  }
0x1f: {  	_ =	swait.ge [sflag:s16], $0xFA0  }
0x20: {  	[sflag:s16] =	ssyncset.done $0x0  }
0x21: {  	[sflag:s16] =	ssyncadd.s32 $0xFFFFF060  }
0x22: {  	[bflag:$0x0] =	sbarrier.arrive $0xFFFF  }
0x23: {  	[tilespmem:s19], [sflag:$0x1] =	stream.strided.gather [hbm4b:s6+s17], $0x2800, s18, s17, $0x38;
	[tilespmem:$0x19880] =	vst v63  }
0x24: {  	_ = 	snop  }
0x25: {  	[tilespmem:s20], [sflag:$0x2] =	stream.strided.gather [hbm4b:s9+s17], $0x2800, s18, s17, $0x38;
	[tilespmem:$0x19880] =	vst v63  }
0x26: {  	_ =	swait.ge [sflag:s21], $0x2800  }
0x27: {  	[sflag:s21] =	ssyncset.done $0x0  }
0x28: {  	[sflag:s21] =	ssyncadd.s32 $0xFFFFD800  }
0x29: {  	[spmem:s2] =	stream.indirect.scatter.add.f32 [tilespmem:s19], [sflag:$0x3], $0x80, s3, s22, $0xb8;
	[tilespmem:$0x19880] =	vst v63  }
0x2a: {  	_ =	swait.ge [sflag:s23], $0x2800  }
0x2b: {  	[sflag:s23] =	ssyncset.done $0x0  }
0x2c: {  	[sflag:s23] =	ssyncadd.s32 $0xFFFFD800  }
0x2d: {  	[tilespmem:s19], [sflag:$0x1] =	stream.strided.gather [hbm4b:s10+s17], $0x2800, s18, s17, $0x38;
	[tilespmem:$0x19880] =	vst v63  }
0x2e: {  	_ =	swait.ge [sflag:s24], $0x2800  }
0x2f: {  	[sflag:s24] =	ssyncset.done $0x0  }
0x30: {  	[sflag:s24] =	ssyncadd.s32 $0xFFFFD800  }
0x31: {  	[spmem:s2] =	stream.indirect.scatter.add.f32 [tilespmem:s20], [sflag:$0x4], $0x80, s22, s22, $0xb8;
	[tilespmem:$0x19880] =	vst v63  }
0x32: {  	_ =	swait.ge [sflag:s25], $0x2800  }
0x33: {  	[sflag:s25] =	ssyncset.done $0x0  }
0x34: {  	s29 =	sadd.s32 $0x0, s13;
	[sflag:s25] =	ssyncadd.s32 $0xFFFFD800  }
0x35: {  	[tilespmem:s20], [sflag:$0x2] =	stream.strided.gather [hbm4b:s29+s17], $0x2800, s18, s17, $0x38;
	[tilespmem:$0x19880] =	vst v63  }
0x36: {  	_ =	swait.ge [sflag:s21], $0x2800  }
0x37: {  	[sflag:s21] =	ssyncset.done $0x0  }
0x38: {  	s29 =	simm.s32 $0xA0;
	[sflag:s21] =	ssyncadd.s32 $0xFFFFD800  }
0x39: {  	[spmem:s2] =	stream.indirect.scatter.add.f32 [tilespmem:s19], [sflag:$0x3], $0x80, s29, s22, $0xb8;
	[tilespmem:$0x19880] =	vst v63  }
0x3a: {  	_ =	swait.ge [sflag:s23], $0x2800  }
0x3b: {  	[sflag:s23] =	ssyncset.done $0x0  }
0x3c: {  	s29 =	sadd.s32 $0x0, s12;
	[sflag:s23] =	ssyncadd.s32 $0xFFFFD800  }
0x3d: {  	[tilespmem:s19], [sflag:$0x1] =	stream.strided.gather [hbm4b:s29+s17], $0x2800, s18, s17, $0x38;
	[tilespmem:$0x19880] =	vst v63  }
0x3e: {  	_ =	swait.ge [sflag:s24], $0x2800  }
0x3f: {  	s30 =	simm.s32 $0x1400;
	[sflag:s24] =	ssyncset.done $0x0  }
0x40: {  	s31 =	simm.s32 $0xF0;
	s29 =	simm.s32 $0x140;
	[sflag:s24] =	ssyncadd.s32 $0xFFFFD800  }
.LBB2_2:
0x41: {  	[spmem:s2] =	stream.indirect.scatter.add.f32 [tilespmem:s20], [sflag:$0x4], $0x80, s31, s22, $0xb8;
	[tilespmem:$0x19880] =	vst v63  }
0x42: {  	s31 =	smov.u32 s30  }
0x43: {  	p1 =	sne.s32 s30, $0x1B800;
	s30 =	sadd.s32 $0x1400, s30;
	_ =	swait.ge [sflag:s25], $0x2800  }
0x44: {  	[sflag:s25] =	ssyncset.done $0x0  }
0x45: {  	s0 =	sadd.s32 s31, s13;
	[sflag:s25] =	ssyncadd.s32 $0xFFFFD800  }
0x46: {  	[tilespmem:s20], [sflag:$0x2] =	stream.strided.gather [hbm4b:s0+s17], $0x2800, s18, s17, $0x38;
	[tilespmem:$0x19880] =	vst v63  }
0x47: {  	_ =	swait.ge [sflag:s21], $0x2800  }
0x48: {  	[sflag:s21] =	ssyncset.done $0x0  }
0x49: {  	[sflag:s21] =	ssyncadd.s32 $0xFFFFD800  }
0x4a: {  	[spmem:s2] =	stream.indirect.scatter.add.f32 [tilespmem:s19], [sflag:$0x3], $0x80, s29, s22, $0xb8;
	[tilespmem:$0x19880] =	vst v63  }
0x4b: {  	_ =	swait.ge [sflag:s23], $0x2800  }
0x4c: {  	[sflag:s23] =	ssyncset.done $0x0  }
.Ltmp0:
0x4d: {  	s0 =	sadd.s32 s31, s12;
	[sflag:s23] =	ssyncadd.s32 $0xFFFFD800;
	(pc) =	sbr.rel @p1 .LBB2_2-.Ltmp0, $4  }
0x4e: {  	[tilespmem:s19], [sflag:$0x1] =	stream.strided.gather [hbm4b:s0+s17], $0x2800, s18, s17, $0x38;
	[tilespmem:$0x19880] =	vst v63  }
0x4f: {  	_ =	swait.ge [sflag:s24], $0x2800  }
0x50: {  	[sflag:s24] =	ssyncset.done $0x0  }
0x51: {  	s31 =	sadd.s32 $0x50, s29;
	s29 =	sadd.s32 $0xA0, s29;
	[sflag:s24] =	ssyncadd.s32 $0xFFFFD800  }
0x52: {  	[spmem:s2] =	stream.indirect.scatter.add.f32 [tilespmem:s20], [sflag:$0x4], $0x80, s31, s22, $0xb8;
	[tilespmem:$0x19880] =	vst v63  }
0x53: {  	_ =	swait.ge [sflag:s25], $0x2800  }
0x54: {  	[sflag:s25] =	ssyncset.done $0x0  }
0x55: {  	[sflag:s25] =	ssyncadd.s32 $0xFFFFD800  }
0x56: {  	[tilespmem:s20], [sflag:$0x2] =	stream.strided.gather [hbm4b:s11+s17], $0x2800, s18, s17, $0x38;
	[tilespmem:$0x19880] =	vst v63  }
0x57: {  	_ =	swait.ge [sflag:s21], $0x2800  }
0x58: {  	[sflag:s21] =	ssyncset.done $0x0  }
0x59: {  	[sflag:s21] =	ssyncadd.s32 $0xFFFFD800  }
0x5a: {  	[spmem:s2] =	stream.indirect.scatter.add.f32 [tilespmem:s19], [sflag:$0x3], $0x80, s29, s22, $0xb8;
	[tilespmem:$0x19880] =	vst v63  }
0x5b: {  	_ =	swait.ge [sflag:s23], $0x2800  }
0x5c: {  	[sflag:s23] =	ssyncset.done $0x0  }
0x5d: {  	[sflag:s23] =	ssyncadd.s32 $0xFFFFD800  }
0x5e: {  	_ =	swait.ge [sflag:s24], $0x2800  }
0x5f: {  	[sflag:s24] =	ssyncset.done $0x0  }
0x60: {  	[sflag:s24] =	ssyncadd.s32 $0xFFFFD800  }
0x61: {  	[spmem:s2] =	stream.indirect.scatter.add.f32 [tilespmem:s20], [sflag:$0x4], $0x80, s26, s22, $0xb8;
	[tilespmem:$0x19880] =	vst v63  }
0x62: {  	_ =	swait.ge [sflag:s25], $0x2800  }
0x63: {  	s0 =	simm.s32 @!p0 $0x8;
	[sflag:s25] =	ssyncset.done $0x0  }
0x64: {  	s30 =	simm.s32 @!p0 $0x80;
	s28 =	sadd.s32 $0x1, s28;
	[sflag:s25] =	ssyncadd.s32 $0xFFFFD800  }
0x65: {  	p1 =	sne.s32 s28, s8;
	s29 =	simm.s32 @!p0 $0x100;
	[bflag:$0x0] =	sbarrier.arrive $0xFFFF  }
0x66: {  	[hbm:s7@s29], [sflag:s14] =	dma.strided @!p0 [spmem:s15@s30], $0x3E80, s0, $0x10   }
.Ltmp1:
0x67: {  	_ = 	snop;
	(pc) =	sbr.rel @p1 .LBB2_1-.Ltmp1, $4  }
0x68: {  	s0 =	simm.s32 @!p0 $0x5  }
0x69: {  	_ =	swait.ge @!p0 [sflag:s0], $0x3E80  }
0x6a: {  	[sflag:s0] =	ssyncset.done @!p0 $0x0  }
0x6b: {  	[sflag:s0] =	ssyncadd.s32 @!p0 $0xFFFFC180  }
0x6c: {  	_ =	sfence.sel $0x180000  }
0x6d: {  	[bflag:$0x0] =	sbarrier.arrive $0xFFFF  }
0x6e: {  	_ =	strace $0x90000053  }
0x6f: {  	[bflag:$0x2] =	sbarrier.arrive $0xFFFF  }
0x70: {  	p0 =	sne.s32 s1, $0x0;
	s0 =	rddreg [dreg:$0x3]  }
0x71: {  	s0 =	sadd.s32 @!p0 $0x100000, s0  }
0x72: {  	[sflag:s0] =	ssyncadd.tile.s32 @!p0 $0x1;
	_ =	shalt  }
.Lfunc_end2:
_tile_overlayer_lowered:
.L_overlay_start_2:
0x73: {  	(tag) =	ssettag $0x2  }
0x74: {  	s0 =	rddreg [dreg:$0x0];
	s2 =	stileid.u32  }
0x75: {  	s1 =	rddreg [dreg:$0x1];
	p0 =	sne.s32 s2, $0x0  }
0x76: {  	s3 =	rddreg [dreg:$0x2];
	[bflag:$0x3] =	sbarrier.arrive $0xFFFF;
	s2 =	simm.s32 @!p0 $0x1C05  }
0x77: {  	[timem:s3], [sflag:s2] =	dma.local @!p0 [hbm:s0], s1  }
0x78: {  	s0 =	simm.s32 @!p0 $0x5  }
0x79: {  	_ =	swait.ge @!p0 [sflag:s0], s1  }
0x7a: {  	s1 =	ssub.s32 @!p0 $0x0, s1;
	[sflag:s0] =	ssyncset.done @!p0 $0x0  }
0x7b: {  	[sflag:s0] =	ssyncadd.s32 @!p0 s1  }
0x7c: {  	[bflag:$0x3] =	sbarrier.arrive $0xFFFF  }
0x7d: {  	_ =	shalt  }

</sc_bundles>
